<compile_context>
chip_gen: v7x
topology: tpu7x:2x2x1
jax: 0.10.2.dev20260603
libtpu: 0.0.44.dev20260713+nightly
codegen_flags: <defaults>
</compile_context>

<pallas_src>
import dataclasses
import functools

import jax
import jax.numpy as jnp
from jax import lax
from jax.experimental import pallas as pl
from jax.experimental.pallas import tpu as pltpu
from jax.experimental.pallas import tpu_sc as plsc

N = 10000
E = 320000
F = 128
H1 = 10
R = 4

NW = 32
CH = 128
EPW = 10112
EP = NW * EPW
NCHUNK = EPW // CH
NP = 10240
TP = 40960

_f32 = jnp.float32
_i32 = jnp.int32



def _mm_body(x_ref, w_ref, o_ref):
    o_ref[...] = lax.dot_general(
        x_ref[...], w_ref[...], (((1,), (0,)), ((), ())),
        precision=lax.Precision.HIGHEST)


def _node_body(p_ref, cb_ref, w2_ref, o_ref):
    s = p_ref[0] + p_ref[1]
    cb = cb_ref[...]
    e1v, b1v, gam, bet = cb[0:1], cb[1:2], cb[2:3], cb[3:4]
    den = s[:, 10:11]
    sa = s[:, 11:12]
    out1 = (s + sa * e1v) / (den + 1e-16) + b1v
    v = out1[0:N]
    mu = jnp.mean(v, axis=0, keepdims=True)
    var = jnp.mean((v - mu) ** 2, axis=0, keepdims=True)
    h = (v - mu) / jnp.sqrt(var + 1e-5) * gam + bet
    h = jnp.where(h > 0.0, h, jnp.exp(h) - 1.0)
    o_ref[...] = lax.dot_general(
        h, w2_ref[...], (((1,), (0,)), ((), ())),
        precision=lax.Precision.HIGHEST)


def _resid_body(d_ref, fr_ref, b2_ref, o_ref):
    den = d_ref[0:1] + d_ref[2:3]
    num = d_ref[1:2] + d_ref[3:4]
    y = num / (den + 1e-16) + b2_ref[0, 0]
    o_ref[...] = fr_ref[...] - y



_MESH = plsc.VectorSubcoreMesh(core_axis_name="c", subcore_axis_name="s")

_CP = pltpu.CompilerParams()
if "needs_layout_passes" in pltpu.CompilerParams.__dataclass_fields__:
    _CP = dataclasses.replace(_CP, needs_layout_passes=False,
                              use_tc_tiling_on_sc=False)


@functools.partial(
    pl.kernel,
    mesh=_MESH,
    compiler_params=_CP,
    out_type=jax.ShapeDtypeStruct((2, NP, 16), _f32),
    scratch_types=[
        pltpu.VMEM((TP,), _f32),
        pltpu.VMEM((TP,), _f32),
        pltpu.VMEM((8,), _f32),
        pltpu.VMEM((4, CH), _i32),
        pltpu.VMEM((CH,), _i32),
        pltpu.VMEM((CH,), _i32),
        pltpu.VMEM((CH,), _f32),
        pltpu.VMEM((CH,), _f32),
        pltpu.VMEM((CH, 16), _f32),
        pltpu.VMEM((NP // 16, 16), _f32),
        pltpu.VMEM_SHARED((NP, 16), _f32),
        pltpu.SemaphoreType.DMA,
    ],
)
def _sc_edge1(edata, q1f, k1f, c1t, m64, out,
              q_tab, k_tab, c_tab, ed, d_idx, j_idx, exb, exab, rows,
              zbuf, num_sh, sem):
    cid = lax.axis_index("c")
    sid = lax.axis_index("s")
    w = sid * 2 + cid

    cp1 = pltpu.async_copy(q1f, q_tab, sem)
    cp2 = pltpu.async_copy(k1f, k_tab, sem)
    cp3 = pltpu.async_copy(c1t, c_tab, sem)

    zrow = jnp.zeros((16,), _f32)

    @pl.loop(0, NP // 16)
    def _(i):
        zbuf[i] = zrow

    pltpu.sync_copy(zbuf, num_sh.at[pl.ds(sid * (NP // 16), NP // 16)])
    cp1.wait()
    cp2.wait()
    cp3.wait()
    plsc.subcore_barrier()

    lanes = lax.iota(_i32, 16)
    base0 = w * EPW

    @pl.loop(0, NCHUNK)
    def _(c):
        base = base0 + c * CH
        pltpu.sync_copy(edata.at[:, pl.ds(base, CH)], ed)
        for i in range(CH // 16):
            sl = pl.ds(i * 16, 16)
            s = ed[0, sl]
            d = ed[1, sl]
            t = ed[2, sl]
            ab = plsc.bitcast(ed[3, sl], _f32)
            jq = d * R + t
            jk = s * R + t
            qv = plsc.load_gather(q_tab, [jq])
            kv = plsc.load_gather(k_tab, [jk])
            cv = plsc.load_gather(c_tab, [t])
            z = qv + kv + ab * cv
            z = jnp.where(z >= 0.0, z, 0.2 * z)
            ex = jnp.exp(z)
            j_idx[sl] = jk
            d_idx[sl] = d
            exb[sl] = ex
            exab[sl] = ex * ab
        pltpu.sync_copy(m64.at[j_idx], rows)

        @pl.loop(0, CH // 16)
        def _(i):
            exv = exb[pl.ds(i * 16, 16)]
            eav = exab[pl.ds(i * 16, 16)]
            for j in range(16):
                e = exv[j]
                ea = eav[j]
                row = rows[i * 16 + j] * e
                row = jnp.where(lanes == 10, e, row)
                row = jnp.where(lanes == 11, ea, row)
                rows[i * 16 + j] = row

        pltpu.sync_copy(rows, num_sh.at[d_idx], add=True)

    plsc.subcore_barrier()

    @pl.when(sid == 0)
    def _():
        pltpu.sync_copy(num_sh, out.at[cid])


@functools.partial(
    pl.kernel,
    mesh=_MESH,
    compiler_params=_CP,
    out_type=jax.ShapeDtypeStruct((2, 2, NP), _f32),
    scratch_types=[
        pltpu.VMEM((TP,), _f32),
        pltpu.VMEM((8,), _f32),
        pltpu.VMEM((8,), _f32),
        pltpu.VMEM((8,), _f32),
        pltpu.VMEM((16,), _f32),
        pltpu.VMEM((4, CH), _i32),
        pltpu.VMEM((CH,), _i32),
        pltpu.VMEM((CH,), _f32),
        pltpu.VMEM((CH,), _f32),
        pltpu.VMEM((NP // 16,), _f32),
        pltpu.VMEM_SHARED((NP,), _f32),
        pltpu.VMEM_SHARED((NP,), _f32),
        pltpu.SemaphoreType.DMA,
    ],
)
def _sc_edge2(edata, x2f, q2v, k2v, c2v, miscv, out,
              x2_tab, q2t, k2t, c2t, misc, ed, d_idx, exb, mb,
              zbuf, den_sh, num_sh, sem):
    cid = lax.axis_index("c")
    sid = lax.axis_index("s")
    w = sid * 2 + cid

    cp1 = pltpu.async_copy(x2f, x2_tab, sem)
    cp2 = pltpu.async_copy(q2v, q2t, sem)
    cp3 = pltpu.async_copy(k2v, k2t, sem)
    cp4 = pltpu.async_copy(c2v, c2t, sem)
    cp5 = pltpu.async_copy(miscv, misc, sem)

    zv = jnp.zeros((16,), _f32)

    @pl.loop(0, NP // 256)
    def _(i):
        zbuf[pl.ds(i * 16, 16)] = zv

    stripe = pl.ds(sid * (NP // 16), NP // 16)
    pltpu.sync_copy(zbuf, den_sh.at[stripe])
    pltpu.sync_copy(zbuf, num_sh.at[stripe])
    cp1.wait()
    cp2.wait()
    cp3.wait()
    cp4.wait()
    cp5.wait()
    plsc.subcore_barrier()

    e2s = misc[pl.ds(0, 16)]
    base0 = w * EPW

    @pl.loop(0, NCHUNK)
    def _(c):
        base = base0 + c * CH
        pltpu.sync_copy(edata.at[:, pl.ds(base, CH)], ed)
        for i in range(CH // 16):
            sl = pl.ds(i * 16, 16)
            s = ed[0, sl]
            d = ed[1, sl]
            t = ed[2, sl]
            ab = plsc.bitcast(ed[3, sl], _f32)
            jq = d * R + t
            jk = s * R + t
            av = plsc.load_gather(x2_tab, [jq])
            bv = plsc.load_gather(x2_tab, [jk])
            qt = plsc.load_gather(q2t, [t])
            kt = plsc.load_gather(k2t, [t])
            ct = plsc.load_gather(c2t, [t])
            z = av * qt + bv * kt + ab * ct
            z = jnp.where(z >= 0.0, z, 0.2 * z)
            ex = jnp.exp(z)
            d_idx[sl] = d
            exb[sl] = ex
            mb[sl] = ex * (bv + ab * e2s)
        pltpu.sync_copy(exb, den_sh.at[d_idx], add=True)
        pltpu.sync_copy(mb, num_sh.at[d_idx], add=True)

    plsc.subcore_barrier()

    @pl.when(sid == 0)
    def _():
        pltpu.sync_copy(den_sh, out.at[cid, 0])
        pltpu.sync_copy(num_sh, out.at[cid, 1])



def kernel(x, edge_index, edge_type, edge_attr, future_return,
           W1, q1, k1, e1, b1, bn_gamma, bn_beta, W2, q2, k2, e2, b2):
    w1t = jnp.transpose(W1, (1, 0, 2))
    w64 = jnp.pad(w1t, ((0, 0), (0, 0), (0, 16 - H1))).reshape(F, R * 16)
    wq = jnp.einsum('tio,to->it', W1, q1)
    wk = jnp.einsum('tio,to->it', W1, k1)
    wcat = jnp.concatenate([w64, wq, wk], axis=1)
    c1 = jnp.pad(jnp.einsum('o,to->t', e1[0], k1), (0, 4))

    w2m = jnp.pad(jnp.transpose(W2[:, :, 0]), ((0, 6), (0, 4)))
    q2t = jnp.pad(q2[:, 0], (0, 4))
    k2t = jnp.pad(k2[:, 0], (0, 4))
    c2t = jnp.pad(e2[0, 0] * k2[:, 0], (0, 4))
    misc = jnp.full((16,), e2[0, 0], _f32)

    cb = jnp.zeros((8, 16), _f32)
    cb = cb.at[0, :H1].set(e1[0])
    cb = cb.at[1, :H1].set(b1)
    cb = cb.at[2, :H1].set(bn_gamma)
    cb = cb.at[3, :H1].set(bn_beta)

    pad = EP - E
    src_p = jnp.pad(edge_index[0], (0, pad))
    dst_p = jnp.pad(edge_index[1], (0, pad), constant_values=N)
    et_p = jnp.pad(edge_type, (0, pad))
    ab_p = lax.bitcast_convert_type(jnp.pad(edge_attr[:, 0], (0, pad)), _i32)
    edata = jnp.stack([src_p, dst_p, et_p, ab_p])

    u = pl.pallas_call(
        _mm_body,
        grid=(10,),
        in_specs=[pl.BlockSpec((N // 10, F), lambda i: (i, 0)),
                  pl.BlockSpec((F, 72), lambda i: (0, 0))],
        out_specs=pl.BlockSpec((N // 10, 72), lambda i: (i, 0)),
        out_shape=jax.ShapeDtypeStruct((N, 72), _f32),
    )(x, wcat)
    m64 = u[:, :64].reshape(N * R, 16)
    q1f = jnp.pad(u[:, 64:68].reshape(-1), (0, TP - N * R))
    k1f = jnp.pad(u[:, 68:72].reshape(-1), (0, TP - N * R))

    p1 = _sc_edge1(edata, q1f, k1f, c1, m64)

    u2 = pl.pallas_call(
        _node_body,
        out_shape=jax.ShapeDtypeStruct((N, 8), _f32),
    )(p1, cb, w2m)
    x2f = jnp.pad(u2[:, :R].reshape(-1), (0, TP - N * R))

    p2 = _sc_edge2(edata, x2f, q2t, k2t, c2t, misc)

    frp = jnp.pad(future_return, (0, NP - N)).reshape(1, NP)
    res = pl.pallas_call(
        _resid_body,
        out_shape=jax.ShapeDtypeStruct((1, NP), _f32),
    )(p2.reshape(4, NP), frp, b2.reshape(1, 1))
    return res.reshape(NP)[:N]

# --- scband reference (transcript-rebuilt; emitter-appended) ---
"""Pipeline reference for scband-rgatmodel-v3-1-20151986553245 (READ-ONLY COPY).

The authoritative reference and input builder live on the scoring server;
editing this copy changes nothing except your own understanding.
"""

import jax, jax.numpy as jnp
import numpy as np

N = 10000
E = 320000
F = 128
H1 = 10
R = 4

def setup_inputs(seed: int = 0) -> dict:
    key = jax.random.key(seed)
    ks = jax.random.split(key, 20)
    inp = {}
    inp['x'] = jax.random.normal(ks[0], (N, F), dtype=jnp.float32)
    inp['edge_index'] = jax.random.randint(ks[1], (2, E), 0, N, dtype=jnp.int32)
    inp['edge_type'] = jax.random.randint(ks[2], (E,), 0, R, dtype=jnp.int32)
    inp['edge_attr'] = jax.random.normal(ks[3], (E, 1), dtype=jnp.float32)
    inp['future_return'] = jax.random.normal(ks[4], (N,), dtype=jnp.float32)
    # RGATConv layer 1 params (in=128, out=10, heads=1, num_relations=4, edge_dim=1)
    inp['W1'] = jax.random.normal(ks[5], (R, F, H1), dtype=jnp.float32) * (1.0 / np.sqrt(F))
    inp['q1'] = jax.random.normal(ks[6], (R, H1), dtype=jnp.float32) * 0.1
    inp['k1'] = jax.random.normal(ks[7], (R, H1), dtype=jnp.float32) * 0.1
    inp['e1'] = jax.random.normal(ks[8], (1, H1), dtype=jnp.float32) * 0.1
    inp['b1'] = jnp.zeros((H1,), dtype=jnp.float32)
    # BatchNorm1d(10)
    inp['bn_gamma'] = jnp.ones((H1,), dtype=jnp.float32)
    inp['bn_beta'] = jnp.zeros((H1,), dtype=jnp.float32)
    # RGATConv layer 2 params (in=10, out=1)
    inp['W2'] = jax.random.normal(ks[9], (R, H1, 1), dtype=jnp.float32) * (1.0 / np.sqrt(H1))
    inp['q2'] = jax.random.normal(ks[10], (R, 1), dtype=jnp.float32) * 0.1
    inp['k2'] = jax.random.normal(ks[11], (R, 1), dtype=jnp.float32) * 0.1
    inp['e2'] = jax.random.normal(ks[12], (1, 1), dtype=jnp.float32) * 0.1
    inp['b2'] = jnp.zeros((1,), dtype=jnp.float32)
    return inp

def _rgat_conv(x, src, dst, edge_type, edge_attr, W, q, k, e, b, n_nodes):
    # per-relation linear transform of node features: [N, R, out]
    xW = jnp.einsum('ni,rio->nro', x, W)
    mj = xW[src, edge_type]          # [E, out] transformed source feats
    mi = xW[dst, edge_type]          # [E, out] transformed dest feats
    edge_e = edge_attr @ e           # [E, out] edge feature embedding
    qi = jnp.sum(mi * q[edge_type], axis=-1)
    kj = jnp.sum((mj + edge_e) * k[edge_type], axis=-1)
    logits = jax.nn.leaky_relu(qi + kj, 0.2)
    # softmax over incoming edges per destination node (across-relation)
    m = jax.ops.segment_max(logits, dst, num_segments=n_nodes)
    m = jnp.where(jnp.isfinite(m), m, 0.0)
    ex = jnp.exp(logits - m[dst])
    den = jax.ops.segment_sum(ex, dst, num_segments=n_nodes)
    alpha = ex / (den[dst] + 1e-16)
    out = jax.ops.segment_sum((mj + edge_e) * alpha[:, None], dst, num_segments=n_nodes)
    return out + b

def reference(x, edge_index, edge_type, edge_attr, future_return, W1, q1, k1, e1, b1, bn_gamma, bn_beta, W2, q2, k2, e2, b2):
    src = edge_index[0]
    dst = edge_index[1]
    h = _rgat_conv(x, src, dst, edge_type, edge_attr, W1, q1, k1, e1, b1, N)
    # BatchNorm1d (batch statistics)
    mu = jnp.mean(h, axis=0)
    var = jnp.var(h, axis=0)
    h = (h - mu) / jnp.sqrt(var + 1e-5) * bn_gamma + bn_beta
    h = jax.nn.elu(h)
    # dropout is identity in eval mode
    y_h = _rgat_conv(h, src, dst, edge_type, edge_attr, W2, q2, k2, e2, b2, N)
    y_h = y_h.reshape(-1)
    resid = future_return.reshape(-1) - y_h
    return resid

if __name__ == "__main__":
    import jax
    _d = setup_inputs()
    print(jax.jit(kernel)(*tuple(_d.values())))

</pallas_src>

<mosaic_0001>
#map = affine_map<(d0, d1) -> (0, 0)>
#map1 = affine_map<(d0, d1) -> (0)>
#map2 = affine_map<(d0, d1) -> (0, 0, 0)>
module attributes {stable_mosaic.version = 14 : i64} {
  func.func @_sc_edge2(%arg0: i32, %arg1: i32, %arg2: memref<4x323584xi32, #tpu.memory_space<hbm>>, %arg3: memref<40960xf32, #tpu.memory_space<hbm>>, %arg4: memref<8xf32, #tpu.memory_space<hbm>>, %arg5: memref<8xf32, #tpu.memory_space<hbm>>, %arg6: memref<8xf32, #tpu.memory_space<hbm>>, %arg7: memref<16xf32, #tpu.memory_space<hbm>>, %arg8: memref<2x2x10240xf32, #tpu.memory_space<hbm>>, %arg9: memref<40960xf32, #tpu.memory_space<vmem>>, %arg10: memref<8xf32, #tpu.memory_space<vmem>>, %arg11: memref<8xf32, #tpu.memory_space<vmem>>, %arg12: memref<8xf32, #tpu.memory_space<vmem>>, %arg13: memref<16xf32, #tpu.memory_space<vmem>>, %arg14: memref<4x128xi32, #tpu.memory_space<vmem>>, %arg15: memref<128xi32, #tpu.memory_space<vmem>>, %arg16: memref<128xf32, #tpu.memory_space<vmem>>, %arg17: memref<128xf32, #tpu.memory_space<vmem>>, %arg18: memref<640xf32, #tpu.memory_space<vmem>>, %arg19: memref<10240xf32, #tpu.memory_space<vmem_shared>>, %arg20: memref<10240xf32, #tpu.memory_space<vmem_shared>>, %arg21: memref<!tpu.dma_semaphore, #tpu.memory_space<semaphore_mem>>) attributes {dimension_semantics = [#tpu.dimension_semantics<core_parallel>, #tpu.dimension_semantics<subcore_parallel>], iteration_bounds = array<i64: 2, 16>, scalar_prefetch = 0 : i64, scratch_operands = 13 : i64, tpu.core_type = #tpu.core_type<sc_vector_subcore>, window_params = [{transform_indices = #map}, {transform_indices = #map1}, {transform_indices = #map1}, {transform_indices = #map1}, {transform_indices = #map1}, {transform_indices = #map1}, {transform_indices = #map2}]} {
    %mul3A = arith.constant 2 : i32
    %mul3A_0 = arith.muli %arg1, %mul3A : i32
    %add3A = arith.addi %mul3A_0, %arg0 : i32
    tpu.enqueue_dma source(%arg3 : memref<40960xf32, #tpu.memory_space<hbm>>) target(%arg9 : memref<40960xf32, #tpu.memory_space<vmem>>) target_semaphore(%arg21 : memref<!tpu.dma_semaphore, #tpu.memory_space<semaphore_mem>>)
    tpu.enqueue_dma source(%arg4 : memref<8xf32, #tpu.memory_space<hbm>>) target(%arg10 : memref<8xf32, #tpu.memory_space<vmem>>) target_semaphore(%arg21 : memref<!tpu.dma_semaphore, #tpu.memory_space<semaphore_mem>>)
    tpu.enqueue_dma source(%arg5 : memref<8xf32, #tpu.memory_space<hbm>>) target(%arg11 : memref<8xf32, #tpu.memory_space<vmem>>) target_semaphore(%arg21 : memref<!tpu.dma_semaphore, #tpu.memory_space<semaphore_mem>>)
    tpu.enqueue_dma source(%arg6 : memref<8xf32, #tpu.memory_space<hbm>>) target(%arg12 : memref<8xf32, #tpu.memory_space<vmem>>) target_semaphore(%arg21 : memref<!tpu.dma_semaphore, #tpu.memory_space<semaphore_mem>>)
    tpu.enqueue_dma source(%arg7 : memref<16xf32, #tpu.memory_space<hbm>>) target(%arg13 : memref<16xf32, #tpu.memory_space<vmem>>) target_semaphore(%arg21 : memref<!tpu.dma_semaphore, #tpu.memory_space<semaphore_mem>>)
    %broadcast_in_dim3A = arith.constant 0.000000e+00 : f32
    %broadcast_in_dim3A_1 = vector.broadcast %broadcast_in_dim3A : f32 to vector<16xf32>
    %scan3A = arith.constant 0 : i32
    %scan3A_2 = arith.constant 40 : i32
    %scan3A_3 = arith.addi %scan3A, %scan3A_2 : i32
    %scan3A_4 = arith.constant 1 : i32
    scf.for %scan3A_19 = %scan3A to %scan3A_3 step %scan3A_4  : i32 {
      %mul3A_20 = arith.constant 1 : i32
      %mul3A_21 = arith.muli %scan3A_19, %mul3A_20 : i32
      %add3A_22 = arith.constant 0 : i32
      %add3A_23 = arith.addi %add3A_22, %mul3A_21 : i32
      %mul3A_24 = arith.constant 16 : i32
      %mul3A_25 = arith.muli %add3A_23, %mul3A_24 : i32
      %swap3A = arith.index_cast %mul3A_25 : i32 to index
      %swap3A_26 = tpu.vector_load %arg18[%swap3A] {strides = array<i32>} : memref<640xf32, #tpu.memory_space<vmem>>, vector<16xf32>,
      tpu.vector_store %arg18[%swap3A], %broadcast_in_dim3A_1 {strides = array<i32>} : memref<640xf32, #tpu.memory_space<vmem>>, vector<16xf32>,
    }
    %scan3A_5 = arith.constant 40 : i32
    %mul3A_6 = arith.constant 640 : i32
    %mul3A_7 = arith.muli %arg1, %mul3A_6 : i32
    "tpu.region"() ({
      %run_scoped3A = tpu.sem_alloc : memref<!tpu.dma_semaphore, #tpu.memory_space<semaphore_mem>>
      %dma_start3A = tpu.memref_slice %arg19[%mul3A_7] : memref<10240xf32, #tpu.memory_space<vmem_shared>> -> memref<640xf32, #tpu.memory_space<vmem_shared>>
      %dma_start3A_19 = tpu.memref_slice %arg19[%mul3A_7] : memref<10240xf32, #tpu.memory_space<vmem_shared>> -> memref<640xf32, #tpu.memory_space<vmem_shared>>
      tpu.enqueue_dma source(%arg18 : memref<640xf32, #tpu.memory_space<vmem>>) target(%dma_start3A_19 : memref<640xf32, #tpu.memory_space<vmem_shared>>) target_semaphore(%run_scoped3A : memref<!tpu.dma_semaphore, #tpu.memory_space<semaphore_mem>>)
      %dma_wait3A = tpu.memref_slice %arg19[%mul3A_7] : memref<10240xf32, #tpu.memory_space<vmem_shared>> -> memref<640xf32, #tpu.memory_space<vmem_shared>>
      %dma_wait3A_20 = tpu.memref_slice %arg19[%mul3A_7] : memref<10240xf32, #tpu.memory_space<vmem_shared>> -> memref<640xf32, #tpu.memory_space<vmem_shared>>
      tpu.wait_dma2 semaphore(%run_scoped3A : memref<!tpu.dma_semaphore, #tpu.memory_space<semaphore_mem>>) src(%arg18 : memref<640xf32, #tpu.memory_space<vmem>>) dst(%dma_wait3A_20 : memref<640xf32, #tpu.memory_space<vmem_shared>>)
      tpu.yield
    }) : () -> ()
    "tpu.region"() ({
      %run_scoped3A = tpu.sem_alloc : memref<!tpu.dma_semaphore, #tpu.memory_space<semaphore_mem>>
      %dma_start3A = tpu.memref_slice %arg20[%mul3A_7] : memref<10240xf32, #tpu.memory_space<vmem_shared>> -> memref<640xf32, #tpu.memory_space<vmem_shared>>
      %dma_start3A_19 = tpu.memref_slice %arg20[%mul3A_7] : memref<10240xf32, #tpu.memory_space<vmem_shared>> -> memref<640xf32, #tpu.memory_space<vmem_shared>>
      tpu.enqueue_dma source(%arg18 : memref<640xf32, #tpu.memory_space<vmem>>) target(%dma_start3A_19 : memref<640xf32, #tpu.memory_space<vmem_shared>>) target_semaphore(%run_scoped3A : memref<!tpu.dma_semaphore, #tpu.memory_space<semaphore_mem>>)
      %dma_wait3A = tpu.memref_slice %arg20[%mul3A_7] : memref<10240xf32, #tpu.memory_space<vmem_shared>> -> memref<640xf32, #tpu.memory_space<vmem_shared>>
      %dma_wait3A_20 = tpu.memref_slice %arg20[%mul3A_7] : memref<10240xf32, #tpu.memory_space<vmem_shared>> -> memref<640xf32, #tpu.memory_space<vmem_shared>>
      tpu.wait_dma2 semaphore(%run_scoped3A : memref<!tpu.dma_semaphore, #tpu.memory_space<semaphore_mem>>) src(%arg18 : memref<640xf32, #tpu.memory_space<vmem>>) dst(%dma_wait3A_20 : memref<640xf32, #tpu.memory_space<vmem_shared>>)
      tpu.yield
    }) : () -> ()
    tpu.wait_dma2 semaphore(%arg21 : memref<!tpu.dma_semaphore, #tpu.memory_space<semaphore_mem>>) src(%arg3 : memref<40960xf32, #tpu.memory_space<hbm>>) dst(%arg9 : memref<40960xf32, #tpu.memory_space<vmem>>)
    tpu.wait_dma2 semaphore(%arg21 : memref<!tpu.dma_semaphore, #tpu.memory_space<semaphore_mem>>) src(%arg4 : memref<8xf32, #tpu.memory_space<hbm>>) dst(%arg10 : memref<8xf32, #tpu.memory_space<vmem>>)
    tpu.wait_dma2 semaphore(%arg21 : memref<!tpu.dma_semaphore, #tpu.memory_space<semaphore_mem>>) src(%arg5 : memref<8xf32, #tpu.memory_space<hbm>>) dst(%arg11 : memref<8xf32, #tpu.memory_space<vmem>>)
    tpu.wait_dma2 semaphore(%arg21 : memref<!tpu.dma_semaphore, #tpu.memory_space<semaphore_mem>>) src(%arg6 : memref<8xf32, #tpu.memory_space<hbm>>) dst(%arg12 : memref<8xf32, #tpu.memory_space<vmem>>)
    tpu.wait_dma2 semaphore(%arg21 : memref<!tpu.dma_semaphore, #tpu.memory_space<semaphore_mem>>) src(%arg7 : memref<16xf32, #tpu.memory_space<hbm>>) dst(%arg13 : memref<16xf32, #tpu.memory_space<vmem>>)
    %barrier3A = arith.constant 0 : index
    tpu.barrier barrier_id(%barrier3A)
    %get3A = arith.constant 0 : index
    %get3A_8 = tpu.vector_load %arg13[%get3A] {strides = array<i32>} : memref<16xf32, #tpu.memory_space<vmem>>, vector<16xf32>,
    %mul3A_9 = arith.constant 10112 : i32
    %mul3A_10 = arith.muli %add3A, %mul3A_9 : i32
    %scan3A_11 = arith.constant 0 : i32
    %scan3A_12 = arith.constant 79 : i32
    %scan3A_13 = arith.addi %scan3A_11, %scan3A_12 : i32
    %scan3A_14 = arith.constant 1 : i32
    scf.for %scan3A_19 = %scan3A_11 to %scan3A_13 step %scan3A_14  : i32 {
      %mul3A_20 = arith.constant 1 : i32
      %mul3A_21 = arith.muli %scan3A_19, %mul3A_20 : i32
      %add3A_22 = arith.constant 0 : i32
      %add3A_23 = arith.addi %add3A_22, %mul3A_21 : i32
      %mul3A_24 = arith.constant 128 : i32
      %mul3A_25 = arith.muli %add3A_23, %mul3A_24 : i32
      %add3A_26 = arith.addi %mul3A_10, %mul3A_25 : i32
      "tpu.region"() ({
        %run_scoped3A = tpu.sem_alloc : memref<!tpu.dma_semaphore, #tpu.memory_space<semaphore_mem>>
        %dma_start3A = arith.constant 0 : i32
        %dma_start3A_437 = tpu.memref_slice %arg2[%dma_start3A, %add3A_26] : memref<4x323584xi32, #tpu.memory_space<hbm>> -> memref<4x128xi32, #tpu.memory_space<hbm>>
        %dma_start3A_438 = arith.constant 0 : i32
        %dma_start3A_439 = tpu.memref_slice %arg2[%dma_start3A_438, %add3A_26] : memref<4x323584xi32, #tpu.memory_space<hbm>> -> memref<4x128xi32, #tpu.memory_space<hbm>>
        tpu.enqueue_dma source(%dma_start3A_439 : memref<4x128xi32, #tpu.memory_space<hbm>>) target(%arg14 : memref<4x128xi32, #tpu.memory_space<vmem>>) target_semaphore(%run_scoped3A : memref<!tpu.dma_semaphore, #tpu.memory_space<semaphore_mem>>)
        %dma_wait3A = arith.constant 0 : i32
        %dma_wait3A_440 = tpu.memref_slice %arg2[%dma_wait3A, %add3A_26] : memref<4x323584xi32, #tpu.memory_space<hbm>> -> memref<4x128xi32, #tpu.memory_space<hbm>>
        %dma_wait3A_441 = arith.constant 0 : i32
        %dma_wait3A_442 = tpu.memref_slice %arg2[%dma_wait3A_441, %add3A_26] : memref<4x323584xi32, #tpu.memory_space<hbm>> -> memref<4x128xi32, #tpu.memory_space<hbm>>
        tpu.wait_dma2 semaphore(%run_scoped3A : memref<!tpu.dma_semaphore, #tpu.memory_space<semaphore_mem>>) src(%dma_wait3A_442 : memref<4x128xi32, #tpu.memory_space<hbm>>) dst(%arg14 : memref<4x128xi32, #tpu.memory_space<vmem>>)
        tpu.yield
      }) : () -> ()
      %get3A_27 = arith.constant 0 : i32
      %get3A_28 = arith.index_cast %get3A_27 : i32 to index
      %get3A_29 = arith.constant 0 : index
      %get3A_30 = tpu.vector_load %arg14[%get3A_28, %get3A_29] {strides = array<i32>} : memref<4x128xi32, #tpu.memory_space<vmem>>, vector<16xi32>,
      %get3A_31 = arith.constant 1 : i32
      %get3A_32 = arith.index_cast %get3A_31 : i32 to index
      %get3A_33 = arith.constant 0 : index
      %get3A_34 = tpu.vector_load %arg14[%get3A_32, %get3A_33] {strides = array<i32>} : memref<4x128xi32, #tpu.memory_space<vmem>>, vector<16xi32>,
      %get3A_35 = arith.constant 2 : i32
      %get3A_36 = arith.index_cast %get3A_35 : i32 to index
      %get3A_37 = arith.constant 0 : index
      %get3A_38 = tpu.vector_load %arg14[%get3A_36, %get3A_37] {strides = array<i32>} : memref<4x128xi32, #tpu.memory_space<vmem>>, vector<16xi32>,
      %get3A_39 = arith.constant 3 : i32
      %get3A_40 = arith.index_cast %get3A_39 : i32 to index
      %get3A_41 = arith.constant 0 : index
      %get3A_42 = tpu.vector_load %arg14[%get3A_40, %get3A_41] {strides = array<i32>} : memref<4x128xi32, #tpu.memory_space<vmem>>, vector<16xi32>,
      %bitcast3A = vector.bitcast %get3A_42 : vector<16xi32> to vector<16xf32>
      %mul3A_43 = arith.constant 4 : i32
      %mul3A_44 = vector.broadcast %mul3A_43 : i32 to vector<16xi32>
      %mul3A_45 = arith.muli %get3A_34, %mul3A_44 : vector<16xi32>
      %add3A_46 = arith.addi %mul3A_45, %get3A_38 : vector<16xi32>
      %mul3A_47 = arith.constant 4 : i32
      %mul3A_48 = vector.broadcast %mul3A_47 : i32 to vector<16xi32>
      %mul3A_49 = arith.muli %get3A_30, %mul3A_48 : vector<16xi32>
      %add3A_50 = arith.addi %mul3A_49, %get3A_38 : vector<16xi32>
      %gather3A = tpu.vector_load_idx %arg9[%add3A_46] : memref<40960xf32, #tpu.memory_space<vmem>>[vector<16xi32>], vector<16xf32>,
      %gather3A_51 = tpu.vector_load_idx %arg9[%add3A_50] : memref<40960xf32, #tpu.memory_space<vmem>>[vector<16xi32>], vector<16xf32>,
      %gather3A_52 = tpu.vector_load_idx %arg10[%get3A_38] : memref<8xf32, #tpu.memory_space<vmem>>[vector<16xi32>], vector<16xf32>,
      %gather3A_53 = tpu.vector_load_idx %arg11[%get3A_38] : memref<8xf32, #tpu.memory_space<vmem>>[vector<16xi32>], vector<16xf32>,
      %gather3A_54 = tpu.vector_load_idx %arg12[%get3A_38] : memref<8xf32, #tpu.memory_space<vmem>>[vector<16xi32>], vector<16xf32>,
      %mul3A_55 = arith.mulf %gather3A, %gather3A_52 : vector<16xf32>
      %mul3A_56 = arith.mulf %gather3A_51, %gather3A_53 : vector<16xf32>
      %add3A_57 = arith.addf %mul3A_55, %mul3A_56 : vector<16xf32>
      %mul3A_58 = arith.mulf %bitcast3A, %gather3A_54 : vector<16xf32>
      %add3A_59 = arith.addf %add3A_57, %mul3A_58 : vector<16xf32>
      %ge3A = arith.constant 0.000000e+00 : f32
      %ge3A_60 = vector.broadcast %ge3A : f32 to vector<16xf32>
      %ge3A_61 = arith.cmpf oge, %add3A_59, %ge3A_60 : vector<16xf32>
      %mul3A_62 = arith.constant 2.000000e-01 : f32
      %mul3A_63 = vector.broadcast %mul3A_62 : f32 to vector<16xf32>
      %mul3A_64 = arith.mulf %mul3A_63, %add3A_59 : vector<16xf32>
      %select_n3A = arith.select %ge3A_61, %add3A_59, %mul3A_64 : vector<16xi1>, vector<16xf32>
      %exp3A = math.exp %select_n3A : vector<16xf32>
      %swap3A = arith.constant 0 : index
      %swap3A_65 = tpu.vector_load %arg15[%swap3A] {strides = array<i32>} : memref<128xi32, #tpu.memory_space<vmem>>, vector<16xi32>,
      tpu.vector_store %arg15[%swap3A], %get3A_34 {strides = array<i32>} : memref<128xi32, #tpu.memory_space<vmem>>, vector<16xi32>,
      %swap3A_66 = arith.constant 0 : index
      %swap3A_67 = tpu.vector_load %arg16[%swap3A_66] {strides = array<i32>} : memref<128xf32, #tpu.memory_space<vmem>>, vector<16xf32>,
      tpu.vector_store %arg16[%swap3A_66], %exp3A {strides = array<i32>} : memref<128xf32, #tpu.memory_space<vmem>>, vector<16xf32>,
      %mul3A_68 = arith.mulf %bitcast3A, %get3A_8 : vector<16xf32>
      %add3A_69 = arith.addf %gather3A_51, %mul3A_68 : vector<16xf32>
      %mul3A_70 = arith.mulf %exp3A, %add3A_69 : vector<16xf32>
      %swap3A_71 = arith.constant 0 : index
      %swap3A_72 = tpu.vector_load %arg17[%swap3A_71] {strides = array<i32>} : memref<128xf32, #tpu.memory_space<vmem>>, vector<16xf32>,
      tpu.vector_store %arg17[%swap3A_71], %mul3A_70 {strides = array<i32>} : memref<128xf32, #tpu.memory_space<vmem>>, vector<16xf32>,
      %get3A_73 = arith.constant 0 : i32
      %get3A_74 = arith.index_cast %get3A_73 : i32 to index
      %get3A_75 = arith.constant 16 : index
      %get3A_76 = tpu.vector_load %arg14[%get3A_74, %get3A_75] {strides = array<i32>} : memref<4x128xi32, #tpu.memory_space<vmem>>, vector<16xi32>,
      %get3A_77 = arith.constant 1 : i32
      %get3A_78 = arith.index_cast %get3A_77 : i32 to index
      %get3A_79 = arith.constant 16 : index
      %get3A_80 = tpu.vector_load %arg14[%get3A_78, %get3A_79] {strides = array<i32>} : memref<4x128xi32, #tpu.memory_space<vmem>>, vector<16xi32>,
      %get3A_81 = arith.constant 2 : i32
      %get3A_82 = arith.index_cast %get3A_81 : i32 to index
      %get3A_83 = arith.constant 16 : index
      %get3A_84 = tpu.vector_load %arg14[%get3A_82, %get3A_83] {strides = array<i32>} : memref<4x128xi32, #tpu.memory_space<vmem>>, vector<16xi32>,
      %get3A_85 = arith.constant 3 : i32
      %get3A_86 = arith.index_cast %get3A_85 : i32 to index
      %get3A_87 = arith.constant 16 : index
      %get3A_88 = tpu.vector_load %arg14[%get3A_86, %get3A_87] {strides = array<i32>} : memref<4x128xi32, #tpu.memory_space<vmem>>, vector<16xi32>,
      %bitcast3A_89 = vector.bitcast %get3A_88 : vector<16xi32> to vector<16xf32>
      %mul3A_90 = arith.constant 4 : i32
      %mul3A_91 = vector.broadcast %mul3A_90 : i32 to vector<16xi32>
      %mul3A_92 = arith.muli %get3A_80, %mul3A_91 : vector<16xi32>
      %add3A_93 = arith.addi %mul3A_92, %get3A_84 : vector<16xi32>
      %mul3A_94 = arith.constant 4 : i32
      %mul3A_95 = vector.broadcast %mul3A_94 : i32 to vector<16xi32>
      %mul3A_96 = arith.muli %get3A_76, %mul3A_95 : vector<16xi32>
      %add3A_97 = arith.addi %mul3A_96, %get3A_84 : vector<16xi32>
      %gather3A_98 = tpu.vector_load_idx %arg9[%add3A_93] : memref<40960xf32, #tpu.memory_space<vmem>>[vector<16xi32>], vector<16xf32>,
      %gather3A_99 = tpu.vector_load_idx %arg9[%add3A_97] : memref<40960xf32, #tpu.memory_space<vmem>>[vector<16xi32>], vector<16xf32>,
      %gather3A_100 = tpu.vector_load_idx %arg10[%get3A_84] : memref<8xf32, #tpu.memory_space<vmem>>[vector<16xi32>], vector<16xf32>,
      %gather3A_101 = tpu.vector_load_idx %arg11[%get3A_84] : memref<8xf32, #tpu.memory_space<vmem>>[vector<16xi32>], vector<16xf32>,
      %gather3A_102 = tpu.vector_load_idx %arg12[%get3A_84] : memref<8xf32, #tpu.memory_space<vmem>>[vector<16xi32>], vector<16xf32>,
      %mul3A_103 = arith.mulf %gather3A_98, %gather3A_100 : vector<16xf32>
      %mul3A_104 = arith.mulf %gather3A_99, %gather3A_101 : vector<16xf32>
      %add3A_105 = arith.addf %mul3A_103, %mul3A_104 : vector<16xf32>
      %mul3A_106 = arith.mulf %bitcast3A_89, %gather3A_102 : vector<16xf32>
      %add3A_107 = arith.addf %add3A_105, %mul3A_106 : vector<16xf32>
      %ge3A_108 = arith.constant 0.000000e+00 : f32
      %ge3A_109 = vector.broadcast %ge3A_108 : f32 to vector<16xf32>
      %ge3A_110 = arith.cmpf oge, %add3A_107, %ge3A_109 : vector<16xf32>
      %mul3A_111 = arith.constant 2.000000e-01 : f32
      %mul3A_112 = vector.broadcast %mul3A_111 : f32 to vector<16xf32>
      %mul3A_113 = arith.mulf %mul3A_112, %add3A_107 : vector<16xf32>
      %select_n3A_114 = arith.select %ge3A_110, %add3A_107, %mul3A_113 : vector<16xi1>, vector<16xf32>
      %exp3A_115 = math.exp %select_n3A_114 : vector<16xf32>
      %swap3A_116 = arith.constant 16 : index
      %swap3A_117 = tpu.vector_load %arg15[%swap3A_116] {strides = array<i32>} : memref<128xi32, #tpu.memory_space<vmem>>, vector<16xi32>,
      tpu.vector_store %arg15[%swap3A_116], %get3A_80 {strides = array<i32>} : memref<128xi32, #tpu.memory_space<vmem>>, vector<16xi32>,
      %swap3A_118 = arith.constant 16 : index
      %swap3A_119 = tpu.vector_load %arg16[%swap3A_118] {strides = array<i32>} : memref<128xf32, #tpu.memory_space<vmem>>, vector<16xf32>,
      tpu.vector_store %arg16[%swap3A_118], %exp3A_115 {strides = array<i32>} : memref<128xf32, #tpu.memory_space<vmem>>, vector<16xf32>,
      %mul3A_120 = arith.mulf %bitcast3A_89, %get3A_8 : vector<16xf32>
      %add3A_121 = arith.addf %gather3A_99, %mul3A_120 : vector<16xf32>
      %mul3A_122 = arith.mulf %exp3A_115, %add3A_121 : vector<16xf32>
      %swap3A_123 = arith.constant 16 : index
      %swap3A_124 = tpu.vector_load %arg17[%swap3A_123] {strides = array<i32>} : memref<128xf32, #tpu.memory_space<vmem>>, vector<16xf32>,
      tpu.vector_store %arg17[%swap3A_123], %mul3A_122 {strides = array<i32>} : memref<128xf32, #tpu.memory_space<vmem>>, vector<16xf32>,
      %get3A_125 = arith.constant 0 : i32
      %get3A_126 = arith.index_cast %get3A_125 : i32 to index
      %get3A_127 = arith.constant 32 : index
      %get3A_128 = tpu.vector_load %arg14[%get3A_126, %get3A_127] {strides = array<i32>} : memref<4x128xi32, #tpu.memory_space<vmem>>, vector<16xi32>,
      %get3A_129 = arith.constant 1 : i32
      %get3A_130 = arith.index_cast %get3A_129 : i32 to index
      %get3A_131 = arith.constant 32 : index
      %get3A_132 = tpu.vector_load %arg14[%get3A_130, %get3A_131] {strides = array<i32>} : memref<4x128xi32, #tpu.memory_space<vmem>>, vector<16xi32>,
      %get3A_133 = arith.constant 2 : i32
      %get3A_134 = arith.index_cast %get3A_133 : i32 to index
      %get3A_135 = arith.constant 32 : index
      %get3A_136 = tpu.vector_load %arg14[%get3A_134, %get3A_135] {strides = array<i32>} : memref<4x128xi32, #tpu.memory_space<vmem>>, vector<16xi32>,
      %get3A_137 = arith.constant 3 : i32
      %get3A_138 = arith.index_cast %get3A_137 : i32 to index
      %get3A_139 = arith.constant 32 : index
      %get3A_140 = tpu.vector_load %arg14[%get3A_138, %get3A_139] {strides = array<i32>} : memref<4x128xi32, #tpu.memory_space<vmem>>, vector<16xi32>,
      %bitcast3A_141 = vector.bitcast %get3A_140 : vector<16xi32> to vector<16xf32>
      %mul3A_142 = arith.constant 4 : i32
      %mul3A_143 = vector.broadcast %mul3A_142 : i32 to vector<16xi32>
      %mul3A_144 = arith.muli %get3A_132, %mul3A_143 : vector<16xi32>
      %add3A_145 = arith.addi %mul3A_144, %get3A_136 : vector<16xi32>
      %mul3A_146 = arith.constant 4 : i32
      %mul3A_147 = vector.broadcast %mul3A_146 : i32 to vector<16xi32>
      %mul3A_148 = arith.muli %get3A_128, %mul3A_147 : vector<16xi32>
      %add3A_149 = arith.addi %mul3A_148, %get3A_136 : vector<16xi32>
      %gather3A_150 = tpu.vector_load_idx %arg9[%add3A_145] : memref<40960xf32, #tpu.memory_space<vmem>>[vector<16xi32>], vector<16xf32>,
      %gather3A_151 = tpu.vector_load_idx %arg9[%add3A_149] : memref<40960xf32, #tpu.memory_space<vmem>>[vector<16xi32>], vector<16xf32>,
      %gather3A_152 = tpu.vector_load_idx %arg10[%get3A_136] : memref<8xf32, #tpu.memory_space<vmem>>[vector<16xi32>], vector<16xf32>,
      %gather3A_153 = tpu.vector_load_idx %arg11[%get3A_136] : memref<8xf32, #tpu.memory_space<vmem>>[vector<16xi32>], vector<16xf32>,
      %gather3A_154 = tpu.vector_load_idx %arg12[%get3A_136] : memref<8xf32, #tpu.memory_space<vmem>>[vector<16xi32>], vector<16xf32>,
      %mul3A_155 = arith.mulf %gather3A_150, %gather3A_152 : vector<16xf32>
      %mul3A_156 = arith.mulf %gather3A_151, %gather3A_153 : vector<16xf32>
      %add3A_157 = arith.addf %mul3A_155, %mul3A_156 : vector<16xf32>
      %mul3A_158 = arith.mulf %bitcast3A_141, %gather3A_154 : vector<16xf32>
      %add3A_159 = arith.addf %add3A_157, %mul3A_158 : vector<16xf32>
      %ge3A_160 = arith.constant 0.000000e+00 : f32
      %ge3A_161 = vector.broadcast %ge3A_160 : f32 to vector<16xf32>
      %ge3A_162 = arith.cmpf oge, %add3A_159, %ge3A_161 : vector<16xf32>
      %mul3A_163 = arith.constant 2.000000e-01 : f32
      %mul3A_164 = vector.broadcast %mul3A_163 : f32 to vector<16xf32>
      %mul3A_165 = arith.mulf %mul3A_164, %add3A_159 : vector<16xf32>
      %select_n3A_166 = arith.select %ge3A_162, %add3A_159, %mul3A_165 : vector<16xi1>, vector<16xf32>
      %exp3A_167 = math.exp %select_n3A_166 : vector<16xf32>
      %swap3A_168 = arith.constant 32 : index
      %swap3A_169 = tpu.vector_load %arg15[%swap3A_168] {strides = array<i32>} : memref<128xi32, #tpu.memory_space<vmem>>, vector<16xi32>,
      tpu.vector_store %arg15[%swap3A_168], %get3A_132 {strides = array<i32>} : memref<128xi32, #tpu.memory_space<vmem>>, vector<16xi32>,
      %swap3A_170 = arith.constant 32 : index
      %swap3A_171 = tpu.vector_load %arg16[%swap3A_170] {strides = array<i32>} : memref<128xf32, #tpu.memory_space<vmem>>, vector<16xf32>,
      tpu.vector_store %arg16[%swap3A_170], %exp3A_167 {strides = array<i32>} : memref<128xf32, #tpu.memory_space<vmem>>, vector<16xf32>,
      %mul3A_172 = arith.mulf %bitcast3A_141, %get3A_8 : vector<16xf32>
      %add3A_173 = arith.addf %gather3A_151, %mul3A_172 : vector<16xf32>
      %mul3A_174 = arith.mulf %exp3A_167, %add3A_173 : vector<16xf32>
      %swap3A_175 = arith.constant 32 : index
      %swap3A_176 = tpu.vector_load %arg17[%swap3A_175] {strides = array<i32>} : memref<128xf32, #tpu.memory_space<vmem>>, vector<16xf32>,
      tpu.vector_store %arg17[%swap3A_175], %mul3A_174 {strides = array<i32>} : memref<128xf32, #tpu.memory_space<vmem>>, vector<16xf32>,
      %get3A_177 = arith.constant 0 : i32
      %get3A_178 = arith.index_cast %get3A_177 : i32 to index
      %get3A_179 = arith.constant 48 : index
      %get3A_180 = tpu.vector_load %arg14[%get3A_178, %get3A_179] {strides = array<i32>} : memref<4x128xi32, #tpu.memory_space<vmem>>, vector<16xi32>,
      %get3A_181 = arith.constant 1 : i32
      %get3A_182 = arith.index_cast %get3A_181 : i32 to index
      %get3A_183 = arith.constant 48 : index
      %get3A_184 = tpu.vector_load %arg14[%get3A_182, %get3A_183] {strides = array<i32>} : memref<4x128xi32, #tpu.memory_space<vmem>>, vector<16xi32>,
      %get3A_185 = arith.constant 2 : i32
      %get3A_186 = arith.index_cast %get3A_185 : i32 to index
      %get3A_187 = arith.constant 48 : index
      %get3A_188 = tpu.vector_load %arg14[%get3A_186, %get3A_187] {strides = array<i32>} : memref<4x128xi32, #tpu.memory_space<vmem>>, vector<16xi32>,
      %get3A_189 = arith.constant 3 : i32
      %get3A_190 = arith.index_cast %get3A_189 : i32 to index
      %get3A_191 = arith.constant 48 : index
      %get3A_192 = tpu.vector_load %arg14[%get3A_190, %get3A_191] {strides = array<i32>} : memref<4x128xi32, #tpu.memory_space<vmem>>, vector<16xi32>,
      %bitcast3A_193 = vector.bitcast %get3A_192 : vector<16xi32> to vector<16xf32>
      %mul3A_194 = arith.constant 4 : i32
      %mul3A_195 = vector.broadcast %mul3A_194 : i32 to vector<16xi32>
      %mul3A_196 = arith.muli %get3A_184, %mul3A_195 : vector<16xi32>
      %add3A_197 = arith.addi %mul3A_196, %get3A_188 : vector<16xi32>
      %mul3A_198 = arith.constant 4 : i32
      %mul3A_199 = vector.broadcast %mul3A_198 : i32 to vector<16xi32>
      %mul3A_200 = arith.muli %get3A_180, %mul3A_199 : vector<16xi32>
      %add3A_201 = arith.addi %mul3A_200, %get3A_188 : vector<16xi32>
      %gather3A_202 = tpu.vector_load_idx %arg9[%add3A_197] : memref<40960xf32, #tpu.memory_space<vmem>>[vector<16xi32>], vector<16xf32>,
      %gather3A_203 = tpu.vector_load_idx %arg9[%add3A_201] : memref<40960xf32, #tpu.memory_space<vmem>>[vector<16xi32>], vector<16xf32>,
      %gather3A_204 = tpu.vector_load_idx %arg10[%get3A_188] : memref<8xf32, #tpu.memory_space<vmem>>[vector<16xi32>], vector<16xf32>,
      %gather3A_205 = tpu.vector_load_idx %arg11[%get3A_188] : memref<8xf32, #tpu.memory_space<vmem>>[vector<16xi32>], vector<16xf32>,
      %gather3A_206 = tpu.vector_load_idx %arg12[%get3A_188] : memref<8xf32, #tpu.memory_space<vmem>>[vector<16xi32>], vector<16xf32>,
      %mul3A_207 = arith.mulf %gather3A_202, %gather3A_204 : vector<16xf32>
      %mul3A_208 = arith.mulf %gather3A_203, %gather3A_205 : vector<16xf32>
      %add3A_209 = arith.addf %mul3A_207, %mul3A_208 : vector<16xf32>
      %mul3A_210 = arith.mulf %bitcast3A_193, %gather3A_206 : vector<16xf32>
      %add3A_211 = arith.addf %add3A_209, %mul3A_210 : vector<16xf32>
      %ge3A_212 = arith.constant 0.000000e+00 : f32
      %ge3A_213 = vector.broadcast %ge3A_212 : f32 to vector<16xf32>
      %ge3A_214 = arith.cmpf oge, %add3A_211, %ge3A_213 : vector<16xf32>
      %mul3A_215 = arith.constant 2.000000e-01 : f32
      %mul3A_216 = vector.broadcast %mul3A_215 : f32 to vector<16xf32>
      %mul3A_217 = arith.mulf %mul3A_216, %add3A_211 : vector<16xf32>
      %select_n3A_218 = arith.select %ge3A_214, %add3A_211, %mul3A_217 : vector<16xi1>, vector<16xf32>
      %exp3A_219 = math.exp %select_n3A_218 : vector<16xf32>
      %swap3A_220 = arith.constant 48 : index
      %swap3A_221 = tpu.vector_load %arg15[%swap3A_220] {strides = array<i32>} : memref<128xi32, #tpu.memory_space<vmem>>, vector<16xi32>,
      tpu.vector_store %arg15[%swap3A_220], %get3A_184 {strides = array<i32>} : memref<128xi32, #tpu.memory_space<vmem>>, vector<16xi32>,
      %swap3A_222 = arith.constant 48 : index
      %swap3A_223 = tpu.vector_load %arg16[%swap3A_222] {strides = array<i32>} : memref<128xf32, #tpu.memory_space<vmem>>, vector<16xf32>,
      tpu.vector_store %arg16[%swap3A_222], %exp3A_219 {strides = array<i32>} : memref<128xf32, #tpu.memory_space<vmem>>, vector<16xf32>,
      %mul3A_224 = arith.mulf %bitcast3A_193, %get3A_8 : vector<16xf32>
      %add3A_225 = arith.addf %gather3A_203, %mul3A_224 : vector<16xf32>
      %mul3A_226 = arith.mulf %exp3A_219, %add3A_225 : vector<16xf32>
      %swap3A_227 = arith.constant 48 : index
      %swap3A_228 = tpu.vector_load %arg17[%swap3A_227] {strides = array<i32>} : memref<128xf32, #tpu.memory_space<vmem>>, vector<16xf32>,
      tpu.vector_store %arg17[%swap3A_227], %mul3A_226 {strides = array<i32>} : memref<128xf32, #tpu.memory_space<vmem>>, vector<16xf32>,
      %get3A_229 = arith.constant 0 : i32
      %get3A_230 = arith.index_cast %get3A_229 : i32 to index
      %get3A_231 = arith.constant 64 : index
      %get3A_232 = tpu.vector_load %arg14[%get3A_230, %get3A_231] {strides = array<i32>} : memref<4x128xi32, #tpu.memory_space<vmem>>, vector<16xi32>,
      %get3A_233 = arith.constant 1 : i32
      %get3A_234 = arith.index_cast %get3A_233 : i32 to index
      %get3A_235 = arith.constant 64 : index
      %get3A_236 = tpu.vector_load %arg14[%get3A_234, %get3A_235] {strides = array<i32>} : memref<4x128xi32, #tpu.memory_space<vmem>>, vector<16xi32>,
      %get3A_237 = arith.constant 2 : i32
      %get3A_238 = arith.index_cast %get3A_237 : i32 to index
      %get3A_239 = arith.constant 64 : index
      %get3A_240 = tpu.vector_load %arg14[%get3A_238, %get3A_239] {strides = array<i32>} : memref<4x128xi32, #tpu.memory_space<vmem>>, vector<16xi32>,
      %get3A_241 = arith.constant 3 : i32
      %get3A_242 = arith.index_cast %get3A_241 : i32 to index
      %get3A_243 = arith.constant 64 : index
      %get3A_244 = tpu.vector_load %arg14[%get3A_242, %get3A_243] {strides = array<i32>} : memref<4x128xi32, #tpu.memory_space<vmem>>, vector<16xi32>,
      %bitcast3A_245 = vector.bitcast %get3A_244 : vector<16xi32> to vector<16xf32>
      %mul3A_246 = arith.constant 4 : i32
      %mul3A_247 = vector.broadcast %mul3A_246 : i32 to vector<16xi32>
      %mul3A_248 = arith.muli %get3A_236, %mul3A_247 : vector<16xi32>
      %add3A_249 = arith.addi %mul3A_248, %get3A_240 : vector<16xi32>
      %mul3A_250 = arith.constant 4 : i32
      %mul3A_251 = vector.broadcast %mul3A_250 : i32 to vector<16xi32>
      %mul3A_252 = arith.muli %get3A_232, %mul3A_251 : vector<16xi32>
      %add3A_253 = arith.addi %mul3A_252, %get3A_240 : vector<16xi32>
      %gather3A_254 = tpu.vector_load_idx %arg9[%add3A_249] : memref<40960xf32, #tpu.memory_space<vmem>>[vector<16xi32>], vector<16xf32>,
      %gather3A_255 = tpu.vector_load_idx %arg9[%add3A_253] : memref<40960xf32, #tpu.memory_space<vmem>>[vector<16xi32>], vector<16xf32>,
      %gather3A_256 = tpu.vector_load_idx %arg10[%get3A_240] : memref<8xf32, #tpu.memory_space<vmem>>[vector<16xi32>], vector<16xf32>,
      %gather3A_257 = tpu.vector_load_idx %arg11[%get3A_240] : memref<8xf32, #tpu.memory_space<vmem>>[vector<16xi32>], vector<16xf32>,
      %gather3A_258 = tpu.vector_load_idx %arg12[%get3A_240] : memref<8xf32, #tpu.memory_space<vmem>>[vector<16xi32>], vector<16xf32>,
      %mul3A_259 = arith.mulf %gather3A_254, %gather3A_256 : vector<16xf32>
      %mul3A_260 = arith.mulf %gather3A_255, %gather3A_257 : vector<16xf32>
      %add3A_261 = arith.addf %mul3A_259, %mul3A_260 : vector<16xf32>
      %mul3A_262 = arith.mulf %bitcast3A_245, %gather3A_258 : vector<16xf32>
      %add3A_263 = arith.addf %add3A_261, %mul3A_262 : vector<16xf32>
      %ge3A_264 = arith.constant 0.000000e+00 : f32
      %ge3A_265 = vector.broadcast %ge3A_264 : f32 to vector<16xf32>
      %ge3A_266 = arith.cmpf oge, %add3A_263, %ge3A_265 : vector<16xf32>
      %mul3A_267 = arith.constant 2.000000e-01 : f32
      %mul3A_268 = vector.broadcast %mul3A_267 : f32 to vector<16xf32>
      %mul3A_269 = arith.mulf %mul3A_268, %add3A_263 : vector<16xf32>
      %select_n3A_270 = arith.select %ge3A_266, %add3A_263, %mul3A_269 : vector<16xi1>, vector<16xf32>
      %exp3A_271 = math.exp %select_n3A_270 : vector<16xf32>
      %swap3A_272 = arith.constant 64 : index
      %swap3A_273 = tpu.vector_load %arg15[%swap3A_272] {strides = array<i32>} : memref<128xi32, #tpu.memory_space<vmem>>, vector<16xi32>,
      tpu.vector_store %arg15[%swap3A_272], %get3A_236 {strides = array<i32>} : memref<128xi32, #tpu.memory_space<vmem>>, vector<16xi32>,
      %swap3A_274 = arith.constant 64 : index
      %swap3A_275 = tpu.vector_load %arg16[%swap3A_274] {strides = array<i32>} : memref<128xf32, #tpu.memory_space<vmem>>, vector<16xf32>,
      tpu.vector_store %arg16[%swap3A_274], %exp3A_271 {strides = array<i32>} : memref<128xf32, #tpu.memory_space<vmem>>, vector<16xf32>,
      %mul3A_276 = arith.mulf %bitcast3A_245, %get3A_8 : vector<16xf32>
      %add3A_277 = arith.addf %gather3A_255, %mul3A_276 : vector<16xf32>
      %mul3A_278 = arith.mulf %exp3A_271, %add3A_277 : vector<16xf32>
      %swap3A_279 = arith.constant 64 : index
      %swap3A_280 = tpu.vector_load %arg17[%swap3A_279] {strides = array<i32>} : memref<128xf32, #tpu.memory_space<vmem>>, vector<16xf32>,
      tpu.vector_store %arg17[%swap3A_279], %mul3A_278 {strides = array<i32>} : memref<128xf32, #tpu.memory_space<vmem>>, vector<16xf32>,
      %get3A_281 = arith.constant 0 : i32
      %get3A_282 = arith.index_cast %get3A_281 : i32 to index
      %get3A_283 = arith.constant 80 : index
      %get3A_284 = tpu.vector_load %arg14[%get3A_282, %get3A_283] {strides = array<i32>} : memref<4x128xi32, #tpu.memory_space<vmem>>, vector<16xi32>,
      %get3A_285 = arith.constant 1 : i32
      %get3A_286 = arith.index_cast %get3A_285 : i32 to index
      %get3A_287 = arith.constant 80 : index
      %get3A_288 = tpu.vector_load %arg14[%get3A_286, %get3A_287] {strides = array<i32>} : memref<4x128xi32, #tpu.memory_space<vmem>>, vector<16xi32>,
      %get3A_289 = arith.constant 2 : i32
      %get3A_290 = arith.index_cast %get3A_289 : i32 to index
      %get3A_291 = arith.constant 80 : index
      %get3A_292 = tpu.vector_load %arg14[%get3A_290, %get3A_291] {strides = array<i32>} : memref<4x128xi32, #tpu.memory_space<vmem>>, vector<16xi32>,
      %get3A_293 = arith.constant 3 : i32
      %get3A_294 = arith.index_cast %get3A_293 : i32 to index
      %get3A_295 = arith.constant 80 : index
      %get3A_296 = tpu.vector_load %arg14[%get3A_294, %get3A_295] {strides = array<i32>} : memref<4x128xi32, #tpu.memory_space<vmem>>, vector<16xi32>,
      %bitcast3A_297 = vector.bitcast %get3A_296 : vector<16xi32> to vector<16xf32>
      %mul3A_298 = arith.constant 4 : i32
      %mul3A_299 = vector.broadcast %mul3A_298 : i32 to vector<16xi32>
      %mul3A_300 = arith.muli %get3A_288, %mul3A_299 : vector<16xi32>
      %add3A_301 = arith.addi %mul3A_300, %get3A_292 : vector<16xi32>
      %mul3A_302 = arith.constant 4 : i32
      %mul3A_303 = vector.broadcast %mul3A_302 : i32 to vector<16xi32>
      %mul3A_304 = arith.muli %get3A_284, %mul3A_303 : vector<16xi32>
      %add3A_305 = arith.addi %mul3A_304, %get3A_292 : vector<16xi32>
      %gather3A_306 = tpu.vector_load_idx %arg9[%add3A_301] : memref<40960xf32, #tpu.memory_space<vmem>>[vector<16xi32>], vector<16xf32>,
      %gather3A_307 = tpu.vector_load_idx %arg9[%add3A_305] : memref<40960xf32, #tpu.memory_space<vmem>>[vector<16xi32>], vector<16xf32>,
      %gather3A_308 = tpu.vector_load_idx %arg10[%get3A_292] : memref<8xf32, #tpu.memory_space<vmem>>[vector<16xi32>], vector<16xf32>,
      %gather3A_309 = tpu.vector_load_idx %arg11[%get3A_292] : memref<8xf32, #tpu.memory_space<vmem>>[vector<16xi32>], vector<16xf32>,
      %gather3A_310 = tpu.vector_load_idx %arg12[%get3A_292] : memref<8xf32, #tpu.memory_space<vmem>>[vector<16xi32>], vector<16xf32>,
      %mul3A_311 = arith.mulf %gather3A_306, %gather3A_308 : vector<16xf32>
      %mul3A_312 = arith.mulf %gather3A_307, %gather3A_309 : vector<16xf32>
      %add3A_313 = arith.addf %mul3A_311, %mul3A_312 : vector<16xf32>
      %mul3A_314 = arith.mulf %bitcast3A_297, %gather3A_310 : vector<16xf32>
      %add3A_315 = arith.addf %add3A_313, %mul3A_314 : vector<16xf32>
      %ge3A_316 = arith.constant 0.000000e+00 : f32
      %ge3A_317 = vector.broadcast %ge3A_316 : f32 to vector<16xf32>
      %ge3A_318 = arith.cmpf oge, %add3A_315, %ge3A_317 : vector<16xf32>
      %mul3A_319 = arith.constant 2.000000e-01 : f32
      %mul3A_320 = vector.broadcast %mul3A_319 : f32 to vector<16xf32>
      %mul3A_321 = arith.mulf %mul3A_320, %add3A_315 : vector<16xf32>
      %select_n3A_322 = arith.select %ge3A_318, %add3A_315, %mul3A_321 : vector<16xi1>, vector<16xf32>
      %exp3A_323 = math.exp %select_n3A_322 : vector<16xf32>
      %swap3A_324 = arith.constant 80 : index
      %swap3A_325 = tpu.vector_load %arg15[%swap3A_324] {strides = array<i32>} : memref<128xi32, #tpu.memory_space<vmem>>, vector<16xi32>,
      tpu.vector_store %arg15[%swap3A_324], %get3A_288 {strides = array<i32>} : memref<128xi32, #tpu.memory_space<vmem>>, vector<16xi32>,
      %swap3A_326 = arith.constant 80 : index
      %swap3A_327 = tpu.vector_load %arg16[%swap3A_326] {strides = array<i32>} : memref<128xf32, #tpu.memory_space<vmem>>, vector<16xf32>,
      tpu.vector_store %arg16[%swap3A_326], %exp3A_323 {strides = array<i32>} : memref<128xf32, #tpu.memory_space<vmem>>, vector<16xf32>,
      %mul3A_328 = arith.mulf %bitcast3A_297, %get3A_8 : vector<16xf32>
      %add3A_329 = arith.addf %gather3A_307, %mul3A_328 : vector<16xf32>
      %mul3A_330 = arith.mulf %exp3A_323, %add3A_329 : vector<16xf32>
      %swap3A_331 = arith.constant 80 : index
      %swap3A_332 = tpu.vector_load %arg17[%swap3A_331] {strides = array<i32>} : memref<128xf32, #tpu.memory_space<vmem>>, vector<16xf32>,
      tpu.vector_store %arg17[%swap3A_331], %mul3A_330 {strides = array<i32>} : memref<128xf32, #tpu.memory_space<vmem>>, vector<16xf32>,
      %get3A_333 = arith.constant 0 : i32
      %get3A_334 = arith.index_cast %get3A_333 : i32 to index
      %get3A_335 = arith.constant 96 : index
      %get3A_336 = tpu.vector_load %arg14[%get3A_334, %get3A_335] {strides = array<i32>} : memref<4x128xi32, #tpu.memory_space<vmem>>, vector<16xi32>,
      %get3A_337 = arith.constant 1 : i32
      %get3A_338 = arith.index_cast %get3A_337 : i32 to index
      %get3A_339 = arith.constant 96 : index
      %get3A_340 = tpu.vector_load %arg14[%get3A_338, %get3A_339] {strides = array<i32>} : memref<4x128xi32, #tpu.memory_space<vmem>>, vector<16xi32>,
      %get3A_341 = arith.constant 2 : i32
      %get3A_342 = arith.index_cast %get3A_341 : i32 to index
      %get3A_343 = arith.constant 96 : index
      %get3A_344 = tpu.vector_load %arg14[%get3A_342, %get3A_343] {strides = array<i32>} : memref<4x128xi32, #tpu.memory_space<vmem>>, vector<16xi32>,
      %get3A_345 = arith.constant 3 : i32
      %get3A_346 = arith.index_cast %get3A_345 : i32 to index
      %get3A_347 = arith.constant 96 : index
      %get3A_348 = tpu.vector_load %arg14[%get3A_346, %get3A_347] {strides = array<i32>} : memref<4x128xi32, #tpu.memory_space<vmem>>, vector<16xi32>,
      %bitcast3A_349 = vector.bitcast %get3A_348 : vector<16xi32> to vector<16xf32>
      %mul3A_350 = arith.constant 4 : i32
      %mul3A_351 = vector.broadcast %mul3A_350 : i32 to vector<16xi32>
      %mul3A_352 = arith.muli %get3A_340, %mul3A_351 : vector<16xi32>
      %add3A_353 = arith.addi %mul3A_352, %get3A_344 : vector<16xi32>
      %mul3A_354 = arith.constant 4 : i32
      %mul3A_355 = vector.broadcast %mul3A_354 : i32 to vector<16xi32>
      %mul3A_356 = arith.muli %get3A_336, %mul3A_355 : vector<16xi32>
      %add3A_357 = arith.addi %mul3A_356, %get3A_344 : vector<16xi32>
      %gather3A_358 = tpu.vector_load_idx %arg9[%add3A_353] : memref<40960xf32, #tpu.memory_space<vmem>>[vector<16xi32>], vector<16xf32>,
      %gather3A_359 = tpu.vector_load_idx %arg9[%add3A_357] : memref<40960xf32, #tpu.memory_space<vmem>>[vector<16xi32>], vector<16xf32>,
      %gather3A_360 = tpu.vector_load_idx %arg10[%get3A_344] : memref<8xf32, #tpu.memory_space<vmem>>[vector<16xi32>], vector<16xf32>,
      %gather3A_361 = tpu.vector_load_idx %arg11[%get3A_344] : memref<8xf32, #tpu.memory_space<vmem>>[vector<16xi32>], vector<16xf32>,
      %gather3A_362 = tpu.vector_load_idx %arg12[%get3A_344] : memref<8xf32, #tpu.memory_space<vmem>>[vector<16xi32>], vector<16xf32>,
      %mul3A_363 = arith.mulf %gather3A_358, %gather3A_360 : vector<16xf32>
      %mul3A_364 = arith.mulf %gather3A_359, %gather3A_361 : vector<16xf32>
      %add3A_365 = arith.addf %mul3A_363, %mul3A_364 : vector<16xf32>
      %mul3A_366 = arith.mulf %bitcast3A_349, %gather3A_362 : vector<16xf32>
      %add3A_367 = arith.addf %add3A_365, %mul3A_366 : vector<16xf32>
      %ge3A_368 = arith.constant 0.000000e+00 : f32
      %ge3A_369 = vector.broadcast %ge3A_368 : f32 to vector<16xf32>
      %ge3A_370 = arith.cmpf oge, %add3A_367, %ge3A_369 : vector<16xf32>
      %mul3A_371 = arith.constant 2.000000e-01 : f32
      %mul3A_372 = vector.broadcast %mul3A_371 : f32 to vector<16xf32>
      %mul3A_373 = arith.mulf %mul3A_372, %add3A_367 : vector<16xf32>
      %select_n3A_374 = arith.select %ge3A_370, %add3A_367, %mul3A_373 : vector<16xi1>, vector<16xf32>
      %exp3A_375 = math.exp %select_n3A_374 : vector<16xf32>
      %swap3A_376 = arith.constant 96 : index
      %swap3A_377 = tpu.vector_load %arg15[%swap3A_376] {strides = array<i32>} : memref<128xi32, #tpu.memory_space<vmem>>, vector<16xi32>,
      tpu.vector_store %arg15[%swap3A_376], %get3A_340 {strides = array<i32>} : memref<128xi32, #tpu.memory_space<vmem>>, vector<16xi32>,
      %swap3A_378 = arith.constant 96 : index
      %swap3A_379 = tpu.vector_load %arg16[%swap3A_378] {strides = array<i32>} : memref<128xf32, #tpu.memory_space<vmem>>, vector<16xf32>,
      tpu.vector_store %arg16[%swap3A_378], %exp3A_375 {strides = array<i32>} : memref<128xf32, #tpu.memory_space<vmem>>, vector<16xf32>,
      %mul3A_380 = arith.mulf %bitcast3A_349, %get3A_8 : vector<16xf32>
      %add3A_381 = arith.addf %gather3A_359, %mul3A_380 : vector<16xf32>
      %mul3A_382 = arith.mulf %exp3A_375, %add3A_381 : vector<16xf32>
      %swap3A_383 = arith.constant 96 : index
      %swap3A_384 = tpu.vector_load %arg17[%swap3A_383] {strides = array<i32>} : memref<128xf32, #tpu.memory_space<vmem>>, vector<16xf32>,
      tpu.vector_store %arg17[%swap3A_383], %mul3A_382 {strides = array<i32>} : memref<128xf32, #tpu.memory_space<vmem>>, vector<16xf32>,
      %get3A_385 = arith.constant 0 : i32
      %get3A_386 = arith.index_cast %get3A_385 : i32 to index
      %get3A_387 = arith.constant 112 : index
      %get3A_388 = tpu.vector_load %arg14[%get3A_386, %get3A_387] {strides = array<i32>} : memref<4x128xi32, #tpu.memory_space<vmem>>, vector<16xi32>,
      %get3A_389 = arith.constant 1 : i32
      %get3A_390 = arith.index_cast %get3A_389 : i32 to index
      %get3A_391 = arith.constant 112 : index
      %get3A_392 = tpu.vector_load %arg14[%get3A_390, %get3A_391] {strides = array<i32>} : memref<4x128xi32, #tpu.memory_space<vmem>>, vector<16xi32>,
      %get3A_393 = arith.constant 2 : i32
      %get3A_394 = arith.index_cast %get3A_393 : i32 to index
      %get3A_395 = arith.constant 112 : index
      %get3A_396 = tpu.vector_load %arg14[%get3A_394, %get3A_395] {strides = array<i32>} : memref<4x128xi32, #tpu.memory_space<vmem>>, vector<16xi32>,
      %get3A_397 = arith.constant 3 : i32
      %get3A_398 = arith.index_cast %get3A_397 : i32 to index
      %get3A_399 = arith.constant 112 : index
      %get3A_400 = tpu.vector_load %arg14[%get3A_398, %get3A_399] {strides = array<i32>} : memref<4x128xi32, #tpu.memory_space<vmem>>, vector<16xi32>,
      %bitcast3A_401 = vector.bitcast %get3A_400 : vector<16xi32> to vector<16xf32>
      %mul3A_402 = arith.constant 4 : i32
      %mul3A_403 = vector.broadcast %mul3A_402 : i32 to vector<16xi32>
      %mul3A_404 = arith.muli %get3A_392, %mul3A_403 : vector<16xi32>
      %add3A_405 = arith.addi %mul3A_404, %get3A_396 : vector<16xi32>
      %mul3A_406 = arith.constant 4 : i32
      %mul3A_407 = vector.broadcast %mul3A_406 : i32 to vector<16xi32>
      %mul3A_408 = arith.muli %get3A_388, %mul3A_407 : vector<16xi32>
      %add3A_409 = arith.addi %mul3A_408, %get3A_396 : vector<16xi32>
      %gather3A_410 = tpu.vector_load_idx %arg9[%add3A_405] : memref<40960xf32, #tpu.memory_space<vmem>>[vector<16xi32>], vector<16xf32>,
      %gather3A_411 = tpu.vector_load_idx %arg9[%add3A_409] : memref<40960xf32, #tpu.memory_space<vmem>>[vector<16xi32>], vector<16xf32>,
      %gather3A_412 = tpu.vector_load_idx %arg10[%get3A_396] : memref<8xf32, #tpu.memory_space<vmem>>[vector<16xi32>], vector<16xf32>,
      %gather3A_413 = tpu.vector_load_idx %arg11[%get3A_396] : memref<8xf32, #tpu.memory_space<vmem>>[vector<16xi32>], vector<16xf32>,
      %gather3A_414 = tpu.vector_load_idx %arg12[%get3A_396] : memref<8xf32, #tpu.memory_space<vmem>>[vector<16xi32>], vector<16xf32>,
      %mul3A_415 = arith.mulf %gather3A_410, %gather3A_412 : vector<16xf32>
      %mul3A_416 = arith.mulf %gather3A_411, %gather3A_413 : vector<16xf32>
      %add3A_417 = arith.addf %mul3A_415, %mul3A_416 : vector<16xf32>
      %mul3A_418 = arith.mulf %bitcast3A_401, %gather3A_414 : vector<16xf32>
      %add3A_419 = arith.addf %add3A_417, %mul3A_418 : vector<16xf32>
      %ge3A_420 = arith.constant 0.000000e+00 : f32
      %ge3A_421 = vector.broadcast %ge3A_420 : f32 to vector<16xf32>
      %ge3A_422 = arith.cmpf oge, %add3A_419, %ge3A_421 : vector<16xf32>
      %mul3A_423 = arith.constant 2.000000e-01 : f32
      %mul3A_424 = vector.broadcast %mul3A_423 : f32 to vector<16xf32>
      %mul3A_425 = arith.mulf %mul3A_424, %add3A_419 : vector<16xf32>
      %select_n3A_426 = arith.select %ge3A_422, %add3A_419, %mul3A_425 : vector<16xi1>, vector<16xf32>
      %exp3A_427 = math.exp %select_n3A_426 : vector<16xf32>
      %swap3A_428 = arith.constant 112 : index
      %swap3A_429 = tpu.vector_load %arg15[%swap3A_428] {strides = array<i32>} : memref<128xi32, #tpu.memory_space<vmem>>, vector<16xi32>,
      tpu.vector_store %arg15[%swap3A_428], %get3A_392 {strides = array<i32>} : memref<128xi32, #tpu.memory_space<vmem>>, vector<16xi32>,
      %swap3A_430 = arith.constant 112 : index
      %swap3A_431 = tpu.vector_load %arg16[%swap3A_430] {strides = array<i32>} : memref<128xf32, #tpu.memory_space<vmem>>, vector<16xf32>,
      tpu.vector_store %arg16[%swap3A_430], %exp3A_427 {strides = array<i32>} : memref<128xf32, #tpu.memory_space<vmem>>, vector<16xf32>,
      %mul3A_432 = arith.mulf %bitcast3A_401, %get3A_8 : vector<16xf32>
      %add3A_433 = arith.addf %gather3A_411, %mul3A_432 : vector<16xf32>
      %mul3A_434 = arith.mulf %exp3A_427, %add3A_433 : vector<16xf32>
      %swap3A_435 = arith.constant 112 : index
      %swap3A_436 = tpu.vector_load %arg17[%swap3A_435] {strides = array<i32>} : memref<128xf32, #tpu.memory_space<vmem>>, vector<16xf32>,
      tpu.vector_store %arg17[%swap3A_435], %mul3A_434 {strides = array<i32>} : memref<128xf32, #tpu.memory_space<vmem>>, vector<16xf32>,
      "tpu.region"() ({
        %run_scoped3A = tpu.sem_alloc : memref<!tpu.dma_semaphore, #tpu.memory_space<semaphore_mem>>
        %dma_start3A = arith.constant 0 : i32
        %dma_start3A_437 = tpu.memref_slice %arg19[%dma_start3A] : memref<10240xf32, #tpu.memory_space<vmem_shared>> -> memref<10240xf32, #tpu.memory_space<vmem_shared>>
        tpu.enqueue_indirect_dma source(%arg16 : memref<128xf32, #tpu.memory_space<vmem>>) target(%dma_start3A_437 : memref<10240xf32, #tpu.memory_space<vmem_shared>>) offsets(%arg15 : memref<128xi32, #tpu.memory_space<vmem>>) semaphore(%run_scoped3A : memref<!tpu.dma_semaphore, #tpu.memory_space<semaphore_mem>>) {add = true}
        %dma_wait3A = arith.constant 0 : i32
        %dma_wait3A_438 = tpu.memref_slice %arg19[%dma_wait3A] : memref<10240xf32, #tpu.memory_space<vmem_shared>> -> memref<10240xf32, #tpu.memory_space<vmem_shared>>
        tpu.wait_indirect_dma semaphore(%run_scoped3A : memref<!tpu.dma_semaphore, #tpu.memory_space<semaphore_mem>>) src(%arg16 : memref<128xf32, #tpu.memory_space<vmem>>) dst(%dma_wait3A_438 : memref<10240xf32, #tpu.memory_space<vmem_shared>>)
        tpu.yield
      }) : () -> ()
      "tpu.region"() ({
        %run_scoped3A = tpu.sem_alloc : memref<!tpu.dma_semaphore, #tpu.memory_space<semaphore_mem>>
        %dma_start3A = arith.constant 0 : i32
        %dma_start3A_437 = tpu.memref_slice %arg20[%dma_start3A] : memref<10240xf32, #tpu.memory_space<vmem_shared>> -> memref<10240xf32, #tpu.memory_space<vmem_shared>>
        tpu.enqueue_indirect_dma source(%arg17 : memref<128xf32, #tpu.memory_space<vmem>>) target(%dma_start3A_437 : memref<10240xf32, #tpu.memory_space<vmem_shared>>) offsets(%arg15 : memref<128xi32, #tpu.memory_space<vmem>>) semaphore(%run_scoped3A : memref<!tpu.dma_semaphore, #tpu.memory_space<semaphore_mem>>) {add = true}
        %dma_wait3A = arith.constant 0 : i32
        %dma_wait3A_438 = tpu.memref_slice %arg20[%dma_wait3A] : memref<10240xf32, #tpu.memory_space<vmem_shared>> -> memref<10240xf32, #tpu.memory_space<vmem_shared>>
        tpu.wait_indirect_dma semaphore(%run_scoped3A : memref<!tpu.dma_semaphore, #tpu.memory_space<semaphore_mem>>) src(%arg17 : memref<128xf32, #tpu.memory_space<vmem>>) dst(%dma_wait3A_438 : memref<10240xf32, #tpu.memory_space<vmem_shared>>)
        tpu.yield
      }) : () -> ()
    }
    %scan3A_15 = arith.constant 79 : i32
    %barrier3A_16 = arith.constant 0 : index
    tpu.barrier barrier_id(%barrier3A_16)
    %eq3A = arith.constant 0 : i32
    %eq3A_17 = arith.cmpi eq, %arg1, %eq3A : i32
    %convert_element_type3A = arith.extui %eq3A_17 : i1 to i32
    %cond3A = arith.constant 0 : i32
    %cond3A_18 = arith.cmpi ne, %convert_element_type3A, %cond3A : i32
    scf.if %cond3A_18 {
      %run_scoped3A = arith.constant 0 : i32
      "tpu.region"() ({
        %run_scoped3A_20 = tpu.sem_alloc : memref<!tpu.dma_semaphore, #tpu.memory_space<semaphore_mem>>
        %dma_start3A = arith.constant 0 : i32
        %dma_start3A_21 = tpu.memref_slice %arg8[%arg0, %run_scoped3A, %dma_start3A] : memref<2x2x10240xf32, #tpu.memory_space<hbm>> -> memref<1x1x10240xf32, #tpu.memory_space<hbm>>
        %dma_start3A_22 = tpu.memref_squeeze %dma_start3A_21 : memref<1x1x10240xf32, #tpu.memory_space<hbm>> -> memref<10240xf32, #tpu.memory_space<hbm>>
        tpu.enqueue_dma source(%arg19 : memref<10240xf32, #tpu.memory_space<vmem_shared>>) target(%dma_start3A_22 : memref<10240xf32, #tpu.memory_space<hbm>>) target_semaphore(%run_scoped3A_20 : memref<!tpu.dma_semaphore, #tpu.memory_space<semaphore_mem>>)
        %dma_wait3A = arith.constant 0 : i32
        %dma_wait3A_23 = tpu.memref_slice %arg8[%arg0, %run_scoped3A, %dma_wait3A] : memref<2x2x10240xf32, #tpu.memory_space<hbm>> -> memref<1x1x10240xf32, #tpu.memory_space<hbm>>
        %dma_wait3A_24 = tpu.memref_squeeze %dma_wait3A_23 : memref<1x1x10240xf32, #tpu.memory_space<hbm>> -> memref<10240xf32, #tpu.memory_space<hbm>>
        tpu.wait_dma2 semaphore(%run_scoped3A_20 : memref<!tpu.dma_semaphore, #tpu.memory_space<semaphore_mem>>) src(%arg19 : memref<10240xf32, #tpu.memory_space<vmem_shared>>) dst(%dma_wait3A_24 : memref<10240xf32, #tpu.memory_space<hbm>>)
        tpu.yield
      }) : () -> ()
      %run_scoped3A_19 = arith.constant 1 : i32
      "tpu.region"() ({
        %run_scoped3A_20 = tpu.sem_alloc : memref<!tpu.dma_semaphore, #tpu.memory_space<semaphore_mem>>
        %dma_start3A = arith.constant 0 : i32
        %dma_start3A_21 = tpu.memref_slice %arg8[%arg0, %run_scoped3A_19, %dma_start3A] : memref<2x2x10240xf32, #tpu.memory_space<hbm>> -> memref<1x1x10240xf32, #tpu.memory_space<hbm>>
        %dma_start3A_22 = tpu.memref_squeeze %dma_start3A_21 : memref<1x1x10240xf32, #tpu.memory_space<hbm>> -> memref<10240xf32, #tpu.memory_space<hbm>>
        tpu.enqueue_dma source(%arg20 : memref<10240xf32, #tpu.memory_space<vmem_shared>>) target(%dma_start3A_22 : memref<10240xf32, #tpu.memory_space<hbm>>) target_semaphore(%run_scoped3A_20 : memref<!tpu.dma_semaphore, #tpu.memory_space<semaphore_mem>>)
        %dma_wait3A = arith.constant 0 : i32
        %dma_wait3A_23 = tpu.memref_slice %arg8[%arg0, %run_scoped3A_19, %dma_wait3A] : memref<2x2x10240xf32, #tpu.memory_space<hbm>> -> memref<1x1x10240xf32, #tpu.memory_space<hbm>>
        %dma_wait3A_24 = tpu.memref_squeeze %dma_wait3A_23 : memref<1x1x10240xf32, #tpu.memory_space<hbm>> -> memref<10240xf32, #tpu.memory_space<hbm>>
        tpu.wait_dma2 semaphore(%run_scoped3A_20 : memref<!tpu.dma_semaphore, #tpu.memory_space<semaphore_mem>>) src(%arg20 : memref<10240xf32, #tpu.memory_space<vmem_shared>>) dst(%dma_wait3A_24 : memref<10240xf32, #tpu.memory_space<hbm>>)
        tpu.yield
      }) : () -> ()
    } else {
    }
    return
  }
}

#map = affine_map<(d0, d1) -> (0, 0)>
#map1 = affine_map<(d0, d1) -> (0)>
#map2 = affine_map<(d0, d1) -> (0, 0, 0)>
module attributes {stable_mosaic.version = 14 : i64} {
  func.func @_sc_edge1(%arg0: i32, %arg1: i32, %arg2: memref<4x323584xi32, #tpu.memory_space<hbm>>, %arg3: memref<40960xf32, #tpu.memory_space<hbm>>, %arg4: memref<40960xf32, #tpu.memory_space<hbm>>, %arg5: memref<8xf32, #tpu.memory_space<hbm>>, %arg6: memref<40000x16xf32, #tpu.memory_space<hbm>>, %arg7: memref<2x10240x16xf32, #tpu.memory_space<hbm>>, %arg8: memref<40960xf32, #tpu.memory_space<vmem>>, %arg9: memref<40960xf32, #tpu.memory_space<vmem>>, %arg10: memref<8xf32, #tpu.memory_space<vmem>>, %arg11: memref<4x128xi32, #tpu.memory_space<vmem>>, %arg12: memref<128xi32, #tpu.memory_space<vmem>>, %arg13: memref<128xi32, #tpu.memory_space<vmem>>, %arg14: memref<128xf32, #tpu.memory_space<vmem>>, %arg15: memref<128xf32, #tpu.memory_space<vmem>>, %arg16: memref<128x16xf32, #tpu.memory_space<vmem>>, %arg17: memref<640x16xf32, #tpu.memory_space<vmem>>, %arg18: memref<10240x16xf32, #tpu.memory_space<vmem_shared>>, %arg19: memref<!tpu.dma_semaphore, #tpu.memory_space<semaphore_mem>>) attributes {dimension_semantics = [#tpu.dimension_semantics<core_parallel>, #tpu.dimension_semantics<subcore_parallel>], iteration_bounds = array<i64: 2, 16>, scalar_prefetch = 0 : i64, scratch_operands = 12 : i64, tpu.core_type = #tpu.core_type<sc_vector_subcore>, window_params = [{transform_indices = #map}, {transform_indices = #map1}, {transform_indices = #map1}, {transform_indices = #map1}, {transform_indices = #map}, {transform_indices = #map2}]} {
    %mul3A = arith.constant 2 : i32
    %mul3A_0 = arith.muli %arg1, %mul3A : i32
    %add3A = arith.addi %mul3A_0, %arg0 : i32
    tpu.enqueue_dma source(%arg3 : memref<40960xf32, #tpu.memory_space<hbm>>) target(%arg8 : memref<40960xf32, #tpu.memory_space<vmem>>) target_semaphore(%arg19 : memref<!tpu.dma_semaphore, #tpu.memory_space<semaphore_mem>>)
    tpu.enqueue_dma source(%arg4 : memref<40960xf32, #tpu.memory_space<hbm>>) target(%arg9 : memref<40960xf32, #tpu.memory_space<vmem>>) target_semaphore(%arg19 : memref<!tpu.dma_semaphore, #tpu.memory_space<semaphore_mem>>)
    tpu.enqueue_dma source(%arg5 : memref<8xf32, #tpu.memory_space<hbm>>) target(%arg10 : memref<8xf32, #tpu.memory_space<vmem>>) target_semaphore(%arg19 : memref<!tpu.dma_semaphore, #tpu.memory_space<semaphore_mem>>)
    %broadcast_in_dim3A = arith.constant 0.000000e+00 : f32
    %broadcast_in_dim3A_1 = vector.broadcast %broadcast_in_dim3A : f32 to vector<16xf32>
    %scan3A = arith.constant 0 : i32
    %scan3A_2 = arith.constant 640 : i32
    %scan3A_3 = arith.addi %scan3A, %scan3A_2 : i32
    %scan3A_4 = arith.constant 1 : i32
    scf.for %scan3A_18 = %scan3A to %scan3A_3 step %scan3A_4  : i32 {
      %mul3A_19 = arith.constant 1 : i32
      %mul3A_20 = arith.muli %scan3A_18, %mul3A_19 : i32
      %add3A_21 = arith.constant 0 : i32
      %add3A_22 = arith.addi %add3A_21, %mul3A_20 : i32
      %swap3A = arith.index_cast %add3A_22 : i32 to index
      %swap3A_23 = arith.constant 0 : index
      %swap3A_24 = tpu.vector_load %arg17[%swap3A, %swap3A_23] {strides = array<i32>} : memref<640x16xf32, #tpu.memory_space<vmem>>, vector<16xf32>,
      tpu.vector_store %arg17[%swap3A, %swap3A_23], %broadcast_in_dim3A_1 {strides = array<i32>} : memref<640x16xf32, #tpu.memory_space<vmem>>, vector<16xf32>,
    }
    %scan3A_5 = arith.constant 640 : i32
    %mul3A_6 = arith.constant 640 : i32
    %mul3A_7 = arith.muli %arg1, %mul3A_6 : i32
    "tpu.region"() ({
      %run_scoped3A = tpu.sem_alloc : memref<!tpu.dma_semaphore, #tpu.memory_space<semaphore_mem>>
      %dma_start3A = arith.constant 0 : i32
      %dma_start3A_18 = tpu.memref_slice %arg18[%mul3A_7, %dma_start3A] : memref<10240x16xf32, #tpu.memory_space<vmem_shared>> -> memref<640x16xf32, #tpu.memory_space<vmem_shared>>
      %dma_start3A_19 = arith.constant 0 : i32
      %dma_start3A_20 = tpu.memref_slice %arg18[%mul3A_7, %dma_start3A_19] : memref<10240x16xf32, #tpu.memory_space<vmem_shared>> -> memref<640x16xf32, #tpu.memory_space<vmem_shared>>
      tpu.enqueue_dma source(%arg17 : memref<640x16xf32, #tpu.memory_space<vmem>>) target(%dma_start3A_20 : memref<640x16xf32, #tpu.memory_space<vmem_shared>>) target_semaphore(%run_scoped3A : memref<!tpu.dma_semaphore, #tpu.memory_space<semaphore_mem>>)
      %dma_wait3A = arith.constant 0 : i32
      %dma_wait3A_21 = tpu.memref_slice %arg18[%mul3A_7, %dma_wait3A] : memref<10240x16xf32, #tpu.memory_space<vmem_shared>> -> memref<640x16xf32, #tpu.memory_space<vmem_shared>>
      %dma_wait3A_22 = arith.constant 0 : i32
      %dma_wait3A_23 = tpu.memref_slice %arg18[%mul3A_7, %dma_wait3A_22] : memref<10240x16xf32, #tpu.memory_space<vmem_shared>> -> memref<640x16xf32, #tpu.memory_space<vmem_shared>>
      tpu.wait_dma2 semaphore(%run_scoped3A : memref<!tpu.dma_semaphore, #tpu.memory_space<semaphore_mem>>) src(%arg17 : memref<640x16xf32, #tpu.memory_space<vmem>>) dst(%dma_wait3A_23 : memref<640x16xf32, #tpu.memory_space<vmem_shared>>)
      tpu.yield
    }) : () -> ()
    tpu.wait_dma2 semaphore(%arg19 : memref<!tpu.dma_semaphore, #tpu.memory_space<semaphore_mem>>) src(%arg3 : memref<40960xf32, #tpu.memory_space<hbm>>) dst(%arg8 : memref<40960xf32, #tpu.memory_space<vmem>>)
    tpu.wait_dma2 semaphore(%arg19 : memref<!tpu.dma_semaphore, #tpu.memory_space<semaphore_mem>>) src(%arg4 : memref<40960xf32, #tpu.memory_space<hbm>>) dst(%arg9 : memref<40960xf32, #tpu.memory_space<vmem>>)
    tpu.wait_dma2 semaphore(%arg19 : memref<!tpu.dma_semaphore, #tpu.memory_space<semaphore_mem>>) src(%arg5 : memref<8xf32, #tpu.memory_space<hbm>>) dst(%arg10 : memref<8xf32, #tpu.memory_space<vmem>>)
    %barrier3A = arith.constant 0 : index
    tpu.barrier barrier_id(%barrier3A)
    %iota3A = tpu.iota {dimensions = array<i32: 0>} : vector<16xi32>
    %mul3A_8 = arith.constant 10112 : i32
    %mul3A_9 = arith.muli %add3A, %mul3A_8 : i32
    %scan3A_10 = arith.constant 0 : i32
    %scan3A_11 = arith.constant 79 : i32
    %scan3A_12 = arith.addi %scan3A_10, %scan3A_11 : i32
    %scan3A_13 = arith.constant 1 : i32
    scf.for %scan3A_18 = %scan3A_10 to %scan3A_12 step %scan3A_13  : i32 {
      %mul3A_19 = arith.constant 1 : i32
      %mul3A_20 = arith.muli %scan3A_18, %mul3A_19 : i32
      %add3A_21 = arith.constant 0 : i32
      %add3A_22 = arith.addi %add3A_21, %mul3A_20 : i32
      %mul3A_23 = arith.constant 128 : i32
      %mul3A_24 = arith.muli %add3A_22, %mul3A_23 : i32
      %add3A_25 = arith.addi %mul3A_9, %mul3A_24 : i32
      "tpu.region"() ({
        %run_scoped3A = tpu.sem_alloc : memref<!tpu.dma_semaphore, #tpu.memory_space<semaphore_mem>>
        %dma_start3A = arith.constant 0 : i32
        %dma_start3A_408 = tpu.memref_slice %arg2[%dma_start3A, %add3A_25] : memref<4x323584xi32, #tpu.memory_space<hbm>> -> memref<4x128xi32, #tpu.memory_space<hbm>>
        %dma_start3A_409 = arith.constant 0 : i32
        %dma_start3A_410 = tpu.memref_slice %arg2[%dma_start3A_409, %add3A_25] : memref<4x323584xi32, #tpu.memory_space<hbm>> -> memref<4x128xi32, #tpu.memory_space<hbm>>
        tpu.enqueue_dma source(%dma_start3A_410 : memref<4x128xi32, #tpu.memory_space<hbm>>) target(%arg11 : memref<4x128xi32, #tpu.memory_space<vmem>>) target_semaphore(%run_scoped3A : memref<!tpu.dma_semaphore, #tpu.memory_space<semaphore_mem>>)
        %dma_wait3A = arith.constant 0 : i32
        %dma_wait3A_411 = tpu.memref_slice %arg2[%dma_wait3A, %add3A_25] : memref<4x323584xi32, #tpu.memory_space<hbm>> -> memref<4x128xi32, #tpu.memory_space<hbm>>
        %dma_wait3A_412 = arith.constant 0 : i32
        %dma_wait3A_413 = tpu.memref_slice %arg2[%dma_wait3A_412, %add3A_25] : memref<4x323584xi32, #tpu.memory_space<hbm>> -> memref<4x128xi32, #tpu.memory_space<hbm>>
        tpu.wait_dma2 semaphore(%run_scoped3A : memref<!tpu.dma_semaphore, #tpu.memory_space<semaphore_mem>>) src(%dma_wait3A_413 : memref<4x128xi32, #tpu.memory_space<hbm>>) dst(%arg11 : memref<4x128xi32, #tpu.memory_space<vmem>>)
        tpu.yield
      }) : () -> ()
      %get3A = arith.constant 0 : i32
      %get3A_26 = arith.index_cast %get3A : i32 to index
      %get3A_27 = arith.constant 0 : index
      %get3A_28 = tpu.vector_load %arg11[%get3A_26, %get3A_27] {strides = array<i32>} : memref<4x128xi32, #tpu.memory_space<vmem>>, vector<16xi32>,
      %get3A_29 = arith.constant 1 : i32
      %get3A_30 = arith.index_cast %get3A_29 : i32 to index
      %get3A_31 = arith.constant 0 : index
      %get3A_32 = tpu.vector_load %arg11[%get3A_30, %get3A_31] {strides = array<i32>} : memref<4x128xi32, #tpu.memory_space<vmem>>, vector<16xi32>,
      %get3A_33 = arith.constant 2 : i32
      %get3A_34 = arith.index_cast %get3A_33 : i32 to index
      %get3A_35 = arith.constant 0 : index
      %get3A_36 = tpu.vector_load %arg11[%get3A_34, %get3A_35] {strides = array<i32>} : memref<4x128xi32, #tpu.memory_space<vmem>>, vector<16xi32>,
      %get3A_37 = arith.constant 3 : i32
      %get3A_38 = arith.index_cast %get3A_37 : i32 to index
      %get3A_39 = arith.constant 0 : index
      %get3A_40 = tpu.vector_load %arg11[%get3A_38, %get3A_39] {strides = array<i32>} : memref<4x128xi32, #tpu.memory_space<vmem>>, vector<16xi32>,
      %bitcast3A = vector.bitcast %get3A_40 : vector<16xi32> to vector<16xf32>
      %mul3A_41 = arith.constant 4 : i32
      %mul3A_42 = vector.broadcast %mul3A_41 : i32 to vector<16xi32>
      %mul3A_43 = arith.muli %get3A_32, %mul3A_42 : vector<16xi32>
      %add3A_44 = arith.addi %mul3A_43, %get3A_36 : vector<16xi32>
      %mul3A_45 = arith.constant 4 : i32
      %mul3A_46 = vector.broadcast %mul3A_45 : i32 to vector<16xi32>
      %mul3A_47 = arith.muli %get3A_28, %mul3A_46 : vector<16xi32>
      %add3A_48 = arith.addi %mul3A_47, %get3A_36 : vector<16xi32>
      %gather3A = tpu.vector_load_idx %arg8[%add3A_44] : memref<40960xf32, #tpu.memory_space<vmem>>[vector<16xi32>], vector<16xf32>,
      %gather3A_49 = tpu.vector_load_idx %arg9[%add3A_48] : memref<40960xf32, #tpu.memory_space<vmem>>[vector<16xi32>], vector<16xf32>,
      %gather3A_50 = tpu.vector_load_idx %arg10[%get3A_36] : memref<8xf32, #tpu.memory_space<vmem>>[vector<16xi32>], vector<16xf32>,
      %add3A_51 = arith.addf %gather3A, %gather3A_49 : vector<16xf32>
      %mul3A_52 = arith.mulf %bitcast3A, %gather3A_50 : vector<16xf32>
      %add3A_53 = arith.addf %add3A_51, %mul3A_52 : vector<16xf32>
      %ge3A = arith.constant 0.000000e+00 : f32
      %ge3A_54 = vector.broadcast %ge3A : f32 to vector<16xf32>
      %ge3A_55 = arith.cmpf oge, %add3A_53, %ge3A_54 : vector<16xf32>
      %mul3A_56 = arith.constant 2.000000e-01 : f32
      %mul3A_57 = vector.broadcast %mul3A_56 : f32 to vector<16xf32>
      %mul3A_58 = arith.mulf %mul3A_57, %add3A_53 : vector<16xf32>
      %select_n3A = arith.select %ge3A_55, %add3A_53, %mul3A_58 : vector<16xi1>, vector<16xf32>
      %exp3A = math.exp %select_n3A : vector<16xf32>
      %swap3A = arith.constant 0 : index
      %swap3A_59 = tpu.vector_load %arg13[%swap3A] {strides = array<i32>} : memref<128xi32, #tpu.memory_space<vmem>>, vector<16xi32>,
      tpu.vector_store %arg13[%swap3A], %add3A_48 {strides = array<i32>} : memref<128xi32, #tpu.memory_space<vmem>>, vector<16xi32>,
      %swap3A_60 = arith.constant 0 : index
      %swap3A_61 = tpu.vector_load %arg12[%swap3A_60] {strides = array<i32>} : memref<128xi32, #tpu.memory_space<vmem>>, vector<16xi32>,
      tpu.vector_store %arg12[%swap3A_60], %get3A_32 {strides = array<i32>} : memref<128xi32, #tpu.memory_space<vmem>>, vector<16xi32>,
      %swap3A_62 = arith.constant 0 : index
      %swap3A_63 = tpu.vector_load %arg14[%swap3A_62] {strides = array<i32>} : memref<128xf32, #tpu.memory_space<vmem>>, vector<16xf32>,
      tpu.vector_store %arg14[%swap3A_62], %exp3A {strides = array<i32>} : memref<128xf32, #tpu.memory_space<vmem>>, vector<16xf32>,
      %mul3A_64 = arith.mulf %exp3A, %bitcast3A : vector<16xf32>
      %swap3A_65 = arith.constant 0 : index
      %swap3A_66 = tpu.vector_load %arg15[%swap3A_65] {strides = array<i32>} : memref<128xf32, #tpu.memory_space<vmem>>, vector<16xf32>,
      tpu.vector_store %arg15[%swap3A_65], %mul3A_64 {strides = array<i32>} : memref<128xf32, #tpu.memory_space<vmem>>, vector<16xf32>,
      %get3A_67 = arith.constant 0 : i32
      %get3A_68 = arith.index_cast %get3A_67 : i32 to index
      %get3A_69 = arith.constant 16 : index
      %get3A_70 = tpu.vector_load %arg11[%get3A_68, %get3A_69] {strides = array<i32>} : memref<4x128xi32, #tpu.memory_space<vmem>>, vector<16xi32>,
      %get3A_71 = arith.constant 1 : i32
      %get3A_72 = arith.index_cast %get3A_71 : i32 to index
      %get3A_73 = arith.constant 16 : index
      %get3A_74 = tpu.vector_load %arg11[%get3A_72, %get3A_73] {strides = array<i32>} : memref<4x128xi32, #tpu.memory_space<vmem>>, vector<16xi32>,
      %get3A_75 = arith.constant 2 : i32
      %get3A_76 = arith.index_cast %get3A_75 : i32 to index
      %get3A_77 = arith.constant 16 : index
      %get3A_78 = tpu.vector_load %arg11[%get3A_76, %get3A_77] {strides = array<i32>} : memref<4x128xi32, #tpu.memory_space<vmem>>, vector<16xi32>,
      %get3A_79 = arith.constant 3 : i32
      %get3A_80 = arith.index_cast %get3A_79 : i32 to index
      %get3A_81 = arith.constant 16 : index
      %get3A_82 = tpu.vector_load %arg11[%get3A_80, %get3A_81] {strides = array<i32>} : memref<4x128xi32, #tpu.memory_space<vmem>>, vector<16xi32>,
      %bitcast3A_83 = vector.bitcast %get3A_82 : vector<16xi32> to vector<16xf32>
      %mul3A_84 = arith.constant 4 : i32
      %mul3A_85 = vector.broadcast %mul3A_84 : i32 to vector<16xi32>
      %mul3A_86 = arith.muli %get3A_74, %mul3A_85 : vector<16xi32>
      %add3A_87 = arith.addi %mul3A_86, %get3A_78 : vector<16xi32>
      %mul3A_88 = arith.constant 4 : i32
      %mul3A_89 = vector.broadcast %mul3A_88 : i32 to vector<16xi32>
      %mul3A_90 = arith.muli %get3A_70, %mul3A_89 : vector<16xi32>
      %add3A_91 = arith.addi %mul3A_90, %get3A_78 : vector<16xi32>
      %gather3A_92 = tpu.vector_load_idx %arg8[%add3A_87] : memref<40960xf32, #tpu.memory_space<vmem>>[vector<16xi32>], vector<16xf32>,
      %gather3A_93 = tpu.vector_load_idx %arg9[%add3A_91] : memref<40960xf32, #tpu.memory_space<vmem>>[vector<16xi32>], vector<16xf32>,
      %gather3A_94 = tpu.vector_load_idx %arg10[%get3A_78] : memref<8xf32, #tpu.memory_space<vmem>>[vector<16xi32>], vector<16xf32>,
      %add3A_95 = arith.addf %gather3A_92, %gather3A_93 : vector<16xf32>
      %mul3A_96 = arith.mulf %bitcast3A_83, %gather3A_94 : vector<16xf32>
      %add3A_97 = arith.addf %add3A_95, %mul3A_96 : vector<16xf32>
      %ge3A_98 = arith.constant 0.000000e+00 : f32
      %ge3A_99 = vector.broadcast %ge3A_98 : f32 to vector<16xf32>
      %ge3A_100 = arith.cmpf oge, %add3A_97, %ge3A_99 : vector<16xf32>
      %mul3A_101 = arith.constant 2.000000e-01 : f32
      %mul3A_102 = vector.broadcast %mul3A_101 : f32 to vector<16xf32>
      %mul3A_103 = arith.mulf %mul3A_102, %add3A_97 : vector<16xf32>
      %select_n3A_104 = arith.select %ge3A_100, %add3A_97, %mul3A_103 : vector<16xi1>, vector<16xf32>
      %exp3A_105 = math.exp %select_n3A_104 : vector<16xf32>
      %swap3A_106 = arith.constant 16 : index
      %swap3A_107 = tpu.vector_load %arg13[%swap3A_106] {strides = array<i32>} : memref<128xi32, #tpu.memory_space<vmem>>, vector<16xi32>,
      tpu.vector_store %arg13[%swap3A_106], %add3A_91 {strides = array<i32>} : memref<128xi32, #tpu.memory_space<vmem>>, vector<16xi32>,
      %swap3A_108 = arith.constant 16 : index
      %swap3A_109 = tpu.vector_load %arg12[%swap3A_108] {strides = array<i32>} : memref<128xi32, #tpu.memory_space<vmem>>, vector<16xi32>,
      tpu.vector_store %arg12[%swap3A_108], %get3A_74 {strides = array<i32>} : memref<128xi32, #tpu.memory_space<vmem>>, vector<16xi32>,
      %swap3A_110 = arith.constant 16 : index
      %swap3A_111 = tpu.vector_load %arg14[%swap3A_110] {strides = array<i32>} : memref<128xf32, #tpu.memory_space<vmem>>, vector<16xf32>,
      tpu.vector_store %arg14[%swap3A_110], %exp3A_105 {strides = array<i32>} : memref<128xf32, #tpu.memory_space<vmem>>, vector<16xf32>,
      %mul3A_112 = arith.mulf %exp3A_105, %bitcast3A_83 : vector<16xf32>
      %swap3A_113 = arith.constant 16 : index
      %swap3A_114 = tpu.vector_load %arg15[%swap3A_113] {strides = array<i32>} : memref<128xf32, #tpu.memory_space<vmem>>, vector<16xf32>,
      tpu.vector_store %arg15[%swap3A_113], %mul3A_112 {strides = array<i32>} : memref<128xf32, #tpu.memory_space<vmem>>, vector<16xf32>,
      %get3A_115 = arith.constant 0 : i32
      %get3A_116 = arith.index_cast %get3A_115 : i32 to index
      %get3A_117 = arith.constant 32 : index
      %get3A_118 = tpu.vector_load %arg11[%get3A_116, %get3A_117] {strides = array<i32>} : memref<4x128xi32, #tpu.memory_space<vmem>>, vector<16xi32>,
      %get3A_119 = arith.constant 1 : i32
      %get3A_120 = arith.index_cast %get3A_119 : i32 to index
      %get3A_121 = arith.constant 32 : index
      %get3A_122 = tpu.vector_load %arg11[%get3A_120, %get3A_121] {strides = array<i32>} : memref<4x128xi32, #tpu.memory_space<vmem>>, vector<16xi32>,
      %get3A_123 = arith.constant 2 : i32
      %get3A_124 = arith.index_cast %get3A_123 : i32 to index
      %get3A_125 = arith.constant 32 : index
      %get3A_126 = tpu.vector_load %arg11[%get3A_124, %get3A_125] {strides = array<i32>} : memref<4x128xi32, #tpu.memory_space<vmem>>, vector<16xi32>,
      %get3A_127 = arith.constant 3 : i32
      %get3A_128 = arith.index_cast %get3A_127 : i32 to index
      %get3A_129 = arith.constant 32 : index
      %get3A_130 = tpu.vector_load %arg11[%get3A_128, %get3A_129] {strides = array<i32>} : memref<4x128xi32, #tpu.memory_space<vmem>>, vector<16xi32>,
      %bitcast3A_131 = vector.bitcast %get3A_130 : vector<16xi32> to vector<16xf32>
      %mul3A_132 = arith.constant 4 : i32
      %mul3A_133 = vector.broadcast %mul3A_132 : i32 to vector<16xi32>
      %mul3A_134 = arith.muli %get3A_122, %mul3A_133 : vector<16xi32>
      %add3A_135 = arith.addi %mul3A_134, %get3A_126 : vector<16xi32>
      %mul3A_136 = arith.constant 4 : i32
      %mul3A_137 = vector.broadcast %mul3A_136 : i32 to vector<16xi32>
      %mul3A_138 = arith.muli %get3A_118, %mul3A_137 : vector<16xi32>
      %add3A_139 = arith.addi %mul3A_138, %get3A_126 : vector<16xi32>
      %gather3A_140 = tpu.vector_load_idx %arg8[%add3A_135] : memref<40960xf32, #tpu.memory_space<vmem>>[vector<16xi32>], vector<16xf32>,
      %gather3A_141 = tpu.vector_load_idx %arg9[%add3A_139] : memref<40960xf32, #tpu.memory_space<vmem>>[vector<16xi32>], vector<16xf32>,
      %gather3A_142 = tpu.vector_load_idx %arg10[%get3A_126] : memref<8xf32, #tpu.memory_space<vmem>>[vector<16xi32>], vector<16xf32>,
      %add3A_143 = arith.addf %gather3A_140, %gather3A_141 : vector<16xf32>
      %mul3A_144 = arith.mulf %bitcast3A_131, %gather3A_142 : vector<16xf32>
      %add3A_145 = arith.addf %add3A_143, %mul3A_144 : vector<16xf32>
      %ge3A_146 = arith.constant 0.000000e+00 : f32
      %ge3A_147 = vector.broadcast %ge3A_146 : f32 to vector<16xf32>
      %ge3A_148 = arith.cmpf oge, %add3A_145, %ge3A_147 : vector<16xf32>
      %mul3A_149 = arith.constant 2.000000e-01 : f32
      %mul3A_150 = vector.broadcast %mul3A_149 : f32 to vector<16xf32>
      %mul3A_151 = arith.mulf %mul3A_150, %add3A_145 : vector<16xf32>
      %select_n3A_152 = arith.select %ge3A_148, %add3A_145, %mul3A_151 : vector<16xi1>, vector<16xf32>
      %exp3A_153 = math.exp %select_n3A_152 : vector<16xf32>
      %swap3A_154 = arith.constant 32 : index
      %swap3A_155 = tpu.vector_load %arg13[%swap3A_154] {strides = array<i32>} : memref<128xi32, #tpu.memory_space<vmem>>, vector<16xi32>,
      tpu.vector_store %arg13[%swap3A_154], %add3A_139 {strides = array<i32>} : memref<128xi32, #tpu.memory_space<vmem>>, vector<16xi32>,
      %swap3A_156 = arith.constant 32 : index
      %swap3A_157 = tpu.vector_load %arg12[%swap3A_156] {strides = array<i32>} : memref<128xi32, #tpu.memory_space<vmem>>, vector<16xi32>,
      tpu.vector_store %arg12[%swap3A_156], %get3A_122 {strides = array<i32>} : memref<128xi32, #tpu.memory_space<vmem>>, vector<16xi32>,
      %swap3A_158 = arith.constant 32 : index
      %swap3A_159 = tpu.vector_load %arg14[%swap3A_158] {strides = array<i32>} : memref<128xf32, #tpu.memory_space<vmem>>, vector<16xf32>,
      tpu.vector_store %arg14[%swap3A_158], %exp3A_153 {strides = array<i32>} : memref<128xf32, #tpu.memory_space<vmem>>, vector<16xf32>,
      %mul3A_160 = arith.mulf %exp3A_153, %bitcast3A_131 : vector<16xf32>
      %swap3A_161 = arith.constant 32 : index
      %swap3A_162 = tpu.vector_load %arg15[%swap3A_161] {strides = array<i32>} : memref<128xf32, #tpu.memory_space<vmem>>, vector<16xf32>,
      tpu.vector_store %arg15[%swap3A_161], %mul3A_160 {strides = array<i32>} : memref<128xf32, #tpu.memory_space<vmem>>, vector<16xf32>,
      %get3A_163 = arith.constant 0 : i32
      %get3A_164 = arith.index_cast %get3A_163 : i32 to index
      %get3A_165 = arith.constant 48 : index
      %get3A_166 = tpu.vector_load %arg11[%get3A_164, %get3A_165] {strides = array<i32>} : memref<4x128xi32, #tpu.memory_space<vmem>>, vector<16xi32>,
      %get3A_167 = arith.constant 1 : i32
      %get3A_168 = arith.index_cast %get3A_167 : i32 to index
      %get3A_169 = arith.constant 48 : index
      %get3A_170 = tpu.vector_load %arg11[%get3A_168, %get3A_169] {strides = array<i32>} : memref<4x128xi32, #tpu.memory_space<vmem>>, vector<16xi32>,
      %get3A_171 = arith.constant 2 : i32
      %get3A_172 = arith.index_cast %get3A_171 : i32 to index
      %get3A_173 = arith.constant 48 : index
      %get3A_174 = tpu.vector_load %arg11[%get3A_172, %get3A_173] {strides = array<i32>} : memref<4x128xi32, #tpu.memory_space<vmem>>, vector<16xi32>,
      %get3A_175 = arith.constant 3 : i32
      %get3A_176 = arith.index_cast %get3A_175 : i32 to index
      %get3A_177 = arith.constant 48 : index
      %get3A_178 = tpu.vector_load %arg11[%get3A_176, %get3A_177] {strides = array<i32>} : memref<4x128xi32, #tpu.memory_space<vmem>>, vector<16xi32>,
      %bitcast3A_179 = vector.bitcast %get3A_178 : vector<16xi32> to vector<16xf32>
      %mul3A_180 = arith.constant 4 : i32
      %mul3A_181 = vector.broadcast %mul3A_180 : i32 to vector<16xi32>
      %mul3A_182 = arith.muli %get3A_170, %mul3A_181 : vector<16xi32>
      %add3A_183 = arith.addi %mul3A_182, %get3A_174 : vector<16xi32>
      %mul3A_184 = arith.constant 4 : i32
      %mul3A_185 = vector.broadcast %mul3A_184 : i32 to vector<16xi32>
      %mul3A_186 = arith.muli %get3A_166, %mul3A_185 : vector<16xi32>
      %add3A_187 = arith.addi %mul3A_186, %get3A_174 : vector<16xi32>
      %gather3A_188 = tpu.vector_load_idx %arg8[%add3A_183] : memref<40960xf32, #tpu.memory_space<vmem>>[vector<16xi32>], vector<16xf32>,
      %gather3A_189 = tpu.vector_load_idx %arg9[%add3A_187] : memref<40960xf32, #tpu.memory_space<vmem>>[vector<16xi32>], vector<16xf32>,
      %gather3A_190 = tpu.vector_load_idx %arg10[%get3A_174] : memref<8xf32, #tpu.memory_space<vmem>>[vector<16xi32>], vector<16xf32>,
      %add3A_191 = arith.addf %gather3A_188, %gather3A_189 : vector<16xf32>
      %mul3A_192 = arith.mulf %bitcast3A_179, %gather3A_190 : vector<16xf32>
      %add3A_193 = arith.addf %add3A_191, %mul3A_192 : vector<16xf32>
      %ge3A_194 = arith.constant 0.000000e+00 : f32
      %ge3A_195 = vector.broadcast %ge3A_194 : f32 to vector<16xf32>
      %ge3A_196 = arith.cmpf oge, %add3A_193, %ge3A_195 : vector<16xf32>
      %mul3A_197 = arith.constant 2.000000e-01 : f32
      %mul3A_198 = vector.broadcast %mul3A_197 : f32 to vector<16xf32>
      %mul3A_199 = arith.mulf %mul3A_198, %add3A_193 : vector<16xf32>
      %select_n3A_200 = arith.select %ge3A_196, %add3A_193, %mul3A_199 : vector<16xi1>, vector<16xf32>
      %exp3A_201 = math.exp %select_n3A_200 : vector<16xf32>
      %swap3A_202 = arith.constant 48 : index
      %swap3A_203 = tpu.vector_load %arg13[%swap3A_202] {strides = array<i32>} : memref<128xi32, #tpu.memory_space<vmem>>, vector<16xi32>,
      tpu.vector_store %arg13[%swap3A_202], %add3A_187 {strides = array<i32>} : memref<128xi32, #tpu.memory_space<vmem>>, vector<16xi32>,
      %swap3A_204 = arith.constant 48 : index
      %swap3A_205 = tpu.vector_load %arg12[%swap3A_204] {strides = array<i32>} : memref<128xi32, #tpu.memory_space<vmem>>, vector<16xi32>,
      tpu.vector_store %arg12[%swap3A_204], %get3A_170 {strides = array<i32>} : memref<128xi32, #tpu.memory_space<vmem>>, vector<16xi32>,
      %swap3A_206 = arith.constant 48 : index
      %swap3A_207 = tpu.vector_load %arg14[%swap3A_206] {strides = array<i32>} : memref<128xf32, #tpu.memory_space<vmem>>, vector<16xf32>,
      tpu.vector_store %arg14[%swap3A_206], %exp3A_201 {strides = array<i32>} : memref<128xf32, #tpu.memory_space<vmem>>, vector<16xf32>,
      %mul3A_208 = arith.mulf %exp3A_201, %bitcast3A_179 : vector<16xf32>
      %swap3A_209 = arith.constant 48 : index
      %swap3A_210 = tpu.vector_load %arg15[%swap3A_209] {strides = array<i32>} : memref<128xf32, #tpu.memory_space<vmem>>, vector<16xf32>,
      tpu.vector_store %arg15[%swap3A_209], %mul3A_208 {strides = array<i32>} : memref<128xf32, #tpu.memory_space<vmem>>, vector<16xf32>,
      %get3A_211 = arith.constant 0 : i32
      %get3A_212 = arith.index_cast %get3A_211 : i32 to index
      %get3A_213 = arith.constant 64 : index
      %get3A_214 = tpu.vector_load %arg11[%get3A_212, %get3A_213] {strides = array<i32>} : memref<4x128xi32, #tpu.memory_space<vmem>>, vector<16xi32>,
      %get3A_215 = arith.constant 1 : i32
      %get3A_216 = arith.index_cast %get3A_215 : i32 to index
      %get3A_217 = arith.constant 64 : index
      %get3A_218 = tpu.vector_load %arg11[%get3A_216, %get3A_217] {strides = array<i32>} : memref<4x128xi32, #tpu.memory_space<vmem>>, vector<16xi32>,
      %get3A_219 = arith.constant 2 : i32
      %get3A_220 = arith.index_cast %get3A_219 : i32 to index
      %get3A_221 = arith.constant 64 : index
      %get3A_222 = tpu.vector_load %arg11[%get3A_220, %get3A_221] {strides = array<i32>} : memref<4x128xi32, #tpu.memory_space<vmem>>, vector<16xi32>,
      %get3A_223 = arith.constant 3 : i32
      %get3A_224 = arith.index_cast %get3A_223 : i32 to index
      %get3A_225 = arith.constant 64 : index
      %get3A_226 = tpu.vector_load %arg11[%get3A_224, %get3A_225] {strides = array<i32>} : memref<4x128xi32, #tpu.memory_space<vmem>>, vector<16xi32>,
      %bitcast3A_227 = vector.bitcast %get3A_226 : vector<16xi32> to vector<16xf32>
      %mul3A_228 = arith.constant 4 : i32
      %mul3A_229 = vector.broadcast %mul3A_228 : i32 to vector<16xi32>
      %mul3A_230 = arith.muli %get3A_218, %mul3A_229 : vector<16xi32>
      %add3A_231 = arith.addi %mul3A_230, %get3A_222 : vector<16xi32>
      %mul3A_232 = arith.constant 4 : i32
      %mul3A_233 = vector.broadcast %mul3A_232 : i32 to vector<16xi32>
      %mul3A_234 = arith.muli %get3A_214, %mul3A_233 : vector<16xi32>
      %add3A_235 = arith.addi %mul3A_234, %get3A_222 : vector<16xi32>
      %gather3A_236 = tpu.vector_load_idx %arg8[%add3A_231] : memref<40960xf32, #tpu.memory_space<vmem>>[vector<16xi32>], vector<16xf32>,
      %gather3A_237 = tpu.vector_load_idx %arg9[%add3A_235] : memref<40960xf32, #tpu.memory_space<vmem>>[vector<16xi32>], vector<16xf32>,
      %gather3A_238 = tpu.vector_load_idx %arg10[%get3A_222] : memref<8xf32, #tpu.memory_space<vmem>>[vector<16xi32>], vector<16xf32>,
      %add3A_239 = arith.addf %gather3A_236, %gather3A_237 : vector<16xf32>
      %mul3A_240 = arith.mulf %bitcast3A_227, %gather3A_238 : vector<16xf32>
      %add3A_241 = arith.addf %add3A_239, %mul3A_240 : vector<16xf32>
      %ge3A_242 = arith.constant 0.000000e+00 : f32
      %ge3A_243 = vector.broadcast %ge3A_242 : f32 to vector<16xf32>
      %ge3A_244 = arith.cmpf oge, %add3A_241, %ge3A_243 : vector<16xf32>
      %mul3A_245 = arith.constant 2.000000e-01 : f32
      %mul3A_246 = vector.broadcast %mul3A_245 : f32 to vector<16xf32>
      %mul3A_247 = arith.mulf %mul3A_246, %add3A_241 : vector<16xf32>
      %select_n3A_248 = arith.select %ge3A_244, %add3A_241, %mul3A_247 : vector<16xi1>, vector<16xf32>
      %exp3A_249 = math.exp %select_n3A_248 : vector<16xf32>
      %swap3A_250 = arith.constant 64 : index
      %swap3A_251 = tpu.vector_load %arg13[%swap3A_250] {strides = array<i32>} : memref<128xi32, #tpu.memory_space<vmem>>, vector<16xi32>,
      tpu.vector_store %arg13[%swap3A_250], %add3A_235 {strides = array<i32>} : memref<128xi32, #tpu.memory_space<vmem>>, vector<16xi32>,
      %swap3A_252 = arith.constant 64 : index
      %swap3A_253 = tpu.vector_load %arg12[%swap3A_252] {strides = array<i32>} : memref<128xi32, #tpu.memory_space<vmem>>, vector<16xi32>,
      tpu.vector_store %arg12[%swap3A_252], %get3A_218 {strides = array<i32>} : memref<128xi32, #tpu.memory_space<vmem>>, vector<16xi32>,
      %swap3A_254 = arith.constant 64 : index
      %swap3A_255 = tpu.vector_load %arg14[%swap3A_254] {strides = array<i32>} : memref<128xf32, #tpu.memory_space<vmem>>, vector<16xf32>,
      tpu.vector_store %arg14[%swap3A_254], %exp3A_249 {strides = array<i32>} : memref<128xf32, #tpu.memory_space<vmem>>, vector<16xf32>,
      %mul3A_256 = arith.mulf %exp3A_249, %bitcast3A_227 : vector<16xf32>
      %swap3A_257 = arith.constant 64 : index
      %swap3A_258 = tpu.vector_load %arg15[%swap3A_257] {strides = array<i32>} : memref<128xf32, #tpu.memory_space<vmem>>, vector<16xf32>,
      tpu.vector_store %arg15[%swap3A_257], %mul3A_256 {strides = array<i32>} : memref<128xf32, #tpu.memory_space<vmem>>, vector<16xf32>,
      %get3A_259 = arith.constant 0 : i32
      %get3A_260 = arith.index_cast %get3A_259 : i32 to index
      %get3A_261 = arith.constant 80 : index
      %get3A_262 = tpu.vector_load %arg11[%get3A_260, %get3A_261] {strides = array<i32>} : memref<4x128xi32, #tpu.memory_space<vmem>>, vector<16xi32>,
      %get3A_263 = arith.constant 1 : i32
      %get3A_264 = arith.index_cast %get3A_263 : i32 to index
      %get3A_265 = arith.constant 80 : index
      %get3A_266 = tpu.vector_load %arg11[%get3A_264, %get3A_265] {strides = array<i32>} : memref<4x128xi32, #tpu.memory_space<vmem>>, vector<16xi32>,
      %get3A_267 = arith.constant 2 : i32
      %get3A_268 = arith.index_cast %get3A_267 : i32 to index
      %get3A_269 = arith.constant 80 : index
      %get3A_270 = tpu.vector_load %arg11[%get3A_268, %get3A_269] {strides = array<i32>} : memref<4x128xi32, #tpu.memory_space<vmem>>, vector<16xi32>,
      %get3A_271 = arith.constant 3 : i32
      %get3A_272 = arith.index_cast %get3A_271 : i32 to index
      %get3A_273 = arith.constant 80 : index
      %get3A_274 = tpu.vector_load %arg11[%get3A_272, %get3A_273] {strides = array<i32>} : memref<4x128xi32, #tpu.memory_space<vmem>>, vector<16xi32>,
      %bitcast3A_275 = vector.bitcast %get3A_274 : vector<16xi32> to vector<16xf32>
      %mul3A_276 = arith.constant 4 : i32
      %mul3A_277 = vector.broadcast %mul3A_276 : i32 to vector<16xi32>
      %mul3A_278 = arith.muli %get3A_266, %mul3A_277 : vector<16xi32>
      %add3A_279 = arith.addi %mul3A_278, %get3A_270 : vector<16xi32>
      %mul3A_280 = arith.constant 4 : i32
      %mul3A_281 = vector.broadcast %mul3A_280 : i32 to vector<16xi32>
      %mul3A_282 = arith.muli %get3A_262, %mul3A_281 : vector<16xi32>
      %add3A_283 = arith.addi %mul3A_282, %get3A_270 : vector<16xi32>
      %gather3A_284 = tpu.vector_load_idx %arg8[%add3A_279] : memref<40960xf32, #tpu.memory_space<vmem>>[vector<16xi32>], vector<16xf32>,
      %gather3A_285 = tpu.vector_load_idx %arg9[%add3A_283] : memref<40960xf32, #tpu.memory_space<vmem>>[vector<16xi32>], vector<16xf32>,
      %gather3A_286 = tpu.vector_load_idx %arg10[%get3A_270] : memref<8xf32, #tpu.memory_space<vmem>>[vector<16xi32>], vector<16xf32>,
      %add3A_287 = arith.addf %gather3A_284, %gather3A_285 : vector<16xf32>
      %mul3A_288 = arith.mulf %bitcast3A_275, %gather3A_286 : vector<16xf32>
      %add3A_289 = arith.addf %add3A_287, %mul3A_288 : vector<16xf32>
      %ge3A_290 = arith.constant 0.000000e+00 : f32
      %ge3A_291 = vector.broadcast %ge3A_290 : f32 to vector<16xf32>
      %ge3A_292 = arith.cmpf oge, %add3A_289, %ge3A_291 : vector<16xf32>
      %mul3A_293 = arith.constant 2.000000e-01 : f32
      %mul3A_294 = vector.broadcast %mul3A_293 : f32 to vector<16xf32>
      %mul3A_295 = arith.mulf %mul3A_294, %add3A_289 : vector<16xf32>
      %select_n3A_296 = arith.select %ge3A_292, %add3A_289, %mul3A_295 : vector<16xi1>, vector<16xf32>
      %exp3A_297 = math.exp %select_n3A_296 : vector<16xf32>
      %swap3A_298 = arith.constant 80 : index
      %swap3A_299 = tpu.vector_load %arg13[%swap3A_298] {strides = array<i32>} : memref<128xi32, #tpu.memory_space<vmem>>, vector<16xi32>,
      tpu.vector_store %arg13[%swap3A_298], %add3A_283 {strides = array<i32>} : memref<128xi32, #tpu.memory_space<vmem>>, vector<16xi32>,
      %swap3A_300 = arith.constant 80 : index
      %swap3A_301 = tpu.vector_load %arg12[%swap3A_300] {strides = array<i32>} : memref<128xi32, #tpu.memory_space<vmem>>, vector<16xi32>,
      tpu.vector_store %arg12[%swap3A_300], %get3A_266 {strides = array<i32>} : memref<128xi32, #tpu.memory_space<vmem>>, vector<16xi32>,
      %swap3A_302 = arith.constant 80 : index
      %swap3A_303 = tpu.vector_load %arg14[%swap3A_302] {strides = array<i32>} : memref<128xf32, #tpu.memory_space<vmem>>, vector<16xf32>,
      tpu.vector_store %arg14[%swap3A_302], %exp3A_297 {strides = array<i32>} : memref<128xf32, #tpu.memory_space<vmem>>, vector<16xf32>,
      %mul3A_304 = arith.mulf %exp3A_297, %bitcast3A_275 : vector<16xf32>
      %swap3A_305 = arith.constant 80 : index
      %swap3A_306 = tpu.vector_load %arg15[%swap3A_305] {strides = array<i32>} : memref<128xf32, #tpu.memory_space<vmem>>, vector<16xf32>,
      tpu.vector_store %arg15[%swap3A_305], %mul3A_304 {strides = array<i32>} : memref<128xf32, #tpu.memory_space<vmem>>, vector<16xf32>,
      %get3A_307 = arith.constant 0 : i32
      %get3A_308 = arith.index_cast %get3A_307 : i32 to index
      %get3A_309 = arith.constant 96 : index
      %get3A_310 = tpu.vector_load %arg11[%get3A_308, %get3A_309] {strides = array<i32>} : memref<4x128xi32, #tpu.memory_space<vmem>>, vector<16xi32>,
      %get3A_311 = arith.constant 1 : i32
      %get3A_312 = arith.index_cast %get3A_311 : i32 to index
      %get3A_313 = arith.constant 96 : index
      %get3A_314 = tpu.vector_load %arg11[%get3A_312, %get3A_313] {strides = array<i32>} : memref<4x128xi32, #tpu.memory_space<vmem>>, vector<16xi32>,
      %get3A_315 = arith.constant 2 : i32
      %get3A_316 = arith.index_cast %get3A_315 : i32 to index
      %get3A_317 = arith.constant 96 : index
      %get3A_318 = tpu.vector_load %arg11[%get3A_316, %get3A_317] {strides = array<i32>} : memref<4x128xi32, #tpu.memory_space<vmem>>, vector<16xi32>,
      %get3A_319 = arith.constant 3 : i32
      %get3A_320 = arith.index_cast %get3A_319 : i32 to index
      %get3A_321 = arith.constant 96 : index
      %get3A_322 = tpu.vector_load %arg11[%get3A_320, %get3A_321] {strides = array<i32>} : memref<4x128xi32, #tpu.memory_space<vmem>>, vector<16xi32>,
      %bitcast3A_323 = vector.bitcast %get3A_322 : vector<16xi32> to vector<16xf32>
      %mul3A_324 = arith.constant 4 : i32
      %mul3A_325 = vector.broadcast %mul3A_324 : i32 to vector<16xi32>
      %mul3A_326 = arith.muli %get3A_314, %mul3A_325 : vector<16xi32>
      %add3A_327 = arith.addi %mul3A_326, %get3A_318 : vector<16xi32>
      %mul3A_328 = arith.constant 4 : i32
      %mul3A_329 = vector.broadcast %mul3A_328 : i32 to vector<16xi32>
      %mul3A_330 = arith.muli %get3A_310, %mul3A_329 : vector<16xi32>
      %add3A_331 = arith.addi %mul3A_330, %get3A_318 : vector<16xi32>
      %gather3A_332 = tpu.vector_load_idx %arg8[%add3A_327] : memref<40960xf32, #tpu.memory_space<vmem>>[vector<16xi32>], vector<16xf32>,
      %gather3A_333 = tpu.vector_load_idx %arg9[%add3A_331] : memref<40960xf32, #tpu.memory_space<vmem>>[vector<16xi32>], vector<16xf32>,
      %gather3A_334 = tpu.vector_load_idx %arg10[%get3A_318] : memref<8xf32, #tpu.memory_space<vmem>>[vector<16xi32>], vector<16xf32>,
      %add3A_335 = arith.addf %gather3A_332, %gather3A_333 : vector<16xf32>
      %mul3A_336 = arith.mulf %bitcast3A_323, %gather3A_334 : vector<16xf32>
      %add3A_337 = arith.addf %add3A_335, %mul3A_336 : vector<16xf32>
      %ge3A_338 = arith.constant 0.000000e+00 : f32
      %ge3A_339 = vector.broadcast %ge3A_338 : f32 to vector<16xf32>
      %ge3A_340 = arith.cmpf oge, %add3A_337, %ge3A_339 : vector<16xf32>
      %mul3A_341 = arith.constant 2.000000e-01 : f32
      %mul3A_342 = vector.broadcast %mul3A_341 : f32 to vector<16xf32>
      %mul3A_343 = arith.mulf %mul3A_342, %add3A_337 : vector<16xf32>
      %select_n3A_344 = arith.select %ge3A_340, %add3A_337, %mul3A_343 : vector<16xi1>, vector<16xf32>
      %exp3A_345 = math.exp %select_n3A_344 : vector<16xf32>
      %swap3A_346 = arith.constant 96 : index
      %swap3A_347 = tpu.vector_load %arg13[%swap3A_346] {strides = array<i32>} : memref<128xi32, #tpu.memory_space<vmem>>, vector<16xi32>,
      tpu.vector_store %arg13[%swap3A_346], %add3A_331 {strides = array<i32>} : memref<128xi32, #tpu.memory_space<vmem>>, vector<16xi32>,
      %swap3A_348 = arith.constant 96 : index
      %swap3A_349 = tpu.vector_load %arg12[%swap3A_348] {strides = array<i32>} : memref<128xi32, #tpu.memory_space<vmem>>, vector<16xi32>,
      tpu.vector_store %arg12[%swap3A_348], %get3A_314 {strides = array<i32>} : memref<128xi32, #tpu.memory_space<vmem>>, vector<16xi32>,
      %swap3A_350 = arith.constant 96 : index
      %swap3A_351 = tpu.vector_load %arg14[%swap3A_350] {strides = array<i32>} : memref<128xf32, #tpu.memory_space<vmem>>, vector<16xf32>,
      tpu.vector_store %arg14[%swap3A_350], %exp3A_345 {strides = array<i32>} : memref<128xf32, #tpu.memory_space<vmem>>, vector<16xf32>,
      %mul3A_352 = arith.mulf %exp3A_345, %bitcast3A_323 : vector<16xf32>
      %swap3A_353 = arith.constant 96 : index
      %swap3A_354 = tpu.vector_load %arg15[%swap3A_353] {strides = array<i32>} : memref<128xf32, #tpu.memory_space<vmem>>, vector<16xf32>,
      tpu.vector_store %arg15[%swap3A_353], %mul3A_352 {strides = array<i32>} : memref<128xf32, #tpu.memory_space<vmem>>, vector<16xf32>,
      %get3A_355 = arith.constant 0 : i32
      %get3A_356 = arith.index_cast %get3A_355 : i32 to index
      %get3A_357 = arith.constant 112 : index
      %get3A_358 = tpu.vector_load %arg11[%get3A_356, %get3A_357] {strides = array<i32>} : memref<4x128xi32, #tpu.memory_space<vmem>>, vector<16xi32>,
      %get3A_359 = arith.constant 1 : i32
      %get3A_360 = arith.index_cast %get3A_359 : i32 to index
      %get3A_361 = arith.constant 112 : index
      %get3A_362 = tpu.vector_load %arg11[%get3A_360, %get3A_361] {strides = array<i32>} : memref<4x128xi32, #tpu.memory_space<vmem>>, vector<16xi32>,
      %get3A_363 = arith.constant 2 : i32
      %get3A_364 = arith.index_cast %get3A_363 : i32 to index
      %get3A_365 = arith.constant 112 : index
      %get3A_366 = tpu.vector_load %arg11[%get3A_364, %get3A_365] {strides = array<i32>} : memref<4x128xi32, #tpu.memory_space<vmem>>, vector<16xi32>,
      %get3A_367 = arith.constant 3 : i32
      %get3A_368 = arith.index_cast %get3A_367 : i32 to index
      %get3A_369 = arith.constant 112 : index
      %get3A_370 = tpu.vector_load %arg11[%get3A_368, %get3A_369] {strides = array<i32>} : memref<4x128xi32, #tpu.memory_space<vmem>>, vector<16xi32>,
      %bitcast3A_371 = vector.bitcast %get3A_370 : vector<16xi32> to vector<16xf32>
      %mul3A_372 = arith.constant 4 : i32
      %mul3A_373 = vector.broadcast %mul3A_372 : i32 to vector<16xi32>
      %mul3A_374 = arith.muli %get3A_362, %mul3A_373 : vector<16xi32>
      %add3A_375 = arith.addi %mul3A_374, %get3A_366 : vector<16xi32>
      %mul3A_376 = arith.constant 4 : i32
      %mul3A_377 = vector.broadcast %mul3A_376 : i32 to vector<16xi32>
      %mul3A_378 = arith.muli %get3A_358, %mul3A_377 : vector<16xi32>
      %add3A_379 = arith.addi %mul3A_378, %get3A_366 : vector<16xi32>
      %gather3A_380 = tpu.vector_load_idx %arg8[%add3A_375] : memref<40960xf32, #tpu.memory_space<vmem>>[vector<16xi32>], vector<16xf32>,
      %gather3A_381 = tpu.vector_load_idx %arg9[%add3A_379] : memref<40960xf32, #tpu.memory_space<vmem>>[vector<16xi32>], vector<16xf32>,
      %gather3A_382 = tpu.vector_load_idx %arg10[%get3A_366] : memref<8xf32, #tpu.memory_space<vmem>>[vector<16xi32>], vector<16xf32>,
      %add3A_383 = arith.addf %gather3A_380, %gather3A_381 : vector<16xf32>
      %mul3A_384 = arith.mulf %bitcast3A_371, %gather3A_382 : vector<16xf32>
      %add3A_385 = arith.addf %add3A_383, %mul3A_384 : vector<16xf32>
      %ge3A_386 = arith.constant 0.000000e+00 : f32
      %ge3A_387 = vector.broadcast %ge3A_386 : f32 to vector<16xf32>
      %ge3A_388 = arith.cmpf oge, %add3A_385, %ge3A_387 : vector<16xf32>
      %mul3A_389 = arith.constant 2.000000e-01 : f32
      %mul3A_390 = vector.broadcast %mul3A_389 : f32 to vector<16xf32>
      %mul3A_391 = arith.mulf %mul3A_390, %add3A_385 : vector<16xf32>
      %select_n3A_392 = arith.select %ge3A_388, %add3A_385, %mul3A_391 : vector<16xi1>, vector<16xf32>
      %exp3A_393 = math.exp %select_n3A_392 : vector<16xf32>
      %swap3A_394 = arith.constant 112 : index
      %swap3A_395 = tpu.vector_load %arg13[%swap3A_394] {strides = array<i32>} : memref<128xi32, #tpu.memory_space<vmem>>, vector<16xi32>,
      tpu.vector_store %arg13[%swap3A_394], %add3A_379 {strides = array<i32>} : memref<128xi32, #tpu.memory_space<vmem>>, vector<16xi32>,
      %swap3A_396 = arith.constant 112 : index
      %swap3A_397 = tpu.vector_load %arg12[%swap3A_396] {strides = array<i32>} : memref<128xi32, #tpu.memory_space<vmem>>, vector<16xi32>,
      tpu.vector_store %arg12[%swap3A_396], %get3A_362 {strides = array<i32>} : memref<128xi32, #tpu.memory_space<vmem>>, vector<16xi32>,
      %swap3A_398 = arith.constant 112 : index
      %swap3A_399 = tpu.vector_load %arg14[%swap3A_398] {strides = array<i32>} : memref<128xf32, #tpu.memory_space<vmem>>, vector<16xf32>,
      tpu.vector_store %arg14[%swap3A_398], %exp3A_393 {strides = array<i32>} : memref<128xf32, #tpu.memory_space<vmem>>, vector<16xf32>,
      %mul3A_400 = arith.mulf %exp3A_393, %bitcast3A_371 : vector<16xf32>
      %swap3A_401 = arith.constant 112 : index
      %swap3A_402 = tpu.vector_load %arg15[%swap3A_401] {strides = array<i32>} : memref<128xf32, #tpu.memory_space<vmem>>, vector<16xf32>,
      tpu.vector_store %arg15[%swap3A_401], %mul3A_400 {strides = array<i32>} : memref<128xf32, #tpu.memory_space<vmem>>, vector<16xf32>,
      "tpu.region"() ({
        %run_scoped3A = tpu.sem_alloc : memref<!tpu.dma_semaphore, #tpu.memory_space<semaphore_mem>>
        %dma_start3A = arith.constant 0 : i32
        %dma_start3A_408 = arith.constant 0 : i32
        %dma_start3A_409 = tpu.memref_slice %arg6[%dma_start3A, %dma_start3A_408] : memref<40000x16xf32, #tpu.memory_space<hbm>> -> memref<40000x16xf32, #tpu.memory_space<hbm>>
        tpu.enqueue_indirect_dma source(%dma_start3A_409 : memref<40000x16xf32, #tpu.memory_space<hbm>>) target(%arg16 : memref<128x16xf32, #tpu.memory_space<vmem>>) offsets(%arg13 : memref<128xi32, #tpu.memory_space<vmem>>) semaphore(%run_scoped3A : memref<!tpu.dma_semaphore, #tpu.memory_space<semaphore_mem>>)
        %dma_wait3A = arith.constant 0 : i32
        %dma_wait3A_410 = arith.constant 0 : i32
        %dma_wait3A_411 = tpu.memref_slice %arg6[%dma_wait3A, %dma_wait3A_410] : memref<40000x16xf32, #tpu.memory_space<hbm>> -> memref<40000x16xf32, #tpu.memory_space<hbm>>
        tpu.wait_indirect_dma semaphore(%run_scoped3A : memref<!tpu.dma_semaphore, #tpu.memory_space<semaphore_mem>>) src(%dma_wait3A_411 : memref<40000x16xf32, #tpu.memory_space<hbm>>) dst(%arg16 : memref<128x16xf32, #tpu.memory_space<vmem>>)
        tpu.yield
      }) : () -> ()
      %scan3A_403 = arith.constant 0 : i32
      %scan3A_404 = arith.constant 8 : i32
      %scan3A_405 = arith.addi %scan3A_403, %scan3A_404 : i32
      %scan3A_406 = arith.constant 1 : i32
      scf.for %scan3A_408 = %scan3A_403 to %scan3A_405 step %scan3A_406  : i32 {
        %mul3A_409 = arith.constant 1 : i32
        %mul3A_410 = arith.muli %scan3A_408, %mul3A_409 : i32
        %add3A_411 = arith.constant 0 : i32
        %add3A_412 = arith.addi %add3A_411, %mul3A_410 : i32
        %mul3A_413 = arith.constant 16 : i32
        %mul3A_414 = arith.muli %add3A_412, %mul3A_413 : i32
        %get3A_415 = arith.index_cast %mul3A_414 : i32 to index
        %get3A_416 = tpu.vector_load %arg14[%get3A_415] {strides = array<i32>} : memref<128xf32, #tpu.memory_space<vmem>>, vector<16xf32>,
        %mul3A_417 = arith.constant 16 : i32
        %mul3A_418 = arith.muli %add3A_412, %mul3A_417 : i32
        %get3A_419 = arith.index_cast %mul3A_418 : i32 to index
        %get3A_420 = tpu.vector_load %arg15[%get3A_419] {strides = array<i32>} : memref<128xf32, #tpu.memory_space<vmem>>, vector<16xf32>,
        %slice3A = vector.extract_strided_slice %get3A_416 {offsets = [0], sizes = [1], strides = [1]} : vector<16xf32> to vector<1xf32>
        %squeeze3A = vector.extract %slice3A[0] : f32 from vector<1xf32>
        %slice3A_421 = vector.extract_strided_slice %get3A_420 {offsets = [0], sizes = [1], strides = [1]} : vector<16xf32> to vector<1xf32>
        %squeeze3A_422 = vector.extract %slice3A_421[0] : f32 from vector<1xf32>
        %mul3A_423 = arith.constant 16 : i32
        %mul3A_424 = arith.muli %add3A_412, %mul3A_423 : i32
        %add3A_425 = arith.constant 0 : i32
        %add3A_426 = arith.addi %mul3A_424, %add3A_425 : i32
        %get3A_427 = arith.index_cast %add3A_426 : i32 to index
        %get3A_428 = arith.constant 0 : index
        %get3A_429 = tpu.vector_load %arg16[%get3A_427, %get3A_428] {strides = array<i32>} : memref<128x16xf32, #tpu.memory_space<vmem>>, vector<16xf32>,
        %mul3A_430 = vector.broadcast %squeeze3A : f32 to vector<16xf32>
        %mul3A_431 = arith.mulf %get3A_429, %mul3A_430 : vector<16xf32>
        %eq3A_432 = arith.constant 10 : i32
        %eq3A_433 = vector.broadcast %eq3A_432 : i32 to vector<16xi32>
        %eq3A_434 = arith.cmpi eq, %iota3A, %eq3A_433 : vector<16xi32>
        %broadcast_in_dim3A_435 = vector.broadcast %squeeze3A : f32 to vector<16xf32>
        %select_n3A_436 = arith.select %eq3A_434, %broadcast_in_dim3A_435, %mul3A_431 : vector<16xi1>, vector<16xf32>
        %eq3A_437 = arith.constant 11 : i32
        %eq3A_438 = vector.broadcast %eq3A_437 : i32 to vector<16xi32>
        %eq3A_439 = arith.cmpi eq, %iota3A, %eq3A_438 : vector<16xi32>
        %broadcast_in_dim3A_440 = vector.broadcast %squeeze3A_422 : f32 to vector<16xf32>
        %select_n3A_441 = arith.select %eq3A_439, %broadcast_in_dim3A_440, %select_n3A_436 : vector<16xi1>, vector<16xf32>
        %mul3A_442 = arith.constant 16 : i32
        %mul3A_443 = arith.muli %add3A_412, %mul3A_442 : i32
        %add3A_444 = arith.constant 0 : i32
        %add3A_445 = arith.addi %mul3A_443, %add3A_444 : i32
        %swap3A_446 = arith.index_cast %add3A_445 : i32 to index
        %swap3A_447 = arith.constant 0 : index
        %swap3A_448 = tpu.vector_load %arg16[%swap3A_446, %swap3A_447] {strides = array<i32>} : memref<128x16xf32, #tpu.memory_space<vmem>>, vector<16xf32>,
        tpu.vector_store %arg16[%swap3A_446, %swap3A_447], %select_n3A_441 {strides = array<i32>} : memref<128x16xf32, #tpu.memory_space<vmem>>, vector<16xf32>,
        %slice3A_449 = vector.extract_strided_slice %get3A_416 {offsets = [1], sizes = [1], strides = [1]} : vector<16xf32> to vector<1xf32>
        %squeeze3A_450 = vector.extract %slice3A_449[0] : f32 from vector<1xf32>
        %slice3A_451 = vector.extract_strided_slice %get3A_420 {offsets = [1], sizes = [1], strides = [1]} : vector<16xf32> to vector<1xf32>
        %squeeze3A_452 = vector.extract %slice3A_451[0] : f32 from vector<1xf32>
        %mul3A_453 = arith.constant 16 : i32
        %mul3A_454 = arith.muli %add3A_412, %mul3A_453 : i32
        %add3A_455 = arith.constant 1 : i32
        %add3A_456 = arith.addi %mul3A_454, %add3A_455 : i32
        %get3A_457 = arith.index_cast %add3A_456 : i32 to index
        %get3A_458 = arith.constant 0 : index
        %get3A_459 = tpu.vector_load %arg16[%get3A_457, %get3A_458] {strides = array<i32>} : memref<128x16xf32, #tpu.memory_space<vmem>>, vector<16xf32>,
        %mul3A_460 = vector.broadcast %squeeze3A_450 : f32 to vector<16xf32>
        %mul3A_461 = arith.mulf %get3A_459, %mul3A_460 : vector<16xf32>
        %eq3A_462 = arith.constant 10 : i32
        %eq3A_463 = vector.broadcast %eq3A_462 : i32 to vector<16xi32>
        %eq3A_464 = arith.cmpi eq, %iota3A, %eq3A_463 : vector<16xi32>
        %broadcast_in_dim3A_465 = vector.broadcast %squeeze3A_450 : f32 to vector<16xf32>
        %select_n3A_466 = arith.select %eq3A_464, %broadcast_in_dim3A_465, %mul3A_461 : vector<16xi1>, vector<16xf32>
        %eq3A_467 = arith.constant 11 : i32
        %eq3A_468 = vector.broadcast %eq3A_467 : i32 to vector<16xi32>
        %eq3A_469 = arith.cmpi eq, %iota3A, %eq3A_468 : vector<16xi32>
        %broadcast_in_dim3A_470 = vector.broadcast %squeeze3A_452 : f32 to vector<16xf32>
        %select_n3A_471 = arith.select %eq3A_469, %broadcast_in_dim3A_470, %select_n3A_466 : vector<16xi1>, vector<16xf32>
        %mul3A_472 = arith.constant 16 : i32
        %mul3A_473 = arith.muli %add3A_412, %mul3A_472 : i32
        %add3A_474 = arith.constant 1 : i32
        %add3A_475 = arith.addi %mul3A_473, %add3A_474 : i32
        %swap3A_476 = arith.index_cast %add3A_475 : i32 to index
        %swap3A_477 = arith.constant 0 : index
        %swap3A_478 = tpu.vector_load %arg16[%swap3A_476, %swap3A_477] {strides = array<i32>} : memref<128x16xf32, #tpu.memory_space<vmem>>, vector<16xf32>,
        tpu.vector_store %arg16[%swap3A_476, %swap3A_477], %select_n3A_471 {strides = array<i32>} : memref<128x16xf32, #tpu.memory_space<vmem>>, vector<16xf32>,
        %slice3A_479 = vector.extract_strided_slice %get3A_416 {offsets = [2], sizes = [1], strides = [1]} : vector<16xf32> to vector<1xf32>
        %squeeze3A_480 = vector.extract %slice3A_479[0] : f32 from vector<1xf32>
        %slice3A_481 = vector.extract_strided_slice %get3A_420 {offsets = [2], sizes = [1], strides = [1]} : vector<16xf32> to vector<1xf32>
        %squeeze3A_482 = vector.extract %slice3A_481[0] : f32 from vector<1xf32>
        %mul3A_483 = arith.constant 16 : i32
        %mul3A_484 = arith.muli %add3A_412, %mul3A_483 : i32
        %add3A_485 = arith.constant 2 : i32
        %add3A_486 = arith.addi %mul3A_484, %add3A_485 : i32
        %get3A_487 = arith.index_cast %add3A_486 : i32 to index
        %get3A_488 = arith.constant 0 : index
        %get3A_489 = tpu.vector_load %arg16[%get3A_487, %get3A_488] {strides = array<i32>} : memref<128x16xf32, #tpu.memory_space<vmem>>, vector<16xf32>,
        %mul3A_490 = vector.broadcast %squeeze3A_480 : f32 to vector<16xf32>
        %mul3A_491 = arith.mulf %get3A_489, %mul3A_490 : vector<16xf32>
        %eq3A_492 = arith.constant 10 : i32
        %eq3A_493 = vector.broadcast %eq3A_492 : i32 to vector<16xi32>
        %eq3A_494 = arith.cmpi eq, %iota3A, %eq3A_493 : vector<16xi32>
        %broadcast_in_dim3A_495 = vector.broadcast %squeeze3A_480 : f32 to vector<16xf32>
        %select_n3A_496 = arith.select %eq3A_494, %broadcast_in_dim3A_495, %mul3A_491 : vector<16xi1>, vector<16xf32>
        %eq3A_497 = arith.constant 11 : i32
        %eq3A_498 = vector.broadcast %eq3A_497 : i32 to vector<16xi32>
        %eq3A_499 = arith.cmpi eq, %iota3A, %eq3A_498 : vector<16xi32>
        %broadcast_in_dim3A_500 = vector.broadcast %squeeze3A_482 : f32 to vector<16xf32>
        %select_n3A_501 = arith.select %eq3A_499, %broadcast_in_dim3A_500, %select_n3A_496 : vector<16xi1>, vector<16xf32>
        %mul3A_502 = arith.constant 16 : i32
        %mul3A_503 = arith.muli %add3A_412, %mul3A_502 : i32
        %add3A_504 = arith.constant 2 : i32
        %add3A_505 = arith.addi %mul3A_503, %add3A_504 : i32
        %swap3A_506 = arith.index_cast %add3A_505 : i32 to index
        %swap3A_507 = arith.constant 0 : index
        %swap3A_508 = tpu.vector_load %arg16[%swap3A_506, %swap3A_507] {strides = array<i32>} : memref<128x16xf32, #tpu.memory_space<vmem>>, vector<16xf32>,
        tpu.vector_store %arg16[%swap3A_506, %swap3A_507], %select_n3A_501 {strides = array<i32>} : memref<128x16xf32, #tpu.memory_space<vmem>>, vector<16xf32>,
        %slice3A_509 = vector.extract_strided_slice %get3A_416 {offsets = [3], sizes = [1], strides = [1]} : vector<16xf32> to vector<1xf32>
        %squeeze3A_510 = vector.extract %slice3A_509[0] : f32 from vector<1xf32>
        %slice3A_511 = vector.extract_strided_slice %get3A_420 {offsets = [3], sizes = [1], strides = [1]} : vector<16xf32> to vector<1xf32>
        %squeeze3A_512 = vector.extract %slice3A_511[0] : f32 from vector<1xf32>
        %mul3A_513 = arith.constant 16 : i32
        %mul3A_514 = arith.muli %add3A_412, %mul3A_513 : i32
        %add3A_515 = arith.constant 3 : i32
        %add3A_516 = arith.addi %mul3A_514, %add3A_515 : i32
        %get3A_517 = arith.index_cast %add3A_516 : i32 to index
        %get3A_518 = arith.constant 0 : index
        %get3A_519 = tpu.vector_load %arg16[%get3A_517, %get3A_518] {strides = array<i32>} : memref<128x16xf32, #tpu.memory_space<vmem>>, vector<16xf32>,
        %mul3A_520 = vector.broadcast %squeeze3A_510 : f32 to vector<16xf32>
        %mul3A_521 = arith.mulf %get3A_519, %mul3A_520 : vector<16xf32>
        %eq3A_522 = arith.constant 10 : i32
        %eq3A_523 = vector.broadcast %eq3A_522 : i32 to vector<16xi32>
        %eq3A_524 = arith.cmpi eq, %iota3A, %eq3A_523 : vector<16xi32>
        %broadcast_in_dim3A_525 = vector.broadcast %squeeze3A_510 : f32 to vector<16xf32>
        %select_n3A_526 = arith.select %eq3A_524, %broadcast_in_dim3A_525, %mul3A_521 : vector<16xi1>, vector<16xf32>
        %eq3A_527 = arith.constant 11 : i32
        %eq3A_528 = vector.broadcast %eq3A_527 : i32 to vector<16xi32>
        %eq3A_529 = arith.cmpi eq, %iota3A, %eq3A_528 : vector<16xi32>
        %broadcast_in_dim3A_530 = vector.broadcast %squeeze3A_512 : f32 to vector<16xf32>
        %select_n3A_531 = arith.select %eq3A_529, %broadcast_in_dim3A_530, %select_n3A_526 : vector<16xi1>, vector<16xf32>
        %mul3A_532 = arith.constant 16 : i32
        %mul3A_533 = arith.muli %add3A_412, %mul3A_532 : i32
        %add3A_534 = arith.constant 3 : i32
        %add3A_535 = arith.addi %mul3A_533, %add3A_534 : i32
        %swap3A_536 = arith.index_cast %add3A_535 : i32 to index
        %swap3A_537 = arith.constant 0 : index
        %swap3A_538 = tpu.vector_load %arg16[%swap3A_536, %swap3A_537] {strides = array<i32>} : memref<128x16xf32, #tpu.memory_space<vmem>>, vector<16xf32>,
        tpu.vector_store %arg16[%swap3A_536, %swap3A_537], %select_n3A_531 {strides = array<i32>} : memref<128x16xf32, #tpu.memory_space<vmem>>, vector<16xf32>,
        %slice3A_539 = vector.extract_strided_slice %get3A_416 {offsets = [4], sizes = [1], strides = [1]} : vector<16xf32> to vector<1xf32>
        %squeeze3A_540 = vector.extract %slice3A_539[0] : f32 from vector<1xf32>
        %slice3A_541 = vector.extract_strided_slice %get3A_420 {offsets = [4], sizes = [1], strides = [1]} : vector<16xf32> to vector<1xf32>
        %squeeze3A_542 = vector.extract %slice3A_541[0] : f32 from vector<1xf32>
        %mul3A_543 = arith.constant 16 : i32
        %mul3A_544 = arith.muli %add3A_412, %mul3A_543 : i32
        %add3A_545 = arith.constant 4 : i32
        %add3A_546 = arith.addi %mul3A_544, %add3A_545 : i32
        %get3A_547 = arith.index_cast %add3A_546 : i32 to index
        %get3A_548 = arith.constant 0 : index
        %get3A_549 = tpu.vector_load %arg16[%get3A_547, %get3A_548] {strides = array<i32>} : memref<128x16xf32, #tpu.memory_space<vmem>>, vector<16xf32>,
        %mul3A_550 = vector.broadcast %squeeze3A_540 : f32 to vector<16xf32>
        %mul3A_551 = arith.mulf %get3A_549, %mul3A_550 : vector<16xf32>
        %eq3A_552 = arith.constant 10 : i32
        %eq3A_553 = vector.broadcast %eq3A_552 : i32 to vector<16xi32>
        %eq3A_554 = arith.cmpi eq, %iota3A, %eq3A_553 : vector<16xi32>
        %broadcast_in_dim3A_555 = vector.broadcast %squeeze3A_540 : f32 to vector<16xf32>
        %select_n3A_556 = arith.select %eq3A_554, %broadcast_in_dim3A_555, %mul3A_551 : vector<16xi1>, vector<16xf32>
        %eq3A_557 = arith.constant 11 : i32
        %eq3A_558 = vector.broadcast %eq3A_557 : i32 to vector<16xi32>
        %eq3A_559 = arith.cmpi eq, %iota3A, %eq3A_558 : vector<16xi32>
        %broadcast_in_dim3A_560 = vector.broadcast %squeeze3A_542 : f32 to vector<16xf32>
        %select_n3A_561 = arith.select %eq3A_559, %broadcast_in_dim3A_560, %select_n3A_556 : vector<16xi1>, vector<16xf32>
        %mul3A_562 = arith.constant 16 : i32
        %mul3A_563 = arith.muli %add3A_412, %mul3A_562 : i32
        %add3A_564 = arith.constant 4 : i32
        %add3A_565 = arith.addi %mul3A_563, %add3A_564 : i32
        %swap3A_566 = arith.index_cast %add3A_565 : i32 to index
        %swap3A_567 = arith.constant 0 : index
        %swap3A_568 = tpu.vector_load %arg16[%swap3A_566, %swap3A_567] {strides = array<i32>} : memref<128x16xf32, #tpu.memory_space<vmem>>, vector<16xf32>,
        tpu.vector_store %arg16[%swap3A_566, %swap3A_567], %select_n3A_561 {strides = array<i32>} : memref<128x16xf32, #tpu.memory_space<vmem>>, vector<16xf32>,
        %slice3A_569 = vector.extract_strided_slice %get3A_416 {offsets = [5], sizes = [1], strides = [1]} : vector<16xf32> to vector<1xf32>
        %squeeze3A_570 = vector.extract %slice3A_569[0] : f32 from vector<1xf32>
        %slice3A_571 = vector.extract_strided_slice %get3A_420 {offsets = [5], sizes = [1], strides = [1]} : vector<16xf32> to vector<1xf32>
        %squeeze3A_572 = vector.extract %slice3A_571[0] : f32 from vector<1xf32>
        %mul3A_573 = arith.constant 16 : i32
        %mul3A_574 = arith.muli %add3A_412, %mul3A_573 : i32
        %add3A_575 = arith.constant 5 : i32
        %add3A_576 = arith.addi %mul3A_574, %add3A_575 : i32
        %get3A_577 = arith.index_cast %add3A_576 : i32 to index
        %get3A_578 = arith.constant 0 : index
        %get3A_579 = tpu.vector_load %arg16[%get3A_577, %get3A_578] {strides = array<i32>} : memref<128x16xf32, #tpu.memory_space<vmem>>, vector<16xf32>,
        %mul3A_580 = vector.broadcast %squeeze3A_570 : f32 to vector<16xf32>
        %mul3A_581 = arith.mulf %get3A_579, %mul3A_580 : vector<16xf32>
        %eq3A_582 = arith.constant 10 : i32
        %eq3A_583 = vector.broadcast %eq3A_582 : i32 to vector<16xi32>
        %eq3A_584 = arith.cmpi eq, %iota3A, %eq3A_583 : vector<16xi32>
        %broadcast_in_dim3A_585 = vector.broadcast %squeeze3A_570 : f32 to vector<16xf32>
        %select_n3A_586 = arith.select %eq3A_584, %broadcast_in_dim3A_585, %mul3A_581 : vector<16xi1>, vector<16xf32>
        %eq3A_587 = arith.constant 11 : i32
        %eq3A_588 = vector.broadcast %eq3A_587 : i32 to vector<16xi32>
        %eq3A_589 = arith.cmpi eq, %iota3A, %eq3A_588 : vector<16xi32>
        %broadcast_in_dim3A_590 = vector.broadcast %squeeze3A_572 : f32 to vector<16xf32>
        %select_n3A_591 = arith.select %eq3A_589, %broadcast_in_dim3A_590, %select_n3A_586 : vector<16xi1>, vector<16xf32>
        %mul3A_592 = arith.constant 16 : i32
        %mul3A_593 = arith.muli %add3A_412, %mul3A_592 : i32
        %add3A_594 = arith.constant 5 : i32
        %add3A_595 = arith.addi %mul3A_593, %add3A_594 : i32
        %swap3A_596 = arith.index_cast %add3A_595 : i32 to index
        %swap3A_597 = arith.constant 0 : index
        %swap3A_598 = tpu.vector_load %arg16[%swap3A_596, %swap3A_597] {strides = array<i32>} : memref<128x16xf32, #tpu.memory_space<vmem>>, vector<16xf32>,
        tpu.vector_store %arg16[%swap3A_596, %swap3A_597], %select_n3A_591 {strides = array<i32>} : memref<128x16xf32, #tpu.memory_space<vmem>>, vector<16xf32>,
        %slice3A_599 = vector.extract_strided_slice %get3A_416 {offsets = [6], sizes = [1], strides = [1]} : vector<16xf32> to vector<1xf32>
        %squeeze3A_600 = vector.extract %slice3A_599[0] : f32 from vector<1xf32>
        %slice3A_601 = vector.extract_strided_slice %get3A_420 {offsets = [6], sizes = [1], strides = [1]} : vector<16xf32> to vector<1xf32>
        %squeeze3A_602 = vector.extract %slice3A_601[0] : f32 from vector<1xf32>
        %mul3A_603 = arith.constant 16 : i32
        %mul3A_604 = arith.muli %add3A_412, %mul3A_603 : i32
        %add3A_605 = arith.constant 6 : i32
        %add3A_606 = arith.addi %mul3A_604, %add3A_605 : i32
        %get3A_607 = arith.index_cast %add3A_606 : i32 to index
        %get3A_608 = arith.constant 0 : index
        %get3A_609 = tpu.vector_load %arg16[%get3A_607, %get3A_608] {strides = array<i32>} : memref<128x16xf32, #tpu.memory_space<vmem>>, vector<16xf32>,
        %mul3A_610 = vector.broadcast %squeeze3A_600 : f32 to vector<16xf32>
        %mul3A_611 = arith.mulf %get3A_609, %mul3A_610 : vector<16xf32>
        %eq3A_612 = arith.constant 10 : i32
        %eq3A_613 = vector.broadcast %eq3A_612 : i32 to vector<16xi32>
        %eq3A_614 = arith.cmpi eq, %iota3A, %eq3A_613 : vector<16xi32>
        %broadcast_in_dim3A_615 = vector.broadcast %squeeze3A_600 : f32 to vector<16xf32>
        %select_n3A_616 = arith.select %eq3A_614, %broadcast_in_dim3A_615, %mul3A_611 : vector<16xi1>, vector<16xf32>
        %eq3A_617 = arith.constant 11 : i32
        %eq3A_618 = vector.broadcast %eq3A_617 : i32 to vector<16xi32>
        %eq3A_619 = arith.cmpi eq, %iota3A, %eq3A_618 : vector<16xi32>
        %broadcast_in_dim3A_620 = vector.broadcast %squeeze3A_602 : f32 to vector<16xf32>
        %select_n3A_621 = arith.select %eq3A_619, %broadcast_in_dim3A_620, %select_n3A_616 : vector<16xi1>, vector<16xf32>
        %mul3A_622 = arith.constant 16 : i32
        %mul3A_623 = arith.muli %add3A_412, %mul3A_622 : i32
        %add3A_624 = arith.constant 6 : i32
        %add3A_625 = arith.addi %mul3A_623, %add3A_624 : i32
        %swap3A_626 = arith.index_cast %add3A_625 : i32 to index
        %swap3A_627 = arith.constant 0 : index
        %swap3A_628 = tpu.vector_load %arg16[%swap3A_626, %swap3A_627] {strides = array<i32>} : memref<128x16xf32, #tpu.memory_space<vmem>>, vector<16xf32>,
        tpu.vector_store %arg16[%swap3A_626, %swap3A_627], %select_n3A_621 {strides = array<i32>} : memref<128x16xf32, #tpu.memory_space<vmem>>, vector<16xf32>,
        %slice3A_629 = vector.extract_strided_slice %get3A_416 {offsets = [7], sizes = [1], strides = [1]} : vector<16xf32> to vector<1xf32>
        %squeeze3A_630 = vector.extract %slice3A_629[0] : f32 from vector<1xf32>
        %slice3A_631 = vector.extract_strided_slice %get3A_420 {offsets = [7], sizes = [1], strides = [1]} : vector<16xf32> to vector<1xf32>
        %squeeze3A_632 = vector.extract %slice3A_631[0] : f32 from vector<1xf32>
        %mul3A_633 = arith.constant 16 : i32
        %mul3A_634 = arith.muli %add3A_412, %mul3A_633 : i32
        %add3A_635 = arith.constant 7 : i32
        %add3A_636 = arith.addi %mul3A_634, %add3A_635 : i32
        %get3A_637 = arith.index_cast %add3A_636 : i32 to index
        %get3A_638 = arith.constant 0 : index
        %get3A_639 = tpu.vector_load %arg16[%get3A_637, %get3A_638] {strides = array<i32>} : memref<128x16xf32, #tpu.memory_space<vmem>>, vector<16xf32>,
        %mul3A_640 = vector.broadcast %squeeze3A_630 : f32 to vector<16xf32>
        %mul3A_641 = arith.mulf %get3A_639, %mul3A_640 : vector<16xf32>
        %eq3A_642 = arith.constant 10 : i32
        %eq3A_643 = vector.broadcast %eq3A_642 : i32 to vector<16xi32>
        %eq3A_644 = arith.cmpi eq, %iota3A, %eq3A_643 : vector<16xi32>
        %broadcast_in_dim3A_645 = vector.broadcast %squeeze3A_630 : f32 to vector<16xf32>
        %select_n3A_646 = arith.select %eq3A_644, %broadcast_in_dim3A_645, %mul3A_641 : vector<16xi1>, vector<16xf32>
        %eq3A_647 = arith.constant 11 : i32
        %eq3A_648 = vector.broadcast %eq3A_647 : i32 to vector<16xi32>
        %eq3A_649 = arith.cmpi eq, %iota3A, %eq3A_648 : vector<16xi32>
        %broadcast_in_dim3A_650 = vector.broadcast %squeeze3A_632 : f32 to vector<16xf32>
        %select_n3A_651 = arith.select %eq3A_649, %broadcast_in_dim3A_650, %select_n3A_646 : vector<16xi1>, vector<16xf32>
        %mul3A_652 = arith.constant 16 : i32
        %mul3A_653 = arith.muli %add3A_412, %mul3A_652 : i32
        %add3A_654 = arith.constant 7 : i32
        %add3A_655 = arith.addi %mul3A_653, %add3A_654 : i32
        %swap3A_656 = arith.index_cast %add3A_655 : i32 to index
        %swap3A_657 = arith.constant 0 : index
        %swap3A_658 = tpu.vector_load %arg16[%swap3A_656, %swap3A_657] {strides = array<i32>} : memref<128x16xf32, #tpu.memory_space<vmem>>, vector<16xf32>,
        tpu.vector_store %arg16[%swap3A_656, %swap3A_657], %select_n3A_651 {strides = array<i32>} : memref<128x16xf32, #tpu.memory_space<vmem>>, vector<16xf32>,
        %slice3A_659 = vector.extract_strided_slice %get3A_416 {offsets = [8], sizes = [1], strides = [1]} : vector<16xf32> to vector<1xf32>
        %squeeze3A_660 = vector.extract %slice3A_659[0] : f32 from vector<1xf32>
        %slice3A_661 = vector.extract_strided_slice %get3A_420 {offsets = [8], sizes = [1], strides = [1]} : vector<16xf32> to vector<1xf32>
        %squeeze3A_662 = vector.extract %slice3A_661[0] : f32 from vector<1xf32>
        %mul3A_663 = arith.constant 16 : i32
        %mul3A_664 = arith.muli %add3A_412, %mul3A_663 : i32
        %add3A_665 = arith.constant 8 : i32
        %add3A_666 = arith.addi %mul3A_664, %add3A_665 : i32
        %get3A_667 = arith.index_cast %add3A_666 : i32 to index
        %get3A_668 = arith.constant 0 : index
        %get3A_669 = tpu.vector_load %arg16[%get3A_667, %get3A_668] {strides = array<i32>} : memref<128x16xf32, #tpu.memory_space<vmem>>, vector<16xf32>,
        %mul3A_670 = vector.broadcast %squeeze3A_660 : f32 to vector<16xf32>
        %mul3A_671 = arith.mulf %get3A_669, %mul3A_670 : vector<16xf32>
        %eq3A_672 = arith.constant 10 : i32
        %eq3A_673 = vector.broadcast %eq3A_672 : i32 to vector<16xi32>
        %eq3A_674 = arith.cmpi eq, %iota3A, %eq3A_673 : vector<16xi32>
        %broadcast_in_dim3A_675 = vector.broadcast %squeeze3A_660 : f32 to vector<16xf32>
        %select_n3A_676 = arith.select %eq3A_674, %broadcast_in_dim3A_675, %mul3A_671 : vector<16xi1>, vector<16xf32>
        %eq3A_677 = arith.constant 11 : i32
        %eq3A_678 = vector.broadcast %eq3A_677 : i32 to vector<16xi32>
        %eq3A_679 = arith.cmpi eq, %iota3A, %eq3A_678 : vector<16xi32>
        %broadcast_in_dim3A_680 = vector.broadcast %squeeze3A_662 : f32 to vector<16xf32>
        %select_n3A_681 = arith.select %eq3A_679, %broadcast_in_dim3A_680, %select_n3A_676 : vector<16xi1>, vector<16xf32>
        %mul3A_682 = arith.constant 16 : i32
        %mul3A_683 = arith.muli %add3A_412, %mul3A_682 : i32
        %add3A_684 = arith.constant 8 : i32
        %add3A_685 = arith.addi %mul3A_683, %add3A_684 : i32
        %swap3A_686 = arith.index_cast %add3A_685 : i32 to index
        %swap3A_687 = arith.constant 0 : index
        %swap3A_688 = tpu.vector_load %arg16[%swap3A_686, %swap3A_687] {strides = array<i32>} : memref<128x16xf32, #tpu.memory_space<vmem>>, vector<16xf32>,
        tpu.vector_store %arg16[%swap3A_686, %swap3A_687], %select_n3A_681 {strides = array<i32>} : memref<128x16xf32, #tpu.memory_space<vmem>>, vector<16xf32>,
        %slice3A_689 = vector.extract_strided_slice %get3A_416 {offsets = [9], sizes = [1], strides = [1]} : vector<16xf32> to vector<1xf32>
        %squeeze3A_690 = vector.extract %slice3A_689[0] : f32 from vector<1xf32>
        %slice3A_691 = vector.extract_strided_slice %get3A_420 {offsets = [9], sizes = [1], strides = [1]} : vector<16xf32> to vector<1xf32>
        %squeeze3A_692 = vector.extract %slice3A_691[0] : f32 from vector<1xf32>
        %mul3A_693 = arith.constant 16 : i32
        %mul3A_694 = arith.muli %add3A_412, %mul3A_693 : i32
        %add3A_695 = arith.constant 9 : i32
        %add3A_696 = arith.addi %mul3A_694, %add3A_695 : i32
        %get3A_697 = arith.index_cast %add3A_696 : i32 to index
        %get3A_698 = arith.constant 0 : index
        %get3A_699 = tpu.vector_load %arg16[%get3A_697, %get3A_698] {strides = array<i32>} : memref<128x16xf32, #tpu.memory_space<vmem>>, vector<16xf32>,
        %mul3A_700 = vector.broadcast %squeeze3A_690 : f32 to vector<16xf32>
        %mul3A_701 = arith.mulf %get3A_699, %mul3A_700 : vector<16xf32>
        %eq3A_702 = arith.constant 10 : i32
        %eq3A_703 = vector.broadcast %eq3A_702 : i32 to vector<16xi32>
        %eq3A_704 = arith.cmpi eq, %iota3A, %eq3A_703 : vector<16xi32>
        %broadcast_in_dim3A_705 = vector.broadcast %squeeze3A_690 : f32 to vector<16xf32>
        %select_n3A_706 = arith.select %eq3A_704, %broadcast_in_dim3A_705, %mul3A_701 : vector<16xi1>, vector<16xf32>
        %eq3A_707 = arith.constant 11 : i32
        %eq3A_708 = vector.broadcast %eq3A_707 : i32 to vector<16xi32>
        %eq3A_709 = arith.cmpi eq, %iota3A, %eq3A_708 : vector<16xi32>
        %broadcast_in_dim3A_710 = vector.broadcast %squeeze3A_692 : f32 to vector<16xf32>
        %select_n3A_711 = arith.select %eq3A_709, %broadcast_in_dim3A_710, %select_n3A_706 : vector<16xi1>, vector<16xf32>
        %mul3A_712 = arith.constant 16 : i32
        %mul3A_713 = arith.muli %add3A_412, %mul3A_712 : i32
        %add3A_714 = arith.constant 9 : i32
        %add3A_715 = arith.addi %mul3A_713, %add3A_714 : i32
        %swap3A_716 = arith.index_cast %add3A_715 : i32 to index
        %swap3A_717 = arith.constant 0 : index
        %swap3A_718 = tpu.vector_load %arg16[%swap3A_716, %swap3A_717] {strides = array<i32>} : memref<128x16xf32, #tpu.memory_space<vmem>>, vector<16xf32>,
        tpu.vector_store %arg16[%swap3A_716, %swap3A_717], %select_n3A_711 {strides = array<i32>} : memref<128x16xf32, #tpu.memory_space<vmem>>, vector<16xf32>,
        %slice3A_719 = vector.extract_strided_slice %get3A_416 {offsets = [10], sizes = [1], strides = [1]} : vector<16xf32> to vector<1xf32>
        %squeeze3A_720 = vector.extract %slice3A_719[0] : f32 from vector<1xf32>
        %slice3A_721 = vector.extract_strided_slice %get3A_420 {offsets = [10], sizes = [1], strides = [1]} : vector<16xf32> to vector<1xf32>
        %squeeze3A_722 = vector.extract %slice3A_721[0] : f32 from vector<1xf32>
        %mul3A_723 = arith.constant 16 : i32
        %mul3A_724 = arith.muli %add3A_412, %mul3A_723 : i32
        %add3A_725 = arith.constant 10 : i32
        %add3A_726 = arith.addi %mul3A_724, %add3A_725 : i32
        %get3A_727 = arith.index_cast %add3A_726 : i32 to index
        %get3A_728 = arith.constant 0 : index
        %get3A_729 = tpu.vector_load %arg16[%get3A_727, %get3A_728] {strides = array<i32>} : memref<128x16xf32, #tpu.memory_space<vmem>>, vector<16xf32>,
        %mul3A_730 = vector.broadcast %squeeze3A_720 : f32 to vector<16xf32>
        %mul3A_731 = arith.mulf %get3A_729, %mul3A_730 : vector<16xf32>
        %eq3A_732 = arith.constant 10 : i32
        %eq3A_733 = vector.broadcast %eq3A_732 : i32 to vector<16xi32>
        %eq3A_734 = arith.cmpi eq, %iota3A, %eq3A_733 : vector<16xi32>
        %broadcast_in_dim3A_735 = vector.broadcast %squeeze3A_720 : f32 to vector<16xf32>
        %select_n3A_736 = arith.select %eq3A_734, %broadcast_in_dim3A_735, %mul3A_731 : vector<16xi1>, vector<16xf32>
        %eq3A_737 = arith.constant 11 : i32
        %eq3A_738 = vector.broadcast %eq3A_737 : i32 to vector<16xi32>
        %eq3A_739 = arith.cmpi eq, %iota3A, %eq3A_738 : vector<16xi32>
        %broadcast_in_dim3A_740 = vector.broadcast %squeeze3A_722 : f32 to vector<16xf32>
        %select_n3A_741 = arith.select %eq3A_739, %broadcast_in_dim3A_740, %select_n3A_736 : vector<16xi1>, vector<16xf32>
        %mul3A_742 = arith.constant 16 : i32
        %mul3A_743 = arith.muli %add3A_412, %mul3A_742 : i32
        %add3A_744 = arith.constant 10 : i32
        %add3A_745 = arith.addi %mul3A_743, %add3A_744 : i32
        %swap3A_746 = arith.index_cast %add3A_745 : i32 to index
        %swap3A_747 = arith.constant 0 : index
        %swap3A_748 = tpu.vector_load %arg16[%swap3A_746, %swap3A_747] {strides = array<i32>} : memref<128x16xf32, #tpu.memory_space<vmem>>, vector<16xf32>,
        tpu.vector_store %arg16[%swap3A_746, %swap3A_747], %select_n3A_741 {strides = array<i32>} : memref<128x16xf32, #tpu.memory_space<vmem>>, vector<16xf32>,
        %slice3A_749 = vector.extract_strided_slice %get3A_416 {offsets = [11], sizes = [1], strides = [1]} : vector<16xf32> to vector<1xf32>
        %squeeze3A_750 = vector.extract %slice3A_749[0] : f32 from vector<1xf32>
        %slice3A_751 = vector.extract_strided_slice %get3A_420 {offsets = [11], sizes = [1], strides = [1]} : vector<16xf32> to vector<1xf32>
        %squeeze3A_752 = vector.extract %slice3A_751[0] : f32 from vector<1xf32>
        %mul3A_753 = arith.constant 16 : i32
        %mul3A_754 = arith.muli %add3A_412, %mul3A_753 : i32
        %add3A_755 = arith.constant 11 : i32
        %add3A_756 = arith.addi %mul3A_754, %add3A_755 : i32
        %get3A_757 = arith.index_cast %add3A_756 : i32 to index
        %get3A_758 = arith.constant 0 : index
        %get3A_759 = tpu.vector_load %arg16[%get3A_757, %get3A_758] {strides = array<i32>} : memref<128x16xf32, #tpu.memory_space<vmem>>, vector<16xf32>,
        %mul3A_760 = vector.broadcast %squeeze3A_750 : f32 to vector<16xf32>
        %mul3A_761 = arith.mulf %get3A_759, %mul3A_760 : vector<16xf32>
        %eq3A_762 = arith.constant 10 : i32
        %eq3A_763 = vector.broadcast %eq3A_762 : i32 to vector<16xi32>
        %eq3A_764 = arith.cmpi eq, %iota3A, %eq3A_763 : vector<16xi32>
        %broadcast_in_dim3A_765 = vector.broadcast %squeeze3A_750 : f32 to vector<16xf32>
        %select_n3A_766 = arith.select %eq3A_764, %broadcast_in_dim3A_765, %mul3A_761 : vector<16xi1>, vector<16xf32>
        %eq3A_767 = arith.constant 11 : i32
        %eq3A_768 = vector.broadcast %eq3A_767 : i32 to vector<16xi32>
        %eq3A_769 = arith.cmpi eq, %iota3A, %eq3A_768 : vector<16xi32>
        %broadcast_in_dim3A_770 = vector.broadcast %squeeze3A_752 : f32 to vector<16xf32>
        %select_n3A_771 = arith.select %eq3A_769, %broadcast_in_dim3A_770, %select_n3A_766 : vector<16xi1>, vector<16xf32>
        %mul3A_772 = arith.constant 16 : i32
        %mul3A_773 = arith.muli %add3A_412, %mul3A_772 : i32
        %add3A_774 = arith.constant 11 : i32
        %add3A_775 = arith.addi %mul3A_773, %add3A_774 : i32
        %swap3A_776 = arith.index_cast %add3A_775 : i32 to index
        %swap3A_777 = arith.constant 0 : index
        %swap3A_778 = tpu.vector_load %arg16[%swap3A_776, %swap3A_777] {strides = array<i32>} : memref<128x16xf32, #tpu.memory_space<vmem>>, vector<16xf32>,
        tpu.vector_store %arg16[%swap3A_776, %swap3A_777], %select_n3A_771 {strides = array<i32>} : memref<128x16xf32, #tpu.memory_space<vmem>>, vector<16xf32>,
        %slice3A_779 = vector.extract_strided_slice %get3A_416 {offsets = [12], sizes = [1], strides = [1]} : vector<16xf32> to vector<1xf32>
        %squeeze3A_780 = vector.extract %slice3A_779[0] : f32 from vector<1xf32>
        %slice3A_781 = vector.extract_strided_slice %get3A_420 {offsets = [12], sizes = [1], strides = [1]} : vector<16xf32> to vector<1xf32>
        %squeeze3A_782 = vector.extract %slice3A_781[0] : f32 from vector<1xf32>
        %mul3A_783 = arith.constant 16 : i32
        %mul3A_784 = arith.muli %add3A_412, %mul3A_783 : i32
        %add3A_785 = arith.constant 12 : i32
        %add3A_786 = arith.addi %mul3A_784, %add3A_785 : i32
        %get3A_787 = arith.index_cast %add3A_786 : i32 to index
        %get3A_788 = arith.constant 0 : index
        %get3A_789 = tpu.vector_load %arg16[%get3A_787, %get3A_788] {strides = array<i32>} : memref<128x16xf32, #tpu.memory_space<vmem>>, vector<16xf32>,
        %mul3A_790 = vector.broadcast %squeeze3A_780 : f32 to vector<16xf32>
        %mul3A_791 = arith.mulf %get3A_789, %mul3A_790 : vector<16xf32>
        %eq3A_792 = arith.constant 10 : i32
        %eq3A_793 = vector.broadcast %eq3A_792 : i32 to vector<16xi32>
        %eq3A_794 = arith.cmpi eq, %iota3A, %eq3A_793 : vector<16xi32>
        %broadcast_in_dim3A_795 = vector.broadcast %squeeze3A_780 : f32 to vector<16xf32>
        %select_n3A_796 = arith.select %eq3A_794, %broadcast_in_dim3A_795, %mul3A_791 : vector<16xi1>, vector<16xf32>
        %eq3A_797 = arith.constant 11 : i32
        %eq3A_798 = vector.broadcast %eq3A_797 : i32 to vector<16xi32>
        %eq3A_799 = arith.cmpi eq, %iota3A, %eq3A_798 : vector<16xi32>
        %broadcast_in_dim3A_800 = vector.broadcast %squeeze3A_782 : f32 to vector<16xf32>
        %select_n3A_801 = arith.select %eq3A_799, %broadcast_in_dim3A_800, %select_n3A_796 : vector<16xi1>, vector<16xf32>
        %mul3A_802 = arith.constant 16 : i32
        %mul3A_803 = arith.muli %add3A_412, %mul3A_802 : i32
        %add3A_804 = arith.constant 12 : i32
        %add3A_805 = arith.addi %mul3A_803, %add3A_804 : i32
        %swap3A_806 = arith.index_cast %add3A_805 : i32 to index
        %swap3A_807 = arith.constant 0 : index
        %swap3A_808 = tpu.vector_load %arg16[%swap3A_806, %swap3A_807] {strides = array<i32>} : memref<128x16xf32, #tpu.memory_space<vmem>>, vector<16xf32>,
        tpu.vector_store %arg16[%swap3A_806, %swap3A_807], %select_n3A_801 {strides = array<i32>} : memref<128x16xf32, #tpu.memory_space<vmem>>, vector<16xf32>,
        %slice3A_809 = vector.extract_strided_slice %get3A_416 {offsets = [13], sizes = [1], strides = [1]} : vector<16xf32> to vector<1xf32>
        %squeeze3A_810 = vector.extract %slice3A_809[0] : f32 from vector<1xf32>
        %slice3A_811 = vector.extract_strided_slice %get3A_420 {offsets = [13], sizes = [1], strides = [1]} : vector<16xf32> to vector<1xf32>
        %squeeze3A_812 = vector.extract %slice3A_811[0] : f32 from vector<1xf32>
        %mul3A_813 = arith.constant 16 : i32
        %mul3A_814 = arith.muli %add3A_412, %mul3A_813 : i32
        %add3A_815 = arith.constant 13 : i32
        %add3A_816 = arith.addi %mul3A_814, %add3A_815 : i32
        %get3A_817 = arith.index_cast %add3A_816 : i32 to index
        %get3A_818 = arith.constant 0 : index
        %get3A_819 = tpu.vector_load %arg16[%get3A_817, %get3A_818] {strides = array<i32>} : memref<128x16xf32, #tpu.memory_space<vmem>>, vector<16xf32>,
        %mul3A_820 = vector.broadcast %squeeze3A_810 : f32 to vector<16xf32>
        %mul3A_821 = arith.mulf %get3A_819, %mul3A_820 : vector<16xf32>
        %eq3A_822 = arith.constant 10 : i32
        %eq3A_823 = vector.broadcast %eq3A_822 : i32 to vector<16xi32>
        %eq3A_824 = arith.cmpi eq, %iota3A, %eq3A_823 : vector<16xi32>
        %broadcast_in_dim3A_825 = vector.broadcast %squeeze3A_810 : f32 to vector<16xf32>
        %select_n3A_826 = arith.select %eq3A_824, %broadcast_in_dim3A_825, %mul3A_821 : vector<16xi1>, vector<16xf32>
        %eq3A_827 = arith.constant 11 : i32
        %eq3A_828 = vector.broadcast %eq3A_827 : i32 to vector<16xi32>
        %eq3A_829 = arith.cmpi eq, %iota3A, %eq3A_828 : vector<16xi32>
        %broadcast_in_dim3A_830 = vector.broadcast %squeeze3A_812 : f32 to vector<16xf32>
        %select_n3A_831 = arith.select %eq3A_829, %broadcast_in_dim3A_830, %select_n3A_826 : vector<16xi1>, vector<16xf32>
        %mul3A_832 = arith.constant 16 : i32
        %mul3A_833 = arith.muli %add3A_412, %mul3A_832 : i32
        %add3A_834 = arith.constant 13 : i32
        %add3A_835 = arith.addi %mul3A_833, %add3A_834 : i32
        %swap3A_836 = arith.index_cast %add3A_835 : i32 to index
        %swap3A_837 = arith.constant 0 : index
        %swap3A_838 = tpu.vector_load %arg16[%swap3A_836, %swap3A_837] {strides = array<i32>} : memref<128x16xf32, #tpu.memory_space<vmem>>, vector<16xf32>,
        tpu.vector_store %arg16[%swap3A_836, %swap3A_837], %select_n3A_831 {strides = array<i32>} : memref<128x16xf32, #tpu.memory_space<vmem>>, vector<16xf32>,
        %slice3A_839 = vector.extract_strided_slice %get3A_416 {offsets = [14], sizes = [1], strides = [1]} : vector<16xf32> to vector<1xf32>
        %squeeze3A_840 = vector.extract %slice3A_839[0] : f32 from vector<1xf32>
        %slice3A_841 = vector.extract_strided_slice %get3A_420 {offsets = [14], sizes = [1], strides = [1]} : vector<16xf32> to vector<1xf32>
        %squeeze3A_842 = vector.extract %slice3A_841[0] : f32 from vector<1xf32>
        %mul3A_843 = arith.constant 16 : i32
        %mul3A_844 = arith.muli %add3A_412, %mul3A_843 : i32
        %add3A_845 = arith.constant 14 : i32
        %add3A_846 = arith.addi %mul3A_844, %add3A_845 : i32
        %get3A_847 = arith.index_cast %add3A_846 : i32 to index
        %get3A_848 = arith.constant 0 : index
        %get3A_849 = tpu.vector_load %arg16[%get3A_847, %get3A_848] {strides = array<i32>} : memref<128x16xf32, #tpu.memory_space<vmem>>, vector<16xf32>,
        %mul3A_850 = vector.broadcast %squeeze3A_840 : f32 to vector<16xf32>
        %mul3A_851 = arith.mulf %get3A_849, %mul3A_850 : vector<16xf32>
        %eq3A_852 = arith.constant 10 : i32
        %eq3A_853 = vector.broadcast %eq3A_852 : i32 to vector<16xi32>
        %eq3A_854 = arith.cmpi eq, %iota3A, %eq3A_853 : vector<16xi32>
        %broadcast_in_dim3A_855 = vector.broadcast %squeeze3A_840 : f32 to vector<16xf32>
        %select_n3A_856 = arith.select %eq3A_854, %broadcast_in_dim3A_855, %mul3A_851 : vector<16xi1>, vector<16xf32>
        %eq3A_857 = arith.constant 11 : i32
        %eq3A_858 = vector.broadcast %eq3A_857 : i32 to vector<16xi32>
        %eq3A_859 = arith.cmpi eq, %iota3A, %eq3A_858 : vector<16xi32>
        %broadcast_in_dim3A_860 = vector.broadcast %squeeze3A_842 : f32 to vector<16xf32>
        %select_n3A_861 = arith.select %eq3A_859, %broadcast_in_dim3A_860, %select_n3A_856 : vector<16xi1>, vector<16xf32>
        %mul3A_862 = arith.constant 16 : i32
        %mul3A_863 = arith.muli %add3A_412, %mul3A_862 : i32
        %add3A_864 = arith.constant 14 : i32
        %add3A_865 = arith.addi %mul3A_863, %add3A_864 : i32
        %swap3A_866 = arith.index_cast %add3A_865 : i32 to index
        %swap3A_867 = arith.constant 0 : index
        %swap3A_868 = tpu.vector_load %arg16[%swap3A_866, %swap3A_867] {strides = array<i32>} : memref<128x16xf32, #tpu.memory_space<vmem>>, vector<16xf32>,
        tpu.vector_store %arg16[%swap3A_866, %swap3A_867], %select_n3A_861 {strides = array<i32>} : memref<128x16xf32, #tpu.memory_space<vmem>>, vector<16xf32>,
        %slice3A_869 = vector.extract_strided_slice %get3A_416 {offsets = [15], sizes = [1], strides = [1]} : vector<16xf32> to vector<1xf32>
        %squeeze3A_870 = vector.extract %slice3A_869[0] : f32 from vector<1xf32>
        %slice3A_871 = vector.extract_strided_slice %get3A_420 {offsets = [15], sizes = [1], strides = [1]} : vector<16xf32> to vector<1xf32>
        %squeeze3A_872 = vector.extract %slice3A_871[0] : f32 from vector<1xf32>
        %mul3A_873 = arith.constant 16 : i32
        %mul3A_874 = arith.muli %add3A_412, %mul3A_873 : i32
        %add3A_875 = arith.constant 15 : i32
        %add3A_876 = arith.addi %mul3A_874, %add3A_875 : i32
        %get3A_877 = arith.index_cast %add3A_876 : i32 to index
        %get3A_878 = arith.constant 0 : index
        %get3A_879 = tpu.vector_load %arg16[%get3A_877, %get3A_878] {strides = array<i32>} : memref<128x16xf32, #tpu.memory_space<vmem>>, vector<16xf32>,
        %mul3A_880 = vector.broadcast %squeeze3A_870 : f32 to vector<16xf32>
        %mul3A_881 = arith.mulf %get3A_879, %mul3A_880 : vector<16xf32>
        %eq3A_882 = arith.constant 10 : i32
        %eq3A_883 = vector.broadcast %eq3A_882 : i32 to vector<16xi32>
        %eq3A_884 = arith.cmpi eq, %iota3A, %eq3A_883 : vector<16xi32>
        %broadcast_in_dim3A_885 = vector.broadcast %squeeze3A_870 : f32 to vector<16xf32>
        %select_n3A_886 = arith.select %eq3A_884, %broadcast_in_dim3A_885, %mul3A_881 : vector<16xi1>, vector<16xf32>
        %eq3A_887 = arith.constant 11 : i32
        %eq3A_888 = vector.broadcast %eq3A_887 : i32 to vector<16xi32>
        %eq3A_889 = arith.cmpi eq, %iota3A, %eq3A_888 : vector<16xi32>
        %broadcast_in_dim3A_890 = vector.broadcast %squeeze3A_872 : f32 to vector<16xf32>
        %select_n3A_891 = arith.select %eq3A_889, %broadcast_in_dim3A_890, %select_n3A_886 : vector<16xi1>, vector<16xf32>
        %mul3A_892 = arith.constant 16 : i32
        %mul3A_893 = arith.muli %add3A_412, %mul3A_892 : i32
        %add3A_894 = arith.constant 15 : i32
        %add3A_895 = arith.addi %mul3A_893, %add3A_894 : i32
        %swap3A_896 = arith.index_cast %add3A_895 : i32 to index
        %swap3A_897 = arith.constant 0 : index
        %swap3A_898 = tpu.vector_load %arg16[%swap3A_896, %swap3A_897] {strides = array<i32>} : memref<128x16xf32, #tpu.memory_space<vmem>>, vector<16xf32>,
        tpu.vector_store %arg16[%swap3A_896, %swap3A_897], %select_n3A_891 {strides = array<i32>} : memref<128x16xf32, #tpu.memory_space<vmem>>, vector<16xf32>,
      }
      %scan3A_407 = arith.constant 8 : i32
      "tpu.region"() ({
        %run_scoped3A = tpu.sem_alloc : memref<!tpu.dma_semaphore, #tpu.memory_space<semaphore_mem>>
        %dma_start3A = arith.constant 0 : i32
        %dma_start3A_408 = arith.constant 0 : i32
        %dma_start3A_409 = tpu.memref_slice %arg18[%dma_start3A, %dma_start3A_408] : memref<10240x16xf32, #tpu.memory_space<vmem_shared>> -> memref<10240x16xf32, #tpu.memory_space<vmem_shared>>
        tpu.enqueue_indirect_dma source(%arg16 : memref<128x16xf32, #tpu.memory_space<vmem>>) target(%dma_start3A_409 : memref<10240x16xf32, #tpu.memory_space<vmem_shared>>) offsets(%arg12 : memref<128xi32, #tpu.memory_space<vmem>>) semaphore(%run_scoped3A : memref<!tpu.dma_semaphore, #tpu.memory_space<semaphore_mem>>) {add = true}
        %dma_wait3A = arith.constant 0 : i32
        %dma_wait3A_410 = arith.constant 0 : i32
        %dma_wait3A_411 = tpu.memref_slice %arg18[%dma_wait3A, %dma_wait3A_410] : memref<10240x16xf32, #tpu.memory_space<vmem_shared>> -> memref<10240x16xf32, #tpu.memory_space<vmem_shared>>
        tpu.wait_indirect_dma semaphore(%run_scoped3A : memref<!tpu.dma_semaphore, #tpu.memory_space<semaphore_mem>>) src(%arg16 : memref<128x16xf32, #tpu.memory_space<vmem>>) dst(%dma_wait3A_411 : memref<10240x16xf32, #tpu.memory_space<vmem_shared>>)
        tpu.yield
      }) : () -> ()
    }
    %scan3A_14 = arith.constant 79 : i32
    %barrier3A_15 = arith.constant 0 : index
    tpu.barrier barrier_id(%barrier3A_15)
    %eq3A = arith.constant 0 : i32
    %eq3A_16 = arith.cmpi eq, %arg1, %eq3A : i32
    %convert_element_type3A = arith.extui %eq3A_16 : i1 to i32
    %cond3A = arith.constant 0 : i32
    %cond3A_17 = arith.cmpi ne, %convert_element_type3A, %cond3A : i32
    scf.if %cond3A_17 {
      "tpu.region"() ({
        %run_scoped3A = tpu.sem_alloc : memref<!tpu.dma_semaphore, #tpu.memory_space<semaphore_mem>>
        %dma_start3A = arith.constant 0 : i32
        %dma_start3A_18 = arith.constant 0 : i32
        %dma_start3A_19 = tpu.memref_slice %arg7[%arg0, %dma_start3A, %dma_start3A_18] : memref<2x10240x16xf32, #tpu.memory_space<hbm>> -> memref<1x10240x16xf32, #tpu.memory_space<hbm>>
        %dma_start3A_20 = tpu.memref_squeeze %dma_start3A_19 : memref<1x10240x16xf32, #tpu.memory_space<hbm>> -> memref<10240x16xf32, #tpu.memory_space<hbm>>
        tpu.enqueue_dma source(%arg18 : memref<10240x16xf32, #tpu.memory_space<vmem_shared>>) target(%dma_start3A_20 : memref<10240x16xf32, #tpu.memory_space<hbm>>) target_semaphore(%run_scoped3A : memref<!tpu.dma_semaphore, #tpu.memory_space<semaphore_mem>>)
        %dma_wait3A = arith.constant 0 : i32
        %dma_wait3A_21 = arith.constant 0 : i32
        %dma_wait3A_22 = tpu.memref_slice %arg7[%arg0, %dma_wait3A, %dma_wait3A_21] : memref<2x10240x16xf32, #tpu.memory_space<hbm>> -> memref<1x10240x16xf32, #tpu.memory_space<hbm>>
        %dma_wait3A_23 = tpu.memref_squeeze %dma_wait3A_22 : memref<1x10240x16xf32, #tpu.memory_space<hbm>> -> memref<10240x16xf32, #tpu.memory_space<hbm>>
        tpu.wait_dma2 semaphore(%run_scoped3A : memref<!tpu.dma_semaphore, #tpu.memory_space<semaphore_mem>>) src(%arg18 : memref<10240x16xf32, #tpu.memory_space<vmem_shared>>) dst(%dma_wait3A_23 : memref<10240x16xf32, #tpu.memory_space<hbm>>)
        tpu.yield
      }) : () -> ()
    } else {
    }
    return
  }
}

module attributes {stable_mosaic.version = 14 : i64} {
  func.func @_mm_body(%arg0: i32, %arg1: memref<1000x128xf32, #tpu.memory_space<vmem>>, %arg2: memref<128x72xf32, #tpu.memory_space<vmem>>, %arg3: memref<1000x72xf32, #tpu.memory_space<vmem>>) attributes {dimension_semantics = [#tpu.dimension_semantics<arbitrary>], iteration_bounds = array<i64: 10>, scalar_prefetch = 0 : i64, scratch_operands = 0 : i64, tpu.core_type = #tpu.core_type<tc>, window_params = [{transform_indices = @transform_0, window_bounds = array<i64: 1000, 128>}, {pipeline_mode = #tpu.pipeline_mode<synchronous>, transform_indices = @transform_1, window_bounds = array<i64: 128, 72>}, {transform_indices = @transform_2, window_bounds = array<i64: 1000, 72>}]} {
    %get3A = arith.constant 0 : index
    %get3A_0 = arith.constant 0 : index
    %get3A_1 = vector.load %arg1[%get3A, %get3A_0] : memref<1000x128xf32, #tpu.memory_space<vmem>>, vector<1000x128xf32>
    %get3A_2 = arith.constant 0 : index
    %get3A_3 = arith.constant 0 : index
    %get3A_4 = vector.load %arg2[%get3A_2, %get3A_3] : memref<128x72xf32, #tpu.memory_space<vmem>>, vector<128x72xf32>
    %dot_general3A = arith.constant dense<0.000000e+00> : vector<1000x72xf32>
    %dot_general3A_5 = tpu.matmul %get3A_1, %get3A_4, %dot_general3A {dimension_numbers = #tpu.dot_dimension_numbers<[1], [0], [0], [1], [0, 0, 1, 1], [], []>, precision = #tpu.contract_precision<fp32>, transpose_lhs_hint = false} : vector<1000x128xf32>, vector<128x72xf32>, vector<1000x72xf32> -> vector<1000x72xf32>
    %swap3A = arith.constant 0 : index
    %swap3A_6 = arith.constant 0 : index
    %swap3A_7 = vector.load %arg3[%swap3A, %swap3A_6] : memref<1000x72xf32, #tpu.memory_space<vmem>>, vector<1000x72xf32>
    tpu.vector_store %arg3[%swap3A, %swap3A_6], %dot_general3A_5 {strides = array<i32>} : memref<1000x72xf32, #tpu.memory_space<vmem>>, vector<1000x72xf32>,
    return
  }
  func.func @transform_0(%arg0: i32) -> (i32, i32) {
    %c0_i32 = arith.constant 0 : i32
    %c0_i32_0 = arith.constant 0 : i32
    return %arg0, %c0_i32 : i32, i32
  }
  func.func @transform_1(%arg0: i32) -> (i32, i32) {
    %c0_i32 = arith.constant 0 : i32
    %c0_i32_0 = arith.constant 0 : i32
    %c0_i32_1 = arith.constant 0 : i32
    return %c0_i32, %c0_i32_0 : i32, i32
  }
  func.func @transform_2(%arg0: i32) -> (i32, i32) {
    %c0_i32 = arith.constant 0 : i32
    %c0_i32_0 = arith.constant 0 : i32
    return %arg0, %c0_i32 : i32, i32
  }
}

module attributes {stable_mosaic.version = 14 : i64} {
  func.func @_node_body(%arg0: memref<2x10240x16xf32, #tpu.memory_space<vmem>>, %arg1: memref<8x16xf32, #tpu.memory_space<vmem>>, %arg2: memref<16x8xf32, #tpu.memory_space<vmem>>, %arg3: memref<10000x8xf32, #tpu.memory_space<vmem>>) attributes {dimension_semantics = [], scalar_prefetch = 0 : i64, scratch_operands = 0 : i64, tpu.core_type = #tpu.core_type<tc>} {
    %get3A = arith.constant 0 : index
    %get3A_0 = arith.constant 0 : index
    %get3A_1 = arith.constant 0 : index
    %get3A_2 = vector.load %arg0[%get3A, %get3A_0, %get3A_1] : memref<2x10240x16xf32, #tpu.memory_space<vmem>>, vector<1x10240x16xf32>
    %get3A_3 = vector.shape_cast %get3A_2 : vector<1x10240x16xf32> to vector<10240x16xf32>
    %get3A_4 = arith.constant 1 : index
    %get3A_5 = arith.constant 0 : index
    %get3A_6 = arith.constant 0 : index
    %get3A_7 = vector.load %arg0[%get3A_4, %get3A_5, %get3A_6] : memref<2x10240x16xf32, #tpu.memory_space<vmem>>, vector<1x10240x16xf32>
    %get3A_8 = vector.shape_cast %get3A_7 : vector<1x10240x16xf32> to vector<10240x16xf32>
    %add3A = arith.addf %get3A_3, %get3A_8 : vector<10240x16xf32>
    %get3A_9 = arith.constant 0 : index
    %get3A_10 = arith.constant 0 : index
    %get3A_11 = vector.load %arg1[%get3A_9, %get3A_10] : memref<8x16xf32, #tpu.memory_space<vmem>>, vector<8x16xf32>
    %slice3A = vector.extract_strided_slice %get3A_11 {offsets = [0, 0], sizes = [1, 16], strides = [1, 1]} : vector<8x16xf32> to vector<1x16xf32>
    %slice3A_12 = vector.extract_strided_slice %get3A_11 {offsets = [1, 0], sizes = [1, 16], strides = [1, 1]} : vector<8x16xf32> to vector<1x16xf32>
    %slice3A_13 = vector.extract_strided_slice %get3A_11 {offsets = [2, 0], sizes = [1, 16], strides = [1, 1]} : vector<8x16xf32> to vector<1x16xf32>
    %slice3A_14 = vector.extract_strided_slice %get3A_11 {offsets = [3, 0], sizes = [1, 16], strides = [1, 1]} : vector<8x16xf32> to vector<1x16xf32>
    %slice3A_15 = vector.extract_strided_slice %add3A {offsets = [0, 10], sizes = [10240, 1], strides = [1, 1]} : vector<10240x16xf32> to vector<10240x1xf32>
    %slice3A_16 = vector.extract_strided_slice %add3A {offsets = [0, 11], sizes = [10240, 1], strides = [1, 1]} : vector<10240x16xf32> to vector<10240x1xf32>
    %mul3A = vector.broadcast %slice3A_16 : vector<10240x1xf32> to vector<10240x16xf32>
    %mul3A_17 = vector.broadcast %slice3A : vector<1x16xf32> to vector<10240x16xf32>
    %mul3A_18 = arith.mulf %mul3A, %mul3A_17 : vector<10240x16xf32>
    %add3A_19 = arith.addf %add3A, %mul3A_18 : vector<10240x16xf32>
    %add3A_20 = arith.constant 1.000000e-16 : f32
    %add3A_21 = vector.broadcast %add3A_20 : f32 to vector<10240x1xf32>
    %add3A_22 = arith.addf %slice3A_15, %add3A_21 : vector<10240x1xf32>
    %div3A = vector.broadcast %add3A_22 : vector<10240x1xf32> to vector<10240x16xf32>
    %div3A_23 = arith.divf %add3A_19, %div3A : vector<10240x16xf32>
    %add3A_24 = vector.broadcast %slice3A_12 : vector<1x16xf32> to vector<10240x16xf32>
    %add3A_25 = arith.addf %div3A_23, %add3A_24 : vector<10240x16xf32>
    %slice3A_26 = vector.extract_strided_slice %add3A_25 {offsets = [0, 0], sizes = [10000, 16], strides = [1, 1]} : vector<10240x16xf32> to vector<10000x16xf32>
    %reduce_sum3A = arith.constant dense<0.000000e+00> : vector<16xf32>
    %reduce_sum3A_27 = vector.multi_reduction <add>, %slice3A_26, %reduce_sum3A [0] : vector<10000x16xf32> to vector<16xf32>
    %broadcast_in_dim3A = vector.shape_cast %reduce_sum3A_27 : vector<16xf32> to vector<1x16xf32>
    %div3A_28 = arith.constant 1.000000e+04 : f32
    %div3A_29 = vector.broadcast %div3A_28 : f32 to vector<1x16xf32>
    %div3A_30 = arith.divf %broadcast_in_dim3A, %div3A_29 : vector<1x16xf32>
    %sub3A = vector.broadcast %div3A_30 : vector<1x16xf32> to vector<10000x16xf32>
    %sub3A_31 = arith.subf %slice3A_26, %sub3A : vector<10000x16xf32>
    %integer_pow3A = arith.mulf %sub3A_31, %sub3A_31 : vector<10000x16xf32>
    %reduce_sum3A_32 = arith.constant dense<0.000000e+00> : vector<16xf32>
    %reduce_sum3A_33 = vector.multi_reduction <add>, %integer_pow3A, %reduce_sum3A_32 [0] : vector<10000x16xf32> to vector<16xf32>
    %broadcast_in_dim3A_34 = vector.shape_cast %reduce_sum3A_33 : vector<16xf32> to vector<1x16xf32>
    %div3A_35 = arith.constant 1.000000e+04 : f32
    %div3A_36 = vector.broadcast %div3A_35 : f32 to vector<1x16xf32>
    %div3A_37 = arith.divf %broadcast_in_dim3A_34, %div3A_36 : vector<1x16xf32>
    %sub3A_38 = vector.broadcast %div3A_30 : vector<1x16xf32> to vector<10000x16xf32>
    %sub3A_39 = arith.subf %slice3A_26, %sub3A_38 : vector<10000x16xf32>
    %add3A_40 = arith.constant 9.99999974E-6 : f32
    %add3A_41 = vector.broadcast %add3A_40 : f32 to vector<1x16xf32>
    %add3A_42 = arith.addf %div3A_37, %add3A_41 : vector<1x16xf32>
    %sqrt3A = math.sqrt %add3A_42 : vector<1x16xf32>
    %div3A_43 = vector.broadcast %sqrt3A : vector<1x16xf32> to vector<10000x16xf32>
    %div3A_44 = arith.divf %sub3A_39, %div3A_43 : vector<10000x16xf32>
    %mul3A_45 = vector.broadcast %slice3A_13 : vector<1x16xf32> to vector<10000x16xf32>
    %mul3A_46 = arith.mulf %div3A_44, %mul3A_45 : vector<10000x16xf32>
    %add3A_47 = vector.broadcast %slice3A_14 : vector<1x16xf32> to vector<10000x16xf32>
    %add3A_48 = arith.addf %mul3A_46, %add3A_47 : vector<10000x16xf32>
    %gt3A = arith.constant 0.000000e+00 : f32
    %gt3A_49 = vector.broadcast %gt3A : f32 to vector<10000x16xf32>
    %gt3A_50 = arith.cmpf ogt, %add3A_48, %gt3A_49 : vector<10000x16xf32>
    %exp3A = math.exp %add3A_48 : vector<10000x16xf32>
    %sub3A_51 = arith.constant 1.000000e+00 : f32
    %sub3A_52 = vector.broadcast %sub3A_51 : f32 to vector<10000x16xf32>
    %sub3A_53 = arith.subf %exp3A, %sub3A_52 : vector<10000x16xf32>
    %select_n3A = arith.select %gt3A_50, %add3A_48, %sub3A_53 : vector<10000x16xi1>, vector<10000x16xf32>
    %get3A_54 = arith.constant 0 : index
    %get3A_55 = arith.constant 0 : index
    %get3A_56 = vector.load %arg2[%get3A_54, %get3A_55] : memref<16x8xf32, #tpu.memory_space<vmem>>, vector<16x8xf32>
    %dot_general3A = arith.constant dense<0.000000e+00> : vector<10000x8xf32>
    %dot_general3A_57 = tpu.matmul %select_n3A, %get3A_56, %dot_general3A {dimension_numbers = #tpu.dot_dimension_numbers<[1], [0], [0], [1], [0, 0, 1, 1], [], []>, precision = #tpu.contract_precision<fp32>, transpose_lhs_hint = false} : vector<10000x16xf32>, vector<16x8xf32>, vector<10000x8xf32> -> vector<10000x8xf32>
    %swap3A = arith.constant 0 : index
    %swap3A_58 = arith.constant 0 : index
    %swap3A_59 = vector.load %arg3[%swap3A, %swap3A_58] : memref<10000x8xf32, #tpu.memory_space<vmem>>, vector<10000x8xf32>
    tpu.vector_store %arg3[%swap3A, %swap3A_58], %dot_general3A_57 {strides = array<i32>} : memref<10000x8xf32, #tpu.memory_space<vmem>>, vector<10000x8xf32>,
    return
  }
}

module attributes {stable_mosaic.version = 14 : i64} {
  func.func @_resid_body(%arg0: memref<4x10240xf32, #tpu.memory_space<vmem>>, %arg1: memref<1x10240xf32, #tpu.memory_space<vmem>>, %arg2: memref<1x1xf32, #tpu.memory_space<vmem>>, %arg3: memref<1x10240xf32, #tpu.memory_space<vmem>>) attributes {dimension_semantics = [], scalar_prefetch = 0 : i64, scratch_operands = 0 : i64, tpu.core_type = #tpu.core_type<tc>} {
    %get3A = arith.constant 0 : index
    %get3A_0 = arith.constant 0 : index
    %get3A_1 = vector.load %arg0[%get3A, %get3A_0] : memref<4x10240xf32, #tpu.memory_space<vmem>>, vector<1x10240xf32>
    %get3A_2 = arith.constant 2 : index
    %get3A_3 = arith.constant 0 : index
    %get3A_4 = vector.load %arg0[%get3A_2, %get3A_3] : memref<4x10240xf32, #tpu.memory_space<vmem>>, vector<1x10240xf32>
    %add3A = arith.addf %get3A_1, %get3A_4 : vector<1x10240xf32>
    %get3A_5 = arith.constant 1 : index
    %get3A_6 = arith.constant 0 : index
    %get3A_7 = vector.load %arg0[%get3A_5, %get3A_6] : memref<4x10240xf32, #tpu.memory_space<vmem>>, vector<1x10240xf32>
    %get3A_8 = arith.constant 3 : index
    %get3A_9 = arith.constant 0 : index
    %get3A_10 = vector.load %arg0[%get3A_8, %get3A_9] : memref<4x10240xf32, #tpu.memory_space<vmem>>, vector<1x10240xf32>
    %add3A_11 = arith.addf %get3A_7, %get3A_10 : vector<1x10240xf32>
    %add3A_12 = arith.constant 1.000000e-16 : f32
    %add3A_13 = vector.broadcast %add3A_12 : f32 to vector<1x10240xf32>
    %add3A_14 = arith.addf %add3A, %add3A_13 : vector<1x10240xf32>
    %div3A = arith.divf %add3A_11, %add3A_14 : vector<1x10240xf32>
    %get3A_15 = arith.constant 0 : index
    %get3A_16 = arith.constant 0 : index
    %get3A_17 = vector.load %arg2[%get3A_15, %get3A_16] : memref<1x1xf32, #tpu.memory_space<vmem>>, vector<1x1xf32>
    %get3A_18 = vector.extract %get3A_17[0, 0] : f32 from vector<1x1xf32>
    %add3A_19 = vector.broadcast %get3A_18 : f32 to vector<1x10240xf32>
    %add3A_20 = arith.addf %div3A, %add3A_19 : vector<1x10240xf32>
    %get3A_21 = arith.constant 0 : index
    %get3A_22 = arith.constant 0 : index
    %get3A_23 = vector.load %arg1[%get3A_21, %get3A_22] : memref<1x10240xf32, #tpu.memory_space<vmem>>, vector<1x10240xf32>
    %sub3A = arith.subf %get3A_23, %add3A_20 : vector<1x10240xf32>
    %swap3A = arith.constant 0 : index
    %swap3A_24 = arith.constant 0 : index
    %swap3A_25 = vector.load %arg3[%swap3A, %swap3A_24] : memref<1x10240xf32, #tpu.memory_space<vmem>>, vector<1x10240xf32>
    tpu.vector_store %arg3[%swap3A, %swap3A_24], %sub3A {strides = array<i32>} : memref<1x10240xf32, #tpu.memory_space<vmem>>, vector<1x10240xf32>,
    return
  }
}

</mosaic_0001>

<sc_bundles>
// kernel: kernel.10.cloned.1.call-start
scs
__scs_entry_jumppad:
0x0: {  	(pc) =	sbr.rel $0x88, $3  }
0x1: {  	(tag) =	ssettag $0x0;
	lr =	simm.s32 $0x1  }
0x2: {  	[smem:$0x3F90] =	sst lr;
	_ =	strace $0xD0000000  }
0x3: {  	_ = 	snop  }
0x4: {  	_ = 	snop  }
0x5: {  	_ = 	snop  }
0x6: {  	_ = 	snop  }
0x7: {  	_ = 	snop  }
__scs_overlays_trampoline_lowered:
0x8: {  	[smem:$0x3F9F] =	sst s0  }
0x9: {  	[smem:$0x3FA0] =	sst s1  }
0xa: {  	[smem:$0x3FA1] =	sst s2  }
0xb: {  	[smem:$0x3FA2] =	sst s3  }
0xc: {  	[smem:$0x3FA3] =	sst s4  }
0xd: {  	[smem:$0x3FA4] =	sst s5  }
0xe: {  	[smem:$0x3FA5] =	sst s6  }
0xf: {  	[smem:$0x3FA6] =	sst s7  }
0x10: {  	[smem:$0x3FA7] =	sst s8  }
0x11: {  	[smem:$0x3FA8] =	sst s9;
	s0 =	simm.s32 @!p0 $0x0  }
0x12: {  	s1 =	sld [smem:$0x3F8E];
	s0 =	simm.s32 @p0 $0x1  }
0x13: {  	[smem:$0x3FA9] =	sst s0;
	s0 =	simm.s32 @!p1 $0x0  }
0x14: {  	s2 =	sld [smem:$0x3F8D];
	s0 =	simm.s32 @p1 $0x1  }
0x15: {  	[smem:$0x3FAA] =	sst s0;
	s0 =	simm.s32 @!p2 $0x0  }
0x16: {  	s3 =	sld [smem:$0x3FDB];
	s0 =	simm.s32 @p2 $0x1  }
0x17: {  	s4 =	simm.s32 $0x1BF5;
	[smem:$0x3FAC] =	sst s0  }
0x18: {  	s0 =	sld [smem:$0x3F8F];
	_ =	swait.ge [sflag:s4], $0x0  }
0x19: {  	s7 =	sld [smem:$0x3F90]  }
0x1a: {  	s8 =	sadd.s32 $0xFFFFE003, lr  }
0x1b: {  	s9 =	sadd.s32 $0xFFFFFEF7, lr;
	s5 =	simm.s32 $0xFFFFFFFF;
	p2 =	slt.u32 s8, $0xFFFFF086  }
0x1c: {  	p1 =	slt.u32 s9, $0xF7A;
	s5 =	simm.s32 @!p2 $0x0  }
0x1d: {  	s5 =	simm.s32 @p1 $0x1;
	p0 =	seq.s32 s7, s2  }
0x1e: {  	s7 =	smul.u32 @!p0 $0xF7A, s2;
	p2 =	seq.s32 @!p0 s5, $0x0  }
0x1f: {  	s9 =	smul.u32 $0xF7A, s1;
	s8 =	simm.s32 @!p0 $0x1BF5;
	p2 =	por !p2, p0  }
0x20: {  	[sflag:s8] =	ssyncset.s32 @!p0 $0xFFFFF086;
	s6 =	sadd.s32 @!p0 s3, s7;
	s7 =	simm.s32 @!p0 $0x108  }
0x21: {  	s3 =	sadd.s32 s3, s9;
	s6 =	sadd.s32 @!p0 $0x88, s6;
	s7 =	simm.s32 @p2 $0x1082  }
0x22: {  	[simem:s7], [sflag:s8] =	dma.local @!p0 [hbm:s6], $0xF7A  }
0x23: {  	s9 =	sor.u32 $0xD0000000, s2;
	s6 =	simm.s32 $0x108;
	_ =	swait.ge @!p0 [sflag:s8], $0x0  }
0x24: {  	s3 =	sadd.s32 $0x88, s3;
	s6 =	simm.s32 @!p1 $0x1082;
	[sflag:s4] =	ssyncset.s32 $0xFFFFF086  }
0x25: {  	[simem:s6], [sflag:s4] =	dma.local [hbm:s3], $0xF7A  }
0x26: {  	[smem:$0x3F90] =	sst s1;
	(tag) =	ssettag s2;
	_ =	strace s9  }
0x27: {  	s1 =	sld [smem:$0x3FA0]  }
0x28: {  	s2 =	sld [smem:$0x3FA1]  }
0x29: {  	s4 =	sld [smem:$0x3FA3]  }
0x2a: {  	p0 =	seq.s32 s5, $0x0;
	s5 =	sld [smem:$0x3FA4]  }
0x2b: {  	s6 =	sld [smem:$0x3FA5]  }
0x2c: {  	s7 =	sld [smem:$0x3FA6]  }
0x2d: {  	s3 =	simm.s32 $0x108;
	s8 =	sld [smem:$0x3FA7]  }
0x2e: {  	s3 =	simm.s32 @!p0 $0x1082;
	s9 =	sld [smem:$0x3FA8]  }
0x2f: {  	lr =	sadd.s32 s0, s3;
	s0 =	sld [smem:$0x3F9F]  }
0x30: {  	s3 =	sld [smem:$0x3FA2]  }
0x31: {  	[smem:$0x3FAB] =	sst s10  }
0x32: {  	s10 =	sld [smem:$0x3FA9];
	_ =	sdelay $0x3  }
0x33: {  	p0 =	seq.s32 s10, $0x1;
	s10 =	sld [smem:$0x3FAB];
	_ =	sdelay $0x3  }
0x34: {  	[smem:$0x3FAB] =	sst s10  }
0x35: {  	s10 =	sld [smem:$0x3FAA];
	_ =	sdelay $0x3  }
0x36: {  	p1 =	seq.s32 s10, $0x1;
	s10 =	sld [smem:$0x3FAB];
	_ =	sdelay $0x3  }
0x37: {  	[smem:$0x3FAB] =	sst s10  }
0x38: {  	s10 =	sld [smem:$0x3FAC]  }
0x39: {  	_ = 	snop;
	(pc) =	sbr.ind lr, $3  }
0x3a: {  	_ = 	snop  }
0x3b: {  	_ = 	snop  }
0x3c: {  	p2 =	seq.s32 s10, $0x1;
	s10 =	sld [smem:$0x3FAB]  }
0x3d: {  	_ =	shalt  }
0x3e: {  	_ =	shalt  }
0x3f: {  	_ =	shalt  }
0x40: {  	_ =	shalt  }
0x41: {  	_ =	shalt  }
0x42: {  	_ =	shalt  }
0x43: {  	_ =	shalt  }
0x44: {  	_ =	shalt  }
0x45: {  	_ =	shalt  }
0x46: {  	_ =	shalt  }
0x47: {  	_ =	shalt  }
0x48: {  	_ =	shalt  }
0x49: {  	_ =	shalt  }
0x4a: {  	_ =	shalt  }
0x4b: {  	_ =	shalt  }
0x4c: {  	_ =	shalt  }
0x4d: {  	_ =	shalt  }
0x4e: {  	_ =	shalt  }
0x4f: {  	_ =	shalt  }
0x50: {  	_ =	shalt  }
0x51: {  	_ =	shalt  }
0x52: {  	_ =	shalt  }
0x53: {  	_ =	shalt  }
0x54: {  	_ =	shalt  }
0x55: {  	_ =	shalt  }
0x56: {  	_ =	shalt  }
0x57: {  	_ =	shalt  }
0x58: {  	_ =	shalt  }
0x59: {  	_ =	shalt  }
0x5a: {  	_ =	shalt  }
0x5b: {  	_ =	shalt  }
0x5c: {  	_ =	shalt  }
0x5d: {  	_ =	shalt  }
0x5e: {  	_ =	shalt  }
0x5f: {  	_ =	shalt  }
0x60: {  	_ =	shalt  }
0x61: {  	_ =	shalt  }
0x62: {  	_ =	shalt  }
0x63: {  	_ =	shalt  }
0x64: {  	_ =	shalt  }
0x65: {  	_ =	shalt  }
0x66: {  	_ =	shalt  }
0x67: {  	_ =	shalt  }
0x68: {  	_ =	shalt  }
0x69: {  	_ =	shalt  }
0x6a: {  	_ =	shalt  }
0x6b: {  	_ =	shalt  }
0x6c: {  	_ =	shalt  }
0x6d: {  	_ =	shalt  }
0x6e: {  	_ =	shalt  }
0x6f: {  	_ =	shalt  }
0x70: {  	_ =	shalt  }
0x71: {  	_ =	shalt  }
0x72: {  	_ =	shalt  }
0x73: {  	_ =	shalt  }
0x74: {  	_ =	shalt  }
0x75: {  	_ =	shalt  }
0x76: {  	_ =	shalt  }
0x77: {  	_ =	shalt  }
0x78: {  	_ =	shalt  }
0x79: {  	_ =	shalt  }
0x7a: {  	_ =	shalt  }
0x7b: {  	_ =	shalt  }
0x7c: {  	_ =	shalt  }
0x7d: {  	_ =	shalt  }
0x7e: {  	_ =	shalt  }
0x7f: {  	_ =	shalt  }
0x80: {  	_ =	shalt  }
0x81: {  	_ =	shalt  }
0x82: {  	_ =	shalt  }
0x83: {  	_ =	shalt  }
0x84: {  	_ =	shalt  }
0x85: {  	_ =	shalt  }
0x86: {  	_ =	shalt  }
0x87: {  	_ =	shalt  }
.Lfunc_end0:
.L_simem_size_0:
called_computation.1_lowered:
.L_overlay_start_0:
0x88: {  	s2 =	sld [smem:$0x3FD9]  }
0x89: {  	s3 =	sld [smem:$0x3FFE];
	_ =	sdelay $0x1  }
0x8a: {  	s1 =	srdreg.scid  }
0x8b: {  	s0 =	sand.u32 $0x1, s1  }
0x8c: {  	s17 =	sshll.u32 s0, $0xA;
	s2 =	sadd.s32 s3, s2  }
0x8d: {  	s2 =	sadd.s32 s2, s17  }
0x8e: {  	[smem:$0x3FB7] =	sst s2  }
0x8f: {  	_ = 	snop  }
0x90: {  	s2 =	sld [smem:$0x3FD0];
	(tm) =	ssettm $0x1  }
0x91: {  	s18 =	sld [smem:$0x3FFB];
	_ =	sdelay $0x3  }
0x92: {  	_ =	strace s18  }
0x93: {  	s3 =	sld [smem:$0x3FFC];
	_ =	sdelay $0x3  }
0x94: {  	_ =	strace s3  }
0x95: {  	s3 =	sld [smem:$0x3FFD];
	_ =	sdelay $0x3  }
0x96: {  	_ =	strace s3  }
0x97: {  	_ =	strace $0x8FFFFFFF  }
0x98: {  	s19 =	sld [smem:$0x3FDB];
	_ =	sdelay $0x1  }
0x99: {  	s4 =	simm.s32 $_scs_section_size  }
0x9a: {  	s5 =	simm.s32 $_size__tile_overlayer_lowered;
	s6 =	simm.s32 $_tile_overlayer_lowered  }
0x9b: {  	s22 =	simm.s32 $0x1BFF;
	s21 =	sshll.u32 s6, $0x1;
	s3 =	sadd.s32 s4, s19  }
0x9c: {  	s7 =	simm.s32 $0x0;
	s20 =	sshll.u32 s5, $0x1;
	s5 =	sadd.s32 s21, s3  }
0x9d: {  	[timem:s7], [sflag:s22] =	dma.local [hbm:s5], s20  }
0x9e: {  	_ =	swait.ge [sflag:s22], s20  }
0x9f: {  	s4 =	ssub.s32 $0x0, s20;
	[sflag:s22] =	ssyncset.done $0x0  }
0xa0: {  	[sflag:s22] =	ssyncadd.s32 s4;
	_ =	sdelay $0x1  }
0xa1: {  	s23 =	simm.s32 $0x1B8B  }
0xa2: {  	_ =	swait.ge [sflag:s23], $0x1  }
0xa3: {  	[sflag:s23] =	ssyncset.done $0x0  }
0xa4: {  	s25 =	simm.s32 $0x1B8E;
	s24 =	sld [smem:$0x3FFE];
	[sflag:s23] =	ssyncadd.s32 $0xFFFFFFFF  }
0xa5: {  	s26 =	simm.s32 $execute0_lowered;
	[smem:$0x3FD2] =	sst s25  }
0xa6: {  	s5 =	sshll.u32 s26, $0x1;
	_ =	strace $0x80000049;
	[dreg:$0x1] =	wrdreg $0xFFFFFFFF  }
0xa7: {  	s28 =	simm.s32 $_size_execute0_lowered;
	s3 =	sadd.s32 s3, s5;
	[dreg:$0x0] =	wrdreg $0x0  }
0xa8: {  	s5 =	sshll.u32 s28, $0x1;
	[dreg:$0x2] =	wrdreg s3  }
0xa9: {  	[dreg:$0x3] =	wrdreg s5  }
0xaa: {  	[dreg:$0x4] =	wrdreg $0xC0  }
0xab: {  	_ =	task [dreg:s7], $0x5FFFF  }
0xac: {  	[dreg:$0x1] =	wrdreg $0xFFFFFFFF  }
0xad: {  	[dreg:$0x0] =	wrdreg $0x60  }
0xae: {  	[dreg:$0x2] =	wrdreg s24  }
0xaf: {  	[dreg:$0x3] =	wrdreg s2  }
0xb0: {  	[dreg:$0x4] =	wrdreg $0xA6280  }
0xb1: {  	[dreg:$0x5] =	wrdreg $0xA8A80  }
0xb2: {  	[dreg:$0x6] =	wrdreg $0x9  }
0xb3: {  	_ =	task.clear_ibuf [dreg:s7], $0x7FFFF;
	_ =	strace $0x90000049  }
0xb4: {  	s29 =	simm.s32 $0x9;
	_ =	strace $0x8000004B  }
0xb5: {  	_ =	swait.ge [sflag:s29], $0x1  }
0xb6: {  	[sflag:s29] =	ssyncadd.s32 $0xFFFFFFFF  }
0xb7: {  	_ =	strace $0x9000004B  }
0xb8: {  	_ =	sfence  }
0xb9: {  	s30 =	sld [smem:$0x0];
	_ =	sdelay $0x2  }
0xba: {  	s31 =	sshll.u32 s1, $0xD;
	s1 =	sshrl.u32 s1, $0x2  }
0xbb: {  	s3 =	sand.u32 $0x4000, s31;
	s1 =	sadd.s32 s1, s30  }
0xbc: {  	s0 =	sor.u32 s3, s0;
	s1 =	sshll.u32 s1, $0x11  }
0xbd: {  	s0 =	sor.u32 s1, s0  }
0xbe: {  	s0 =	sadd.s32 $0x8F2B, s0  }
0xbf: {  	[sflag:s0] =	ssyncadd.remote.s32 $0x1  }
0xc0: {  	_ =	sfence.sel $0xFFFF  }
0xc1: {  	[dreg:$0x0] =	wrdreg $0xFFFFFFFF;
	(pc) =	sbr.abs _section_cstart, $3  }
0xc2: {  	[dreg:$0x1] =	wrdreg $0xFFFFFFFF  }
0xc3: {  	_ =	task.clear_ibuf [dreg:s7], $0x2FFFF;
	_ =	strace $0x9FFFFFFF  }
0xc4: {  	(tm) =	ssettm $0x7FFFFFFF  }
0xc5: {  	_ =	shalt  }
tec
execute0_lowered:
.L_overlay_start_1:
0x0: {  	(tag) =	ssettag $0x1  }
0x1: {  	s9 =	rddreg [dreg:$0x0]  }
0x2: {  	s0 =	rddreg [dreg:$0x1];
	s1 =	srdreg.scid  }
0x3: {  	s25 =	stileid.u32;
	s2 =	rddreg [dreg:$0x2]  }
0x4: {  	s3 =	rddreg [dreg:$0x3];
	s4 =	simm.s32 $0x0;
	s17 =	simm.s32 $0xA010  }
0x5: {  	s18 =	simm.s32 $0xA018;
	s19 =	simm.s32 $0xA3A8;
	s20 =	simm.s32 $0x2  }
0x6: {  	s21 =	simm.s32 $0x1;
	s22 =	simm.s32 $0x80;
	s23 =	simm.s32 $0x4F000  }
0x7: {  	s24 =	simm.s32 $0xA028;
	s26 =	simm.s32 $0xA2A8;
	s28 =	simm.s32 $0xA328  }
0x8: {  	s29 =	simm.s32 $0x0;
	s8 =	sand.u32 $0x1, s1;
	s5 =	smul.u32 $0x4F00, s25  }
0x9: {  	[smem:$0x7FF] =	sst s4;
	s7 =	sadd.s32 $0x49600, s9;
	s13 =	smul.u32 $0x280, s25  }
0xa: {  	p0 =	sne.s32 s25, $0x0;
	s25 =	simm.s32 $0xA228;
	s6 =	smul.u32 $0x2780, s8  }
0xb: {  	_ =	strace $0x8000004A;
	s10 =	smul.u32 $0x5000, s8;
	s11 =	ssub.s32 $0x2, s8  }
0xc: {  	s8 =	sadd.s32 $0x49400, s9;
	s12 =	sshrl.u32 s11, $0x1;
	s5 =	sadd.s32 s6, s5  }
0xd: {  	s6 =	sadd.s32 $0x49800, s9;
	s10 =	sshrl.u32 s10, $0x3;
	s16 =	ssub.s32 s11, s12  }
0xe: {  	s5 =	sshrl.u32 s5, $0x3;
	s15 =	sadd.s32 s10, s9;
	s10 =	sadd.s32 s13, s3  }
0xf: {  	s14 =	sadd.s32 s5, s9;
	s5 =	sadd.s32 $0x29000, s9;
	s9 =	sadd.s32 s13, s2  }
0x10: {  	s11 =	sadd.s32 $0x2A400, s15;
	s12 =	sadd.s32 $0x2A900, s15;
	s13 =	smax.u32 s16, $0x1  }
0x11: {  	v0 =	vimm.f32 $0.0e+00;
	s15 =	simm.s32 $0xA000;
	s16 =	simm.s32 $0xA008;
	s14 =	sadd.s32 $0x1800, s14  }
.LBB2_1:
0x12: {  	[tilespmem:s4], [sflag:$0x1] =	stream.linear.gather [hbm4b:s5+s4], $0xA000, $0x38;
	[tilespmem:$0xAB28] =	vst v63  }
0x13: {  	_ = 	snop  }
0x14: {  	[tilespmem:s15], [sflag:$0x1] =	stream.linear.gather [hbm4b:s6+s4], $0x8, $0x38;
	[tilespmem:$0xAB28] =	vst v63  }
0x15: {  	_ = 	snop  }
0x16: {  	[tilespmem:s16], [sflag:$0x1] =	stream.linear.gather [hbm4b:s7+s4], $0x8, $0x38;
	[tilespmem:$0xAB28] =	vst v63  }
0x17: {  	_ = 	snop  }
0x18: {  	[tilespmem:s17], [sflag:$0x1] =	stream.linear.gather [hbm4b:s8+s4], $0x8, $0x38;
	[tilespmem:$0xAB28] =	vst v63  }
0x19: {  	_ = 	snop  }
0x1a: {  	[tilespmem:s18], [sflag:$0x1] =	stream.linear.gather [hbm4b:s0+s4], $0x10, $0x38;
	[tilespmem:$0xAB28] =	vst v63  }
0x1b: {  	[tilespmem:$0xA3A8] =	vst v0  }
0x1c: {  	[tilespmem:$0xA3B8] =	vst v0  }
0x1d: {  	[tilespmem:$0xA3C8] =	vst v0  }
0x1e: {  	[tilespmem:$0xA3D8] =	vst v0  }
0x1f: {  	[tilespmem:$0xA3E8] =	vst v0  }
0x20: {  	[tilespmem:$0xA3F8] =	vst v0  }
0x21: {  	[tilespmem:$0xA408] =	vst v0  }
0x22: {  	[tilespmem:$0xA418] =	vst v0  }
0x23: {  	[tilespmem:$0xA428] =	vst v0  }
0x24: {  	[tilespmem:$0xA438] =	vst v0  }
0x25: {  	[tilespmem:$0xA448] =	vst v0  }
0x26: {  	[tilespmem:$0xA458] =	vst v0  }
0x27: {  	[tilespmem:$0xA468] =	vst v0  }
0x28: {  	[tilespmem:$0xA478] =	vst v0  }
0x29: {  	[tilespmem:$0xA488] =	vst v0  }
0x2a: {  	[tilespmem:$0xA498] =	vst v0  }
0x2b: {  	[tilespmem:$0xA4A8] =	vst v0  }
0x2c: {  	[tilespmem:$0xA4B8] =	vst v0  }
0x2d: {  	[tilespmem:$0xA4C8] =	vst v0  }
0x2e: {  	[tilespmem:$0xA4D8] =	vst v0  }
0x2f: {  	[tilespmem:$0xA4E8] =	vst v0  }
0x30: {  	[tilespmem:$0xA4F8] =	vst v0  }
0x31: {  	[tilespmem:$0xA508] =	vst v0  }
0x32: {  	[tilespmem:$0xA518] =	vst v0  }
0x33: {  	[tilespmem:$0xA528] =	vst v0  }
0x34: {  	[tilespmem:$0xA538] =	vst v0  }
0x35: {  	[tilespmem:$0xA548] =	vst v0  }
0x36: {  	[tilespmem:$0xA558] =	vst v0  }
0x37: {  	[tilespmem:$0xA568] =	vst v0  }
0x38: {  	[tilespmem:$0xA578] =	vst v0  }
0x39: {  	[tilespmem:$0xA588] =	vst v0  }
0x3a: {  	[tilespmem:$0xA598] =	vst v0  }
0x3b: {  	[tilespmem:$0xA5A8] =	vst v0  }
0x3c: {  	[tilespmem:$0xA5B8] =	vst v0  }
0x3d: {  	[tilespmem:$0xA5C8] =	vst v0  }
0x3e: {  	[tilespmem:$0xA5D8] =	vst v0  }
0x3f: {  	[tilespmem:$0xA5E8] =	vst v0  }
0x40: {  	[tilespmem:$0xA5F8] =	vst v0  }
0x41: {  	[tilespmem:$0xA608] =	vst v0  }
0x42: {  	[tilespmem:$0xA618] =	vst v0  }
0x43: {  	[spmem:s9] =	stream.linear.scatter [tilespmem:s19], [sflag:$0x2], $0x280, $0x38;
	[tilespmem:$0xAB28] =	vst v63  }
0x44: {  	_ =	swait.ge [sflag:s20], $0x280  }
0x45: {  	[sflag:s20] =	ssyncset.done $0x0  }
0x46: {  	[sflag:s20] =	ssyncadd.s32 $0xFFFFFD80  }
0x47: {  	[spmem:s10] =	stream.linear.scatter [tilespmem:s19], [sflag:$0x2], $0x280, $0x38;
	[tilespmem:$0xAB28] =	vst v63  }
0x48: {  	_ =	swait.ge [sflag:s20], $0x280  }
0x49: {  	[sflag:s20] =	ssyncset.done $0x0  }
0x4a: {  	[sflag:s20] =	ssyncadd.s32 $0xFFFFFD80  }
0x4b: {  	_ =	swait.ge [sflag:s21], $0xA000  }
0x4c: {  	[sflag:s21] =	ssyncset.done $0x0  }
0x4d: {  	[sflag:s21] =	ssyncadd.s32 $0xFFFF6000  }
0x4e: {  	_ =	swait.ge [sflag:s21], $0x8  }
0x4f: {  	[sflag:s21] =	ssyncset.done $0x0  }
0x50: {  	[sflag:s21] =	ssyncadd.s32 $0xFFFFFFF8  }
0x51: {  	_ =	swait.ge [sflag:s21], $0x8  }
0x52: {  	[sflag:s21] =	ssyncset.done $0x0  }
0x53: {  	[sflag:s21] =	ssyncadd.s32 $0xFFFFFFF8  }
0x54: {  	_ =	swait.ge [sflag:s21], $0x8  }
0x55: {  	[sflag:s21] =	ssyncset.done $0x0  }
0x56: {  	[sflag:s21] =	ssyncadd.s32 $0xFFFFFFF8  }
0x57: {  	_ =	swait.ge [sflag:s21], $0x10  }
0x58: {  	[sflag:s21] =	ssyncset.done $0x0  }
0x59: {  	[sflag:s21] =	ssyncadd.s32 $0xFFFFFFF0  }
0x5a: {  	s30 =	sadd.s32 $0x0, s14;
	[bflag:$0x0] =	sbarrier.arrive $0xFFFF  }
0x5b: {  	v1 =	vld [tilespmem:$0xA018];
	[tilespmem:s24], [sflag:$0x2] =	stream.strided.gather [hbm4b:s30+s22], $0x200, s23, s22, $0x38  }
0x5c: {  	_ =	swait.ge [sflag:s20], $0x200  }
0x5d: {  	[sflag:s20] =	ssyncset.done $0x0  }
0x5e: {  	[sflag:s20] =	ssyncadd.s32 $0xFFFFFE00  }
0x5f: {  	v2 =	vld [tilespmem:$0xA128]  }
0x60: {  	v3 =	vld [tilespmem:$0xA028]  }
0x61: {  	v4 =	vld [tilespmem:$0xA0A8];
	_ =	sdelay $0x3  }
0x62: {  	v3 =	vshll.u32 v3, $0x2  }
0x63: {  	v5 =	vshll.u32 v4, $0x2;
	v3 =	vadd.s32 v3, v2  }
0x64: {  	v5 =	vadd.s32 v2, v5;
	_ =	sdelay $0x1  }
0x65: {  	v6 =	vld.idx.msk [tilespmem:v2+s16+$0x0], $0xffff  }
0x66: {  	v7 =	vld.idx.msk [tilespmem:v2+s15+$0x0], $0xffff  }
0x67: {  	v3 =	vld.idx.msk [tilespmem:v3+s4+$0x0], $0xffff  }
0x68: {  	v5 =	vld.idx.msk [tilespmem:v5+s4+$0x0], $0xffff  }
0x69: {  	v8 =	vld [tilespmem:$0xA1A8]  }
0x6a: {  	v2 =	vld.idx.msk [tilespmem:v2+s17+$0x0], $0xffff;
	_ =	sdelay $0x2  }
0x6b: {  	v5 =	vmul.f32 v7, v5;
	v6 =	vmul.f32 v6, v3;
	_ =	sdelay $0x1  }
0x6c: {  	v2 =	vmul.f32 v2, v8;
	v5 =	vadd.f32 v6, v5;
	_ =	sdelay $0x1  }
0x6d: {  	v2 =	vadd.f32 v2, v5;
	_ =	sdelay $0x1  }
0x6e: {  	v5 =	vmul.f32 $2.000000030e-01, v2  }
0x6f: {  	vm0 =	vge.f32 v2, $0.0e+00  }
0x70: {  	v2 =	vsel vm0, v2, v5  }
0x71: {  	v2 =	vmul.f32 $1.442695020e+00, v2;
	_ =	sdelay $0x1  }
0x72: {  	(erf) = vpow2.f32 v2;
	_ =	sdelay $0x2  }
0x73: {  	v6 =	vld [tilespmem:$0xA0B8]  }
0x74: {  	v2 =	vld [tilespmem:$0xA038]  }
0x75: {  	v7 =	vmul.f32 v8, v1;
	v5 =	vld [tilespmem:$0xA138];
	_ =	sdelay $0x2  }
0x76: {  	v3 =	vadd.f32 v3, v7  }
0x77: {  	v2 =	vshll.u32 v2, $0x2;
	v7 =	vpop (erf)  }
0x78: {  	v2 =	vadd.s32 v2, v5;
	[tilespmem:$0xA2A8] =	vst v7;
	v3 =	vmul.f32 v7, v3;
	v7 =	vshll.u32 v6, $0x2  }
0x79: {  	[tilespmem:$0xA228] =	vst v4;
	v4 =	vadd.s32 v5, v7  }
0x7a: {  	[tilespmem:$0xA328] =	vst v3  }
0x7b: {  	v3 =	vld.idx.msk [tilespmem:v5+s16+$0x0], $0xffff  }
0x7c: {  	v7 =	vld.idx.msk [tilespmem:v5+s15+$0x0], $0xffff  }
0x7d: {  	v2 =	vld.idx.msk [tilespmem:v2+s4+$0x0], $0xffff  }
0x7e: {  	v4 =	vld.idx.msk [tilespmem:v4+s4+$0x0], $0xffff  }
0x7f: {  	v52 =	vld [tilespmem:$0xA1B8]  }
0x80: {  	v5 =	vld.idx.msk [tilespmem:v5+s17+$0x0], $0xffff;
	_ =	sdelay $0x2  }
0x81: {  	v3 =	vmul.f32 v3, v2;
	v4 =	vmul.f32 v7, v4;
	_ =	sdelay $0x1  }
0x82: {  	v3 =	vadd.f32 v3, v4;
	v4 =	vmul.f32 v5, v52;
	_ =	sdelay $0x1  }
0x83: {  	v3 =	vadd.f32 v4, v3;
	_ =	sdelay $0x1  }
0x84: {  	v4 =	vmul.f32 $2.000000030e-01, v3  }
0x85: {  	vm0 =	vge.f32 v3, $0.0e+00  }
0x86: {  	v3 =	vsel vm0, v3, v4  }
0x87: {  	v3 =	vmul.f32 $1.442695020e+00, v3;
	_ =	sdelay $0x1  }
0x88: {  	(erf) = vpow2.f32 v3;
	_ =	sdelay $0x1  }
0x89: {  	v5 =	vld [tilespmem:$0xA0C8]  }
0x8a: {  	v3 =	vld [tilespmem:$0xA048]  }
0x8b: {  	v4 =	vld [tilespmem:$0xA148];
	_ =	sdelay $0x1  }
0x8c: {  	v7 =	vmul.f32 v52, v1;
	_ =	sdelay $0x1  }
0x8d: {  	v2 =	vadd.f32 v2, v7;
	v3 =	vshll.u32 v3, $0x2  }
0x8e: {  	v7 =	vshll.u32 v5, $0x2;
	v3 =	vadd.s32 v3, v4;
	v53 =	vpop (erf)  }
0x8f: {  	[tilespmem:$0xA238] =	vst v6;
	v7 =	vadd.s32 v4, v7;
	v2 =	vmul.f32 v53, v2  }
0x90: {  	[tilespmem:$0xA2B8] =	vst v53  }
0x91: {  	[tilespmem:$0xA338] =	vst v2  }
0x92: {  	v2 =	vld.idx.msk [tilespmem:v4+s16+$0x0], $0xffff  }
0x93: {  	v3 =	vld.idx.msk [tilespmem:v3+s4+$0x0], $0xffff  }
0x94: {  	v6 =	vld.idx.msk [tilespmem:v7+s4+$0x0], $0xffff  }
0x95: {  	v7 =	vld.idx.msk [tilespmem:v4+s15+$0x0], $0xffff  }
0x96: {  	v54 =	vld [tilespmem:$0xA1C8]  }
0x97: {  	v4 =	vld.idx.msk [tilespmem:v4+s17+$0x0], $0xffff;
	_ =	sdelay $0x2  }
0x98: {  	v2 =	vmul.f32 v2, v3;
	v6 =	vmul.f32 v7, v6;
	_ =	sdelay $0x1  }
0x99: {  	v4 =	vmul.f32 v4, v54;
	v2 =	vadd.f32 v2, v6;
	_ =	sdelay $0x1  }
0x9a: {  	v2 =	vadd.f32 v4, v2;
	_ =	sdelay $0x1  }
0x9b: {  	v4 =	vmul.f32 $2.000000030e-01, v2  }
0x9c: {  	vm0 =	vge.f32 v2, $0.0e+00  }
0x9d: {  	v2 =	vsel vm0, v2, v4  }
0x9e: {  	v2 =	vmul.f32 $1.442695020e+00, v2;
	_ =	sdelay $0x1  }
0x9f: {  	(erf) = vpow2.f32 v2;
	_ =	sdelay $0x1  }
0xa0: {  	v6 =	vld [tilespmem:$0xA0D8]  }
0xa1: {  	v2 =	vld [tilespmem:$0xA058]  }
0xa2: {  	v4 =	vld [tilespmem:$0xA158];
	_ =	sdelay $0x1  }
0xa3: {  	v7 =	vmul.f32 v54, v1;
	_ =	sdelay $0x1  }
0xa4: {  	v3 =	vadd.f32 v3, v7;
	v2 =	vshll.u32 v2, $0x2  }
0xa5: {  	v7 =	vshll.u32 v6, $0x2;
	v2 =	vadd.s32 v2, v4;
	v55 =	vpop (erf)  }
0xa6: {  	[tilespmem:$0xA248] =	vst v5;
	v7 =	vadd.s32 v4, v7;
	v3 =	vmul.f32 v55, v3  }
0xa7: {  	[tilespmem:$0xA2C8] =	vst v55  }
0xa8: {  	[tilespmem:$0xA348] =	vst v3  }
0xa9: {  	v3 =	vld.idx.msk [tilespmem:v4+s16+$0x0], $0xffff  }
0xaa: {  	v2 =	vld.idx.msk [tilespmem:v2+s4+$0x0], $0xffff  }
0xab: {  	v5 =	vld.idx.msk [tilespmem:v7+s4+$0x0], $0xffff  }
0xac: {  	v7 =	vld.idx.msk [tilespmem:v4+s15+$0x0], $0xffff  }
0xad: {  	v56 =	vld [tilespmem:$0xA1D8]  }
0xae: {  	v4 =	vld.idx.msk [tilespmem:v4+s17+$0x0], $0xffff;
	_ =	sdelay $0x2  }
0xaf: {  	v3 =	vmul.f32 v3, v2;
	v5 =	vmul.f32 v7, v5;
	_ =	sdelay $0x1  }
0xb0: {  	v4 =	vmul.f32 v4, v56;
	v3 =	vadd.f32 v3, v5;
	_ =	sdelay $0x1  }
0xb1: {  	v3 =	vadd.f32 v4, v3;
	_ =	sdelay $0x1  }
0xb2: {  	v4 =	vmul.f32 $2.000000030e-01, v3  }
0xb3: {  	vm0 =	vge.f32 v3, $0.0e+00  }
0xb4: {  	v3 =	vsel vm0, v3, v4  }
0xb5: {  	v3 =	vmul.f32 $1.442695020e+00, v3;
	_ =	sdelay $0x1  }
0xb6: {  	(erf) = vpow2.f32 v3;
	_ =	sdelay $0x1  }
0xb7: {  	v5 =	vld [tilespmem:$0xA0E8]  }
0xb8: {  	v3 =	vld [tilespmem:$0xA068]  }
0xb9: {  	v4 =	vld [tilespmem:$0xA168];
	_ =	sdelay $0x1  }
0xba: {  	v7 =	vmul.f32 v56, v1;
	_ =	sdelay $0x1  }
0xbb: {  	v2 =	vadd.f32 v2, v7;
	v3 =	vshll.u32 v3, $0x2  }
0xbc: {  	v7 =	vshll.u32 v5, $0x2;
	v3 =	vadd.s32 v3, v4;
	v57 =	vpop (erf)  }
0xbd: {  	[tilespmem:$0xA258] =	vst v6;
	v6 =	vadd.s32 v4, v7;
	v2 =	vmul.f32 v57, v2  }
0xbe: {  	[tilespmem:$0xA2D8] =	vst v57  }
0xbf: {  	[tilespmem:$0xA358] =	vst v2  }
0xc0: {  	v2 =	vld.idx.msk [tilespmem:v4+s16+$0x0], $0xffff  }
0xc1: {  	v3 =	vld.idx.msk [tilespmem:v3+s4+$0x0], $0xffff  }
0xc2: {  	v6 =	vld.idx.msk [tilespmem:v6+s4+$0x0], $0xffff  }
0xc3: {  	v7 =	vld.idx.msk [tilespmem:v4+s15+$0x0], $0xffff  }
0xc4: {  	v58 =	vld [tilespmem:$0xA1E8]  }
0xc5: {  	v4 =	vld.idx.msk [tilespmem:v4+s17+$0x0], $0xffff;
	_ =	sdelay $0x2  }
0xc6: {  	v2 =	vmul.f32 v2, v3;
	v6 =	vmul.f32 v7, v6;
	_ =	sdelay $0x1  }
0xc7: {  	v4 =	vmul.f32 v4, v58;
	v2 =	vadd.f32 v2, v6;
	_ =	sdelay $0x1  }
0xc8: {  	v2 =	vadd.f32 v4, v2;
	_ =	sdelay $0x1  }
0xc9: {  	v4 =	vmul.f32 $2.000000030e-01, v2  }
0xca: {  	vm0 =	vge.f32 v2, $0.0e+00  }
0xcb: {  	v2 =	vsel vm0, v2, v4  }
0xcc: {  	v2 =	vmul.f32 $1.442695020e+00, v2;
	_ =	sdelay $0x1  }
0xcd: {  	(erf) = vpow2.f32 v2;
	_ =	sdelay $0x2  }
0xce: {  	v2 =	vld [tilespmem:$0xA078]  }
0xcf: {  	v4 =	vld [tilespmem:$0xA178]  }
0xd0: {  	v7 =	vmul.f32 v58, v1;
	v6 =	vld [tilespmem:$0xA0F8];
	_ =	sdelay $0x2  }
0xd1: {  	v3 =	vadd.f32 v3, v7;
	v2 =	vshll.u32 v2, $0x2  }
0xd2: {  	v2 =	vadd.s32 v2, v4;
	v7 =	vpop (erf)  }
0xd3: {  	[tilespmem:$0xA268] =	vst v5;
	v5 =	vshll.u32 v6, $0x2;
	v3 =	vmul.f32 v7, v3  }
0xd4: {  	v5 =	vadd.s32 v4, v5;
	[tilespmem:$0xA2E8] =	vst v7  }
0xd5: {  	[tilespmem:$0xA368] =	vst v3  }
0xd6: {  	v3 =	vld.idx.msk [tilespmem:v4+s16+$0x0], $0xffff  }
0xd7: {  	v2 =	vld.idx.msk [tilespmem:v2+s4+$0x0], $0xffff  }
0xd8: {  	v7 =	vld.idx.msk [tilespmem:v4+s15+$0x0], $0xffff  }
0xd9: {  	v5 =	vld.idx.msk [tilespmem:v5+s4+$0x0], $0xffff  }
0xda: {  	v59 =	vld [tilespmem:$0xA1F8]  }
0xdb: {  	v4 =	vld.idx.msk [tilespmem:v4+s17+$0x0], $0xffff;
	_ =	sdelay $0x2  }
0xdc: {  	v3 =	vmul.f32 v3, v2;
	v5 =	vmul.f32 v7, v5;
	_ =	sdelay $0x1  }
0xdd: {  	v4 =	vmul.f32 v4, v59;
	v3 =	vadd.f32 v3, v5;
	_ =	sdelay $0x1  }
0xde: {  	v3 =	vadd.f32 v4, v3;
	_ =	sdelay $0x1  }
0xdf: {  	v4 =	vmul.f32 $2.000000030e-01, v3  }
0xe0: {  	vm0 =	vge.f32 v3, $0.0e+00  }
0xe1: {  	v3 =	vsel vm0, v3, v4  }
0xe2: {  	v3 =	vmul.f32 $1.442695020e+00, v3;
	_ =	sdelay $0x1  }
0xe3: {  	(erf) = vpow2.f32 v3;
	_ =	sdelay $0x2  }
0xe4: {  	v3 =	vld [tilespmem:$0xA108]  }
0xe5: {  	v4 =	vld [tilespmem:$0xA188]  }
0xe6: {  	v5 =	vld [tilespmem:$0xA088]  }
0xe7: {  	v7 =	vmul.f32 v59, v1;
	_ =	sdelay $0x1  }
0xe8: {  	v2 =	vadd.f32 v2, v7;
	v7 =	vshll.u32 v3, $0x2  }
0xe9: {  	v7 =	vadd.s32 v4, v7;
	v60 =	vpop (erf)  }
0xea: {  	[tilespmem:$0xA278] =	vst v6;
	v5 =	vshll.u32 v5, $0x2;
	v2 =	vmul.f32 v60, v2  }
0xeb: {  	v5 =	vadd.s32 v5, v4;
	[tilespmem:$0xA2F8] =	vst v60  }
0xec: {  	[tilespmem:$0xA378] =	vst v2  }
0xed: {  	v2 =	vld.idx.msk [tilespmem:v4+s16+$0x0], $0xffff  }
0xee: {  	v6 =	vld.idx.msk [tilespmem:v7+s4+$0x0], $0xffff  }
0xef: {  	v7 =	vld.idx.msk [tilespmem:v4+s15+$0x0], $0xffff  }
0xf0: {  	v5 =	vld.idx.msk [tilespmem:v5+s4+$0x0], $0xffff  }
0xf1: {  	v61 =	vld [tilespmem:$0xA208]  }
0xf2: {  	v4 =	vld.idx.msk [tilespmem:v4+s17+$0x0], $0xffff;
	_ =	sdelay $0x2  }
0xf3: {  	v6 =	vmul.f32 v7, v6;
	v2 =	vmul.f32 v2, v5;
	_ =	sdelay $0x1  }
0xf4: {  	v4 =	vmul.f32 v4, v61;
	v2 =	vadd.f32 v2, v6;
	_ =	sdelay $0x1  }
0xf5: {  	v2 =	vadd.f32 v4, v2;
	_ =	sdelay $0x1  }
0xf6: {  	v4 =	vmul.f32 $2.000000030e-01, v2  }
0xf7: {  	vm0 =	vge.f32 v2, $0.0e+00  }
0xf8: {  	v2 =	vsel vm0, v2, v4  }
0xf9: {  	v2 =	vmul.f32 $1.442695020e+00, v2;
	_ =	sdelay $0x1  }
0xfa: {  	(erf) = vpow2.f32 v2;
	_ =	sdelay $0x1  }
0xfb: {  	v6 =	vld [tilespmem:$0xA118]  }
0xfc: {  	v4 =	vld [tilespmem:$0xA198]  }
0xfd: {  	v2 =	vld [tilespmem:$0xA098];
	_ =	sdelay $0x1  }
0xfe: {  	v7 =	vmul.f32 v61, v1  }
0xff: {  	v62 =	vshll.u32 v6, $0x2  }
0x100: {  	v5 =	vadd.f32 v5, v7;
	v7 =	vadd.s32 v4, v62  }
0x101: {  	v2 =	vshll.u32 v2, $0x2;
	v63 =	vpop (erf)  }
0x102: {  	[tilespmem:$0xA288] =	vst v3;
	v2 =	vadd.s32 v2, v4;
	v3 =	vmul.f32 v63, v5  }
0x103: {  	[tilespmem:$0xA308] =	vst v63  }
0x104: {  	[tilespmem:$0xA388] =	vst v3  }
0x105: {  	v5 =	vld.idx.msk [tilespmem:v7+s4+$0x0], $0xffff  }
0x106: {  	v7 =	vld.idx.msk [tilespmem:v4+s16+$0x0], $0xffff  }
0x107: {  	v2 =	vld.idx.msk [tilespmem:v2+s4+$0x0], $0xffff  }
0x108: {  	v8 =	vld.idx.msk [tilespmem:v4+s15+$0x0], $0xffff  }
0x109: {  	v3 =	vld [tilespmem:$0xA218]  }
0x10a: {  	v4 =	vld.idx.msk [tilespmem:v4+s17+$0x0], $0xffff;
	_ =	sdelay $0x2  }
0x10b: {  	v7 =	vmul.f32 v7, v2;
	v5 =	vmul.f32 v8, v5;
	_ =	sdelay $0x1  }
0x10c: {  	v4 =	vmul.f32 v4, v3;
	v5 =	vadd.f32 v7, v5;
	_ =	sdelay $0x1  }
0x10d: {  	v4 =	vadd.f32 v4, v5;
	_ =	sdelay $0x1  }
0x10e: {  	s30 =	simm.s32 $0x10;
	[tilespmem:$0xA298] =	vst v6;
	vm0 =	vge.f32 v4, $0.0e+00;
	v5 =	vmul.f32 $2.000000030e-01, v4  }
.LBB2_2:
0x10f: {  	_ = 	snop  }
0x110: {  	p1 =	sne.s32 s30, $0x4E0;
	s31 =	smov.u32 s30;
	s30 =	sadd.s32 $0x10, s30;
	v4 =	vsel vm0, v4, v5  }
0x111: {  	v4 =	vmul.f32 $1.442695020e+00, v4;
	_ =	sdelay $0x1  }
0x112: {  	(erf) = vpow2.f32 v4;
	_ =	sdelay $0x4  }
0x113: {  	v3 =	vmul.f32 v3, v1;
	_ =	sdelay $0x1  }
0x114: {  	v2 =	vadd.f32 v2, v3;
	_ =	sdelay $0x1  }
0x115: {  	v3 =	vpop (erf)  }
0x116: {  	[tilespmem:$0xA318] =	vst v3;
	v2 =	vmul.f32 v3, v2;
	_ =	sdelay $0x1  }
0x117: {  	[tilespmem:$0xA398] =	vst v2  }
0x118: {  	[spmem:s2] =	stream.indirect.scatter.add.f32 [tilespmem:s26], [sflag:$0x2], $0x1, s25, s22, $0xb8;
	[tilespmem:$0xAB28] =	vst v63  }
0x119: {  	_ =	swait.ge [sflag:s20], $0x80  }
0x11a: {  	[sflag:s20] =	ssyncset.done $0x0  }
0x11b: {  	[sflag:s20] =	ssyncadd.s32 $0xFFFFFF80  }
0x11c: {  	[spmem:s3] =	stream.indirect.scatter.add.f32 [tilespmem:s28], [sflag:$0x2], $0x1, s25, s22, $0xb8;
	[tilespmem:$0xAB28] =	vst v63  }
0x11d: {  	_ =	swait.ge [sflag:s20], $0x80  }
0x11e: {  	[sflag:s20] =	ssyncset.done $0x0  }
0x11f: {  	s31 =	sadd.s32 s31, s14;
	[sflag:s20] =	ssyncadd.s32 $0xFFFFFF80  }
0x120: {  	[tilespmem:s24], [sflag:$0x2] =	stream.strided.gather [hbm4b:s31+s22], $0x200, s23, s22, $0x38;
	[tilespmem:$0xAB28] =	vst v63  }
0x121: {  	_ =	swait.ge [sflag:s20], $0x200  }
0x122: {  	[sflag:s20] =	ssyncset.done $0x0  }
0x123: {  	[sflag:s20] =	ssyncadd.s32 $0xFFFFFE00  }
0x124: {  	v7 =	vld [tilespmem:$0xA128]  }
0x125: {  	v2 =	vld [tilespmem:$0xA028]  }
0x126: {  	v8 =	vld [tilespmem:$0xA0A8]  }
0x127: {  	v3 =	vld [tilespmem:$0xA038]  }
0x128: {  	v4 =	vld [tilespmem:$0xA048]  }
0x129: {  	v5 =	vld [tilespmem:$0xA058]  }
0x12a: {  	v2 =	vshll.u32 v2, $0x2;
	v9 =	vld [tilespmem:$0xA068]  }
0x12b: {  	v6 =	vshll.u32 v8, $0x2;
	v10 =	vadd.s32 v2, v7;
	v11 =	vld [tilespmem:$0xA078]  }
0x12c: {  	v12 =	vadd.s32 v7, v6;
	v13 =	vshll.u32 v3, $0x2;
	v3 =	vld [tilespmem:$0xA088]  }
0x12d: {  	v14 =	vshll.u32 v4, $0x2;
	v2 =	vld [tilespmem:$0xA098]  }
0x12e: {  	v15 =	vld.idx.msk [tilespmem:v7+s16+$0x0], $0xffff;
	v6 =	vshll.u32 v5, $0x2  }
0x12f: {  	v16 =	vld.idx.msk [tilespmem:v7+s15+$0x0], $0xffff;
	v5 =	vshll.u32 v9, $0x2  }
0x130: {  	v9 =	vld.idx.msk [tilespmem:v10+s4+$0x0], $0xffff;
	v4 =	vshll.u32 v11, $0x2  }
0x131: {  	v10 =	vld.idx.msk [tilespmem:v12+s4+$0x0], $0xffff;
	_ =	sdelay $0x1  }
0x132: {  	v7 =	vld.idx.msk [tilespmem:v7+s17+$0x0], $0xffff  }
0x133: {  	v11 =	vld [tilespmem:$0xA1A8];
	_ =	sdelay $0x2  }
0x134: {  	v12 =	vmul.f32 v15, v9;
	v10 =	vmul.f32 v16, v10;
	_ =	sdelay $0x1  }
0x135: {  	v10 =	vadd.f32 v12, v10;
	v7 =	vmul.f32 v7, v11;
	v11 =	vmul.f32 v11, v1;
	_ =	sdelay $0x1  }
0x136: {  	v7 =	vadd.f32 v7, v10;
	v9 =	vadd.f32 v9, v11;
	_ =	sdelay $0x1  }
0x137: {  	v10 =	vmul.f32 $2.000000030e-01, v7  }
0x138: {  	vm0 =	vge.f32 v7, $0.0e+00  }
0x139: {  	v7 =	vsel vm0, v7, v10  }
0x13a: {  	v7 =	vmul.f32 $1.442695020e+00, v7;
	_ =	sdelay $0x1  }
0x13b: {  	(erf) = vpow2.f32 v7;
	_ =	sdelay $0x3  }
0x13c: {  	v7 =	vld [tilespmem:$0xA138]  }
0x13d: {  	v10 =	vld [tilespmem:$0xA0B8];
	_ =	sdelay $0x3  }
0x13e: {  	v11 =	vpop (erf)  }
0x13f: {  	v12 =	vadd.s32 v13, v7;
	[tilespmem:$0xA2A8] =	vst v11;
	v9 =	vmul.f32 v11, v9;
	v11 =	vshll.u32 v10, $0x2  }
0x140: {  	[tilespmem:$0xA228] =	vst v8;
	v8 =	vadd.s32 v7, v11  }
0x141: {  	[tilespmem:$0xA328] =	vst v9  }
0x142: {  	v9 =	vld.idx.msk [tilespmem:v7+s16+$0x0], $0xffff  }
0x143: {  	v11 =	vld.idx.msk [tilespmem:v7+s15+$0x0], $0xffff  }
0x144: {  	v12 =	vld.idx.msk [tilespmem:v12+s4+$0x0], $0xffff  }
0x145: {  	v8 =	vld.idx.msk [tilespmem:v8+s4+$0x0], $0xffff;
	_ =	sdelay $0x1  }
0x146: {  	v7 =	vld.idx.msk [tilespmem:v7+s17+$0x0], $0xffff  }
0x147: {  	v13 =	vld [tilespmem:$0xA1B8];
	_ =	sdelay $0x1  }
0x148: {  	v9 =	vmul.f32 v9, v12  }
0x149: {  	v8 =	vmul.f32 v11, v8;
	_ =	sdelay $0x1  }
0x14a: {  	v8 =	vadd.f32 v9, v8;
	v7 =	vmul.f32 v7, v13;
	_ =	sdelay $0x1  }
0x14b: {  	v7 =	vadd.f32 v7, v8;
	_ =	sdelay $0x1  }
0x14c: {  	v8 =	vmul.f32 $2.000000030e-01, v7  }
0x14d: {  	vm0 =	vge.f32 v7, $0.0e+00  }
0x14e: {  	v7 =	vsel vm0, v7, v8  }
0x14f: {  	v7 =	vmul.f32 $1.442695020e+00, v7;
	_ =	sdelay $0x1  }
0x150: {  	(erf) = vpow2.f32 v7;
	_ =	sdelay $0x2  }
0x151: {  	v7 =	vld [tilespmem:$0xA148]  }
0x152: {  	v8 =	vld [tilespmem:$0xA0C8];
	_ =	sdelay $0x1  }
0x153: {  	v9 =	vmul.f32 v13, v1;
	_ =	sdelay $0x1  }
0x154: {  	v9 =	vadd.f32 v12, v9  }
0x155: {  	v12 =	vadd.s32 v14, v7;
	v11 =	vshll.u32 v8, $0x2;
	v13 =	vpop (erf)  }
0x156: {  	[tilespmem:$0xA2B8] =	vst v13;
	v9 =	vmul.f32 v13, v9;
	v11 =	vadd.s32 v7, v11  }
0x157: {  	[tilespmem:$0xA238] =	vst v10  }
0x158: {  	[tilespmem:$0xA338] =	vst v9  }
0x159: {  	v9 =	vld.idx.msk [tilespmem:v7+s16+$0x0], $0xffff  }
0x15a: {  	v10 =	vld.idx.msk [tilespmem:v12+s4+$0x0], $0xffff  }
0x15b: {  	v11 =	vld.idx.msk [tilespmem:v11+s4+$0x0], $0xffff  }
0x15c: {  	v12 =	vld.idx.msk [tilespmem:v7+s15+$0x0], $0xffff  }
0x15d: {  	v7 =	vld.idx.msk [tilespmem:v7+s17+$0x0], $0xffff;
	_ =	sdelay $0x1  }
0x15e: {  	v13 =	vld [tilespmem:$0xA1C8]  }
0x15f: {  	v9 =	vmul.f32 v9, v10;
	_ =	sdelay $0x1  }
0x160: {  	v11 =	vmul.f32 v12, v11;
	_ =	sdelay $0x1  }
0x161: {  	v9 =	vadd.f32 v9, v11;
	v7 =	vmul.f32 v7, v13;
	_ =	sdelay $0x1  }
0x162: {  	v7 =	vadd.f32 v7, v9;
	_ =	sdelay $0x1  }
0x163: {  	v9 =	vmul.f32 $2.000000030e-01, v7  }
0x164: {  	vm0 =	vge.f32 v7, $0.0e+00  }
0x165: {  	v7 =	vsel vm0, v7, v9  }
0x166: {  	v7 =	vmul.f32 $1.442695020e+00, v7;
	_ =	sdelay $0x1  }
0x167: {  	(erf) = vpow2.f32 v7;
	_ =	sdelay $0x2  }
0x168: {  	v7 =	vld [tilespmem:$0xA158]  }
0x169: {  	v9 =	vld [tilespmem:$0xA0D8];
	_ =	sdelay $0x1  }
0x16a: {  	v11 =	vmul.f32 v13, v1;
	_ =	sdelay $0x1  }
0x16b: {  	v10 =	vadd.f32 v10, v11  }
0x16c: {  	v6 =	vadd.s32 v6, v7;
	v11 =	vshll.u32 v9, $0x2;
	v12 =	vpop (erf)  }
0x16d: {  	[tilespmem:$0xA2C8] =	vst v12;
	v10 =	vmul.f32 v12, v10;
	v11 =	vadd.s32 v7, v11  }
0x16e: {  	[tilespmem:$0xA248] =	vst v8  }
0x16f: {  	[tilespmem:$0xA348] =	vst v10  }
0x170: {  	v8 =	vld.idx.msk [tilespmem:v7+s16+$0x0], $0xffff  }
0x171: {  	v6 =	vld.idx.msk [tilespmem:v6+s4+$0x0], $0xffff  }
0x172: {  	v10 =	vld.idx.msk [tilespmem:v11+s4+$0x0], $0xffff  }
0x173: {  	v11 =	vld.idx.msk [tilespmem:v7+s15+$0x0], $0xffff  }
0x174: {  	v7 =	vld.idx.msk [tilespmem:v7+s17+$0x0], $0xffff  }
0x175: {  	[tilespmem:$0xA258] =	vst v9  }
0x176: {  	v9 =	vld [tilespmem:$0xA1D8]  }
0x177: {  	v8 =	vmul.f32 v8, v6;
	_ =	sdelay $0x1  }
0x178: {  	v10 =	vmul.f32 v11, v10;
	_ =	sdelay $0x1  }
0x179: {  	v8 =	vadd.f32 v8, v10;
	v7 =	vmul.f32 v7, v9;
	_ =	sdelay $0x1  }
0x17a: {  	v7 =	vadd.f32 v7, v8;
	_ =	sdelay $0x1  }
0x17b: {  	v8 =	vmul.f32 $2.000000030e-01, v7  }
0x17c: {  	vm0 =	vge.f32 v7, $0.0e+00  }
0x17d: {  	v7 =	vsel vm0, v7, v8  }
0x17e: {  	v7 =	vmul.f32 $1.442695020e+00, v7;
	_ =	sdelay $0x1  }
0x17f: {  	(erf) = vpow2.f32 v7;
	_ =	sdelay $0x2  }
0x180: {  	v7 =	vld [tilespmem:$0xA168]  }
0x181: {  	v8 =	vld [tilespmem:$0xA0E8];
	_ =	sdelay $0x1  }
0x182: {  	v9 =	vmul.f32 v9, v1;
	_ =	sdelay $0x1  }
0x183: {  	v6 =	vadd.f32 v6, v9  }
0x184: {  	v5 =	vadd.s32 v5, v7;
	v9 =	vshll.u32 v8, $0x2;
	v10 =	vpop (erf)  }
0x185: {  	[tilespmem:$0xA2D8] =	vst v10;
	v6 =	vmul.f32 v10, v6;
	v9 =	vadd.s32 v7, v9;
	_ =	sdelay $0x1  }
0x186: {  	[tilespmem:$0xA358] =	vst v6  }
0x187: {  	v6 =	vld.idx.msk [tilespmem:v7+s16+$0x0], $0xffff  }
0x188: {  	v5 =	vld.idx.msk [tilespmem:v5+s4+$0x0], $0xffff  }
0x189: {  	v9 =	vld.idx.msk [tilespmem:v9+s4+$0x0], $0xffff  }
0x18a: {  	v10 =	vld.idx.msk [tilespmem:v7+s15+$0x0], $0xffff  }
0x18b: {  	v7 =	vld.idx.msk [tilespmem:v7+s17+$0x0], $0xffff  }
0x18c: {  	[tilespmem:$0xA268] =	vst v8  }
0x18d: {  	v8 =	vld [tilespmem:$0xA1E8]  }
0x18e: {  	v6 =	vmul.f32 v6, v5;
	_ =	sdelay $0x1  }
0x18f: {  	v9 =	vmul.f32 v10, v9;
	_ =	sdelay $0x1  }
0x190: {  	v6 =	vadd.f32 v6, v9;
	v7 =	vmul.f32 v7, v8;
	_ =	sdelay $0x1  }
0x191: {  	v6 =	vadd.f32 v7, v6;
	_ =	sdelay $0x1  }
0x192: {  	v7 =	vmul.f32 $2.000000030e-01, v6  }
0x193: {  	vm0 =	vge.f32 v6, $0.0e+00  }
0x194: {  	v6 =	vsel vm0, v6, v7  }
0x195: {  	v6 =	vmul.f32 $1.442695020e+00, v6;
	_ =	sdelay $0x1  }
0x196: {  	(erf) = vpow2.f32 v6;
	_ =	sdelay $0x3  }
0x197: {  	v6 =	vld [tilespmem:$0xA178]  }
0x198: {  	v7 =	vld [tilespmem:$0xA0F8]  }
0x199: {  	v9 =	vmul.f32 v8, v1;
	_ =	sdelay $0x1  }
0x19a: {  	v5 =	vadd.f32 v5, v9  }
0x19b: {  	v4 =	vadd.s32 v4, v6;
	v8 =	vpop (erf)  }
0x19c: {  	[tilespmem:$0xA2E8] =	vst v8;
	v5 =	vmul.f32 v8, v5;
	v8 =	vshll.u32 v7, $0x2  }
0x19d: {  	v8 =	vadd.s32 v6, v8  }
0x19e: {  	[tilespmem:$0xA368] =	vst v5  }
0x19f: {  	v5 =	vld.idx.msk [tilespmem:v6+s16+$0x0], $0xffff  }
0x1a0: {  	v4 =	vld.idx.msk [tilespmem:v4+s4+$0x0], $0xffff  }
0x1a1: {  	v9 =	vld.idx.msk [tilespmem:v6+s15+$0x0], $0xffff  }
0x1a2: {  	v8 =	vld.idx.msk [tilespmem:v8+s4+$0x0], $0xffff  }
0x1a3: {  	v6 =	vld.idx.msk [tilespmem:v6+s17+$0x0], $0xffff  }
0x1a4: {  	[tilespmem:$0xA278] =	vst v7  }
0x1a5: {  	v7 =	vld [tilespmem:$0xA1F8]  }
0x1a6: {  	v5 =	vmul.f32 v5, v4;
	_ =	sdelay $0x1  }
0x1a7: {  	v8 =	vmul.f32 v9, v8;
	_ =	sdelay $0x1  }
0x1a8: {  	v5 =	vadd.f32 v5, v8;
	v6 =	vmul.f32 v6, v7;
	_ =	sdelay $0x1  }
0x1a9: {  	v5 =	vadd.f32 v6, v5;
	_ =	sdelay $0x1  }
0x1aa: {  	v6 =	vmul.f32 $2.000000030e-01, v5  }
0x1ab: {  	vm0 =	vge.f32 v5, $0.0e+00  }
0x1ac: {  	v5 =	vsel vm0, v5, v6  }
0x1ad: {  	v5 =	vmul.f32 $1.442695020e+00, v5;
	_ =	sdelay $0x1  }
0x1ae: {  	(erf) = vpow2.f32 v5;
	_ =	sdelay $0x2  }
0x1af: {  	v5 =	vld [tilespmem:$0xA108]  }
0x1b0: {  	v6 =	vld [tilespmem:$0xA188];
	_ =	sdelay $0x1  }
0x1b1: {  	v7 =	vmul.f32 v7, v1;
	_ =	sdelay $0x1  }
0x1b2: {  	v4 =	vadd.f32 v4, v7;
	v7 =	vshll.u32 v5, $0x2  }
0x1b3: {  	v7 =	vadd.s32 v6, v7;
	v8 =	vpop (erf)  }
0x1b4: {  	v3 =	vshll.u32 v3, $0x2;
	[tilespmem:$0xA2F8] =	vst v8;
	v4 =	vmul.f32 v8, v4  }
0x1b5: {  	v3 =	vadd.s32 v3, v6  }
0x1b6: {  	[tilespmem:$0xA378] =	vst v4  }
0x1b7: {  	v4 =	vld.idx.msk [tilespmem:v6+s16+$0x0], $0xffff  }
0x1b8: {  	v7 =	vld.idx.msk [tilespmem:v7+s4+$0x0], $0xffff  }
0x1b9: {  	v8 =	vld.idx.msk [tilespmem:v6+s15+$0x0], $0xffff  }
0x1ba: {  	v3 =	vld.idx.msk [tilespmem:v3+s4+$0x0], $0xffff  }
0x1bb: {  	v6 =	vld.idx.msk [tilespmem:v6+s17+$0x0], $0xffff  }
0x1bc: {  	[tilespmem:$0xA288] =	vst v5  }
0x1bd: {  	v5 =	vld [tilespmem:$0xA208];
	_ =	sdelay $0x1  }
0x1be: {  	v7 =	vmul.f32 v8, v7  }
0x1bf: {  	v4 =	vmul.f32 v4, v3;
	_ =	sdelay $0x1  }
0x1c0: {  	v4 =	vadd.f32 v4, v7;
	v6 =	vmul.f32 v6, v5;
	_ =	sdelay $0x1  }
0x1c1: {  	v4 =	vadd.f32 v6, v4;
	_ =	sdelay $0x1  }
0x1c2: {  	v6 =	vmul.f32 $2.000000030e-01, v4  }
0x1c3: {  	vm0 =	vge.f32 v4, $0.0e+00  }
0x1c4: {  	v4 =	vsel vm0, v4, v6  }
0x1c5: {  	v4 =	vmul.f32 $1.442695020e+00, v4;
	_ =	sdelay $0x1  }
0x1c6: {  	(erf) = vpow2.f32 v4;
	_ =	sdelay $0x1  }
0x1c7: {  	v4 =	vld [tilespmem:$0xA118]  }
0x1c8: {  	v6 =	vld [tilespmem:$0xA198];
	_ =	sdelay $0x2  }
0x1c9: {  	v5 =	vmul.f32 v5, v1  }
0x1ca: {  	v8 =	vshll.u32 v4, $0x2  }
0x1cb: {  	v3 =	vadd.f32 v3, v5;
	v5 =	vadd.s32 v6, v8  }
0x1cc: {  	v2 =	vshll.u32 v2, $0x2;
	v7 =	vpop (erf)  }
0x1cd: {  	v2 =	vadd.s32 v2, v6;
	[tilespmem:$0xA308] =	vst v7;
	v3 =	vmul.f32 v7, v3;
	_ =	sdelay $0x1  }
0x1ce: {  	[tilespmem:$0xA388] =	vst v3  }
0x1cf: {  	v5 =	vld.idx.msk [tilespmem:v5+s4+$0x0], $0xffff  }
0x1d0: {  	v7 =	vld.idx.msk [tilespmem:v6+s16+$0x0], $0xffff  }
0x1d1: {  	v2 =	vld.idx.msk [tilespmem:v2+s4+$0x0], $0xffff  }
0x1d2: {  	v8 =	vld.idx.msk [tilespmem:v6+s15+$0x0], $0xffff  }
0x1d3: {  	v6 =	vld.idx.msk [tilespmem:v6+s17+$0x0], $0xffff  }
0x1d4: {  	v3 =	vld [tilespmem:$0xA218];
	[tilespmem:$0xA298] =	vst v4;
	_ =	sdelay $0x2  }
0x1d5: {  	v4 =	vmul.f32 v7, v2  }
0x1d6: {  	v5 =	vmul.f32 v8, v5  }
0x1d7: {  	v6 =	vmul.f32 v6, v3  }
.Ltmp0:
0x1d8: {  	v4 =	vadd.f32 v4, v5;
	(pc) =	sbr.rel @p1 .LBB2_2-.Ltmp0, $3  }
0x1d9: {  	_ = 	snop  }
0x1da: {  	v4 =	vadd.f32 v6, v4;
	_ =	sdelay $0x1  }
0x1db: {  	vm0 =	vge.f32 v4, $0.0e+00;
	v5 =	vmul.f32 $2.000000030e-01, v4  }
0x1dc: {  	_ = 	snop  }
0x1dd: {  	v4 =	vsel vm0, v4, v5  }
0x1de: {  	v4 =	vmul.f32 $1.442695020e+00, v4;
	_ =	sdelay $0x1  }
0x1df: {  	(erf) = vpow2.f32 v4;
	_ =	sdelay $0x5  }
0x1e0: {  	v1 =	vmul.f32 v3, v1;
	_ =	sdelay $0x1  }
0x1e1: {  	v1 =	vadd.f32 v2, v1  }
0x1e2: {  	v2 =	vpop (erf)  }
0x1e3: {  	v1 =	vmul.f32 v2, v1  }
0x1e4: {  	[tilespmem:$0xA318] =	vst v2  }
0x1e5: {  	[tilespmem:$0xA398] =	vst v1  }
0x1e6: {  	[spmem:s2] =	stream.indirect.scatter.add.f32 [tilespmem:s26], [sflag:$0x2], $0x1, s25, s22, $0xb8;
	[tilespmem:$0xAB28] =	vst v63  }
0x1e7: {  	_ =	swait.ge [sflag:s20], $0x80  }
0x1e8: {  	[sflag:s20] =	ssyncset.done $0x0  }
0x1e9: {  	[sflag:s20] =	ssyncadd.s32 $0xFFFFFF80  }
0x1ea: {  	[spmem:s3] =	stream.indirect.scatter.add.f32 [tilespmem:s28], [sflag:$0x2], $0x1, s25, s22, $0xb8;
	[tilespmem:$0xAB28] =	vst v63  }
0x1eb: {  	_ =	swait.ge [sflag:s20], $0x80  }
0x1ec: {  	[sflag:s20] =	ssyncset.done $0x0  }
0x1ed: {  	[sflag:s20] =	ssyncadd.s32 $0xFFFFFF80  }
0x1ee: {  	s30 =	sshrl.u32 @!p0 s2, $0x3;
	s31 =	simm.s32 @!p0 $0x1C02;
	[bflag:$0x0] =	sbarrier.arrive $0xFFFF  }
0x1ef: {  	[hbm:s11], [sflag:s31] =	dma.local @!p0 [spmem:s30], $0x500  }
0x1f0: {  	s30 =	simm.s32 @!p0 $0x2  }
0x1f1: {  	s29 =	sadd.s32 $0x1, s29;
	_ =	swait.ge @!p0 [sflag:s30], $0x500  }
0x1f2: {  	p1 =	sne.s32 s29, s13;
	[sflag:s30] =	ssyncset.done @!p0 $0x0  }
.Ltmp1:
0x1f3: {  	s1 =	sshrl.u32 @!p0 s3, $0x3;
	[sflag:s30] =	ssyncadd.s32 @!p0 $0xFFFFFB00;
	(pc) =	sbr.rel @p1 .LBB2_1-.Ltmp1, $4  }
0x1f4: {  	[hbm:s12], [sflag:s31] =	dma.local @!p0 [spmem:s1], $0x500  }
0x1f5: {  	_ =	swait.ge @!p0 [sflag:s30], $0x500  }
0x1f6: {  	[sflag:s30] =	ssyncset.done @!p0 $0x0  }
0x1f7: {  	[sflag:s30] =	ssyncadd.s32 @!p0 $0xFFFFFB00  }
0x1f8: {  	_ =	sfence.sel $0x180000  }
0x1f9: {  	[bflag:$0x0] =	sbarrier.arrive $0xFFFF  }
0x1fa: {  	_ =	strace $0x9000004A  }
0x1fb: {  	[bflag:$0x2] =	sbarrier.arrive $0xFFFF  }
0x1fc: {  	s0 =	rddreg [dreg:$0x4]  }
0x1fd: {  	s0 =	sadd.s32 @!p0 $0x100000, s0  }
0x1fe: {  	[sflag:s0] =	ssyncadd.tile.s32 @!p0 $0x1;
	_ =	shalt  }
.Lfunc_end2:
_tile_overlayer_lowered:
.L_overlay_start_2:
0x1ff: {  	(tag) =	ssettag $0x2  }
0x200: {  	s0 =	rddreg [dreg:$0x0];
	s2 =	stileid.u32  }
0x201: {  	s1 =	rddreg [dreg:$0x1];
	p0 =	sne.s32 s2, $0x0  }
0x202: {  	s3 =	rddreg [dreg:$0x2];
	[bflag:$0x3] =	sbarrier.arrive $0xFFFF;
	s2 =	simm.s32 @!p0 $0x1C02  }
0x203: {  	[timem:s3], [sflag:s2] =	dma.local @!p0 [hbm:s0], s1  }
0x204: {  	s0 =	simm.s32 @!p0 $0x2  }
0x205: {  	_ =	swait.ge @!p0 [sflag:s0], s1  }
0x206: {  	s1 =	ssub.s32 @!p0 $0x0, s1;
	[sflag:s0] =	ssyncset.done @!p0 $0x0  }
0x207: {  	[sflag:s0] =	ssyncadd.s32 @!p0 s1  }
0x208: {  	[bflag:$0x3] =	sbarrier.arrive $0xFFFF  }
0x209: {  	_ =	shalt  }

// kernel: kernel.7.cloned.1.call-start
scs
__scs_entry_jumppad:
0x0: {  	(pc) =	sbr.rel $0x88, $3  }
0x1: {  	(tag) =	ssettag $0x0;
	lr =	simm.s32 $0x1  }
0x2: {  	[smem:$0x3F90] =	sst lr;
	_ =	strace $0xD0000000  }
0x3: {  	_ = 	snop  }
0x4: {  	_ = 	snop  }
0x5: {  	_ = 	snop  }
0x6: {  	_ = 	snop  }
0x7: {  	_ = 	snop  }
__scs_overlays_trampoline_lowered:
0x8: {  	[smem:$0x3F9F] =	sst s0  }
0x9: {  	[smem:$0x3FA0] =	sst s1  }
0xa: {  	[smem:$0x3FA1] =	sst s2  }
0xb: {  	[smem:$0x3FA2] =	sst s3  }
0xc: {  	[smem:$0x3FA3] =	sst s4  }
0xd: {  	[smem:$0x3FA4] =	sst s5  }
0xe: {  	[smem:$0x3FA5] =	sst s6  }
0xf: {  	[smem:$0x3FA6] =	sst s7  }
0x10: {  	[smem:$0x3FA7] =	sst s8  }
0x11: {  	[smem:$0x3FA8] =	sst s9;
	s0 =	simm.s32 @!p0 $0x0  }
0x12: {  	s1 =	sld [smem:$0x3F8E];
	s0 =	simm.s32 @p0 $0x1  }
0x13: {  	[smem:$0x3FA9] =	sst s0;
	s0 =	simm.s32 @!p1 $0x0  }
0x14: {  	s2 =	sld [smem:$0x3F8D];
	s0 =	simm.s32 @p1 $0x1  }
0x15: {  	[smem:$0x3FAA] =	sst s0;
	s0 =	simm.s32 @!p2 $0x0  }
0x16: {  	s3 =	sld [smem:$0x3FDB];
	s0 =	simm.s32 @p2 $0x1  }
0x17: {  	s4 =	simm.s32 $0x1BF5;
	[smem:$0x3FAC] =	sst s0  }
0x18: {  	s0 =	sld [smem:$0x3F8F];
	_ =	swait.ge [sflag:s4], $0x0  }
0x19: {  	s7 =	sld [smem:$0x3F90]  }
0x1a: {  	s8 =	sadd.s32 $0xFFFFE003, lr  }
0x1b: {  	s9 =	sadd.s32 $0xFFFFFEF7, lr;
	s5 =	simm.s32 $0xFFFFFFFF;
	p2 =	slt.u32 s8, $0xFFFFF086  }
0x1c: {  	p1 =	slt.u32 s9, $0xF7A;
	s5 =	simm.s32 @!p2 $0x0  }
0x1d: {  	s5 =	simm.s32 @p1 $0x1;
	p0 =	seq.s32 s7, s2  }
0x1e: {  	s7 =	smul.u32 @!p0 $0xF7A, s2;
	p2 =	seq.s32 @!p0 s5, $0x0  }
0x1f: {  	s9 =	smul.u32 $0xF7A, s1;
	s8 =	simm.s32 @!p0 $0x1BF5;
	p2 =	por !p2, p0  }
0x20: {  	[sflag:s8] =	ssyncset.s32 @!p0 $0xFFFFF086;
	s6 =	sadd.s32 @!p0 s3, s7;
	s7 =	simm.s32 @!p0 $0x108  }
0x21: {  	s3 =	sadd.s32 s3, s9;
	s6 =	sadd.s32 @!p0 $0x88, s6;
	s7 =	simm.s32 @p2 $0x1082  }
0x22: {  	[simem:s7], [sflag:s8] =	dma.local @!p0 [hbm:s6], $0xF7A  }
0x23: {  	s9 =	sor.u32 $0xD0000000, s2;
	s6 =	simm.s32 $0x108;
	_ =	swait.ge @!p0 [sflag:s8], $0x0  }
0x24: {  	s3 =	sadd.s32 $0x88, s3;
	s6 =	simm.s32 @!p1 $0x1082;
	[sflag:s4] =	ssyncset.s32 $0xFFFFF086  }
0x25: {  	[simem:s6], [sflag:s4] =	dma.local [hbm:s3], $0xF7A  }
0x26: {  	[smem:$0x3F90] =	sst s1;
	(tag) =	ssettag s2;
	_ =	strace s9  }
0x27: {  	s1 =	sld [smem:$0x3FA0]  }
0x28: {  	s2 =	sld [smem:$0x3FA1]  }
0x29: {  	s4 =	sld [smem:$0x3FA3]  }
0x2a: {  	p0 =	seq.s32 s5, $0x0;
	s5 =	sld [smem:$0x3FA4]  }
0x2b: {  	s6 =	sld [smem:$0x3FA5]  }
0x2c: {  	s7 =	sld [smem:$0x3FA6]  }
0x2d: {  	s3 =	simm.s32 $0x108;
	s8 =	sld [smem:$0x3FA7]  }
0x2e: {  	s3 =	simm.s32 @!p0 $0x1082;
	s9 =	sld [smem:$0x3FA8]  }
0x2f: {  	lr =	sadd.s32 s0, s3;
	s0 =	sld [smem:$0x3F9F]  }
0x30: {  	s3 =	sld [smem:$0x3FA2]  }
0x31: {  	[smem:$0x3FAB] =	sst s10  }
0x32: {  	s10 =	sld [smem:$0x3FA9];
	_ =	sdelay $0x3  }
0x33: {  	p0 =	seq.s32 s10, $0x1;
	s10 =	sld [smem:$0x3FAB];
	_ =	sdelay $0x3  }
0x34: {  	[smem:$0x3FAB] =	sst s10  }
0x35: {  	s10 =	sld [smem:$0x3FAA];
	_ =	sdelay $0x3  }
0x36: {  	p1 =	seq.s32 s10, $0x1;
	s10 =	sld [smem:$0x3FAB];
	_ =	sdelay $0x3  }
0x37: {  	[smem:$0x3FAB] =	sst s10  }
0x38: {  	s10 =	sld [smem:$0x3FAC]  }
0x39: {  	_ = 	snop;
	(pc) =	sbr.ind lr, $3  }
0x3a: {  	_ = 	snop  }
0x3b: {  	_ = 	snop  }
0x3c: {  	p2 =	seq.s32 s10, $0x1;
	s10 =	sld [smem:$0x3FAB]  }
0x3d: {  	_ =	shalt  }
0x3e: {  	_ =	shalt  }
0x3f: {  	_ =	shalt  }
0x40: {  	_ =	shalt  }
0x41: {  	_ =	shalt  }
0x42: {  	_ =	shalt  }
0x43: {  	_ =	shalt  }
0x44: {  	_ =	shalt  }
0x45: {  	_ =	shalt  }
0x46: {  	_ =	shalt  }
0x47: {  	_ =	shalt  }
0x48: {  	_ =	shalt  }
0x49: {  	_ =	shalt  }
0x4a: {  	_ =	shalt  }
0x4b: {  	_ =	shalt  }
0x4c: {  	_ =	shalt  }
0x4d: {  	_ =	shalt  }
0x4e: {  	_ =	shalt  }
0x4f: {  	_ =	shalt  }
0x50: {  	_ =	shalt  }
0x51: {  	_ =	shalt  }
0x52: {  	_ =	shalt  }
0x53: {  	_ =	shalt  }
0x54: {  	_ =	shalt  }
0x55: {  	_ =	shalt  }
0x56: {  	_ =	shalt  }
0x57: {  	_ =	shalt  }
0x58: {  	_ =	shalt  }
0x59: {  	_ =	shalt  }
0x5a: {  	_ =	shalt  }
0x5b: {  	_ =	shalt  }
0x5c: {  	_ =	shalt  }
0x5d: {  	_ =	shalt  }
0x5e: {  	_ =	shalt  }
0x5f: {  	_ =	shalt  }
0x60: {  	_ =	shalt  }
0x61: {  	_ =	shalt  }
0x62: {  	_ =	shalt  }
0x63: {  	_ =	shalt  }
0x64: {  	_ =	shalt  }
0x65: {  	_ =	shalt  }
0x66: {  	_ =	shalt  }
0x67: {  	_ =	shalt  }
0x68: {  	_ =	shalt  }
0x69: {  	_ =	shalt  }
0x6a: {  	_ =	shalt  }
0x6b: {  	_ =	shalt  }
0x6c: {  	_ =	shalt  }
0x6d: {  	_ =	shalt  }
0x6e: {  	_ =	shalt  }
0x6f: {  	_ =	shalt  }
0x70: {  	_ =	shalt  }
0x71: {  	_ =	shalt  }
0x72: {  	_ =	shalt  }
0x73: {  	_ =	shalt  }
0x74: {  	_ =	shalt  }
0x75: {  	_ =	shalt  }
0x76: {  	_ =	shalt  }
0x77: {  	_ =	shalt  }
0x78: {  	_ =	shalt  }
0x79: {  	_ =	shalt  }
0x7a: {  	_ =	shalt  }
0x7b: {  	_ =	shalt  }
0x7c: {  	_ =	shalt  }
0x7d: {  	_ =	shalt  }
0x7e: {  	_ =	shalt  }
0x7f: {  	_ =	shalt  }
0x80: {  	_ =	shalt  }
0x81: {  	_ =	shalt  }
0x82: {  	_ =	shalt  }
0x83: {  	_ =	shalt  }
0x84: {  	_ =	shalt  }
0x85: {  	_ =	shalt  }
0x86: {  	_ =	shalt  }
0x87: {  	_ =	shalt  }
.Lfunc_end0:
.L_simem_size_0:
called_computation_lowered:
.L_overlay_start_0:
0x88: {  	s2 =	sld [smem:$0x3FD9]  }
0x89: {  	s3 =	sld [smem:$0x3FFE];
	_ =	sdelay $0x1  }
0x8a: {  	s1 =	srdreg.scid  }
0x8b: {  	s0 =	sand.u32 $0x1, s1  }
0x8c: {  	s17 =	sshll.u32 s0, $0xA;
	s2 =	sadd.s32 s3, s2  }
0x8d: {  	s2 =	sadd.s32 s2, s17  }
0x8e: {  	[smem:$0x3FB7] =	sst s2  }
0x8f: {  	_ = 	snop  }
0x90: {  	s2 =	sld [smem:$0x3FD0];
	(tm) =	ssettm $0x1  }
0x91: {  	s18 =	sld [smem:$0x3FFB];
	_ =	sdelay $0x3  }
0x92: {  	_ =	strace s18  }
0x93: {  	s3 =	sld [smem:$0x3FFC];
	_ =	sdelay $0x3  }
0x94: {  	_ =	strace s3  }
0x95: {  	s3 =	sld [smem:$0x3FFD];
	_ =	sdelay $0x3  }
0x96: {  	_ =	strace s3  }
0x97: {  	_ =	strace $0x8FFFFFFF  }
0x98: {  	s19 =	sld [smem:$0x3FDB];
	_ =	sdelay $0x1  }
0x99: {  	s4 =	simm.s32 $_scs_section_size  }
0x9a: {  	s5 =	simm.s32 $_size__tile_overlayer_lowered;
	s6 =	simm.s32 $_tile_overlayer_lowered  }
0x9b: {  	s22 =	simm.s32 $0x1BFF;
	s21 =	sshll.u32 s6, $0x1;
	s3 =	sadd.s32 s4, s19  }
0x9c: {  	s7 =	simm.s32 $0x0;
	s20 =	sshll.u32 s5, $0x1;
	s5 =	sadd.s32 s21, s3  }
0x9d: {  	[timem:s7], [sflag:s22] =	dma.local [hbm:s5], s20  }
0x9e: {  	_ =	swait.ge [sflag:s22], s20  }
0x9f: {  	s4 =	ssub.s32 $0x0, s20;
	[sflag:s22] =	ssyncset.done $0x0  }
0xa0: {  	[sflag:s22] =	ssyncadd.s32 s4;
	_ =	sdelay $0x1  }
0xa1: {  	s23 =	simm.s32 $0x1B8B  }
0xa2: {  	_ =	swait.ge [sflag:s23], $0x1  }
0xa3: {  	[sflag:s23] =	ssyncset.done $0x0  }
0xa4: {  	s25 =	simm.s32 $0x1B8E;
	s24 =	sld [smem:$0x3FFE];
	[sflag:s23] =	ssyncadd.s32 $0xFFFFFFFF  }
0xa5: {  	s26 =	simm.s32 $execute0_lowered;
	[smem:$0x3FD2] =	sst s25  }
0xa6: {  	s5 =	sshll.u32 s26, $0x1;
	_ =	strace $0x80000046;
	[dreg:$0x1] =	wrdreg $0xFFFFFFFF  }
0xa7: {  	s28 =	simm.s32 $_size_execute0_lowered;
	s3 =	sadd.s32 s3, s5;
	[dreg:$0x0] =	wrdreg $0x0  }
0xa8: {  	s5 =	sshll.u32 s28, $0x1;
	[dreg:$0x2] =	wrdreg s3  }
0xa9: {  	[dreg:$0x3] =	wrdreg s5  }
0xaa: {  	[dreg:$0x4] =	wrdreg $0xC0  }
0xab: {  	_ =	task [dreg:s7], $0x5FFFF  }
0xac: {  	[dreg:$0x1] =	wrdreg $0xFFFFFFFF  }
0xad: {  	[dreg:$0x0] =	wrdreg $0x60  }
0xae: {  	[dreg:$0x2] =	wrdreg s24  }
0xaf: {  	[dreg:$0x3] =	wrdreg s2  }
0xb0: {  	[dreg:$0x4] =	wrdreg $0x174080  }
0xb1: {  	[dreg:$0x5] =	wrdreg $0x9  }
0xb2: {  	_ =	task.clear_ibuf [dreg:s7], $0x6FFFF;
	_ =	strace $0x90000046  }
0xb3: {  	s29 =	simm.s32 $0x9;
	_ =	strace $0x80000048  }
0xb4: {  	_ =	swait.ge [sflag:s29], $0x1  }
0xb5: {  	[sflag:s29] =	ssyncadd.s32 $0xFFFFFFFF  }
0xb6: {  	_ =	strace $0x90000048  }
0xb7: {  	_ =	sfence  }
0xb8: {  	s30 =	sld [smem:$0x0];
	_ =	sdelay $0x2  }
0xb9: {  	s31 =	sshll.u32 s1, $0xD;
	s1 =	sshrl.u32 s1, $0x2  }
0xba: {  	s3 =	sand.u32 $0x4000, s31;
	s1 =	sadd.s32 s1, s30  }
0xbb: {  	s0 =	sor.u32 s3, s0;
	s1 =	sshll.u32 s1, $0x11  }
0xbc: {  	s0 =	sor.u32 s1, s0  }
0xbd: {  	s0 =	sadd.s32 $0x8F2B, s0  }
0xbe: {  	[sflag:s0] =	ssyncadd.remote.s32 $0x1  }
0xbf: {  	_ =	sfence.sel $0xFFFF  }
0xc0: {  	[dreg:$0x0] =	wrdreg $0xFFFFFFFF;
	(pc) =	sbr.abs _section_cstart, $3  }
0xc1: {  	[dreg:$0x1] =	wrdreg $0xFFFFFFFF  }
0xc2: {  	_ =	task.clear_ibuf [dreg:s7], $0x2FFFF;
	_ =	strace $0x9FFFFFFF  }
0xc3: {  	(tm) =	ssettm $0x7FFFFFFF  }
tec
execute0_lowered:
.L_overlay_start_1:
0x0: {  	(tag) =	ssettag $0x1  }
0x1: {  	s8 =	rddreg [dreg:$0x0]  }
0x2: {  	s1 =	rddreg [dreg:$0x1]  }
0x3: {  	s2 =	rddreg [dreg:$0x2]  }
0x4: {  	s0 =	rddreg [dreg:$0x3];
	s3 =	simm.s32 $0x0  }
0x5: {  	s6 =	srdreg.scid;
	s22 =	stileid.u32;
	s14 =	simm.s32 $0x14C08  }
0x6: {  	s15 =	simm.s32 $0x2;
	s16 =	simm.s32 $0x1;
	s17 =	simm.s32 $0x80  }
0x7: {  	s18 =	simm.s32 $0x4F000;
	s19 =	simm.s32 $0x14008;
	s20 =	simm.s32 $0x14288  }
0x8: {  	s21 =	simm.s32 $0x14408;
	s24 =	simm.s32 $0x0;
	[smem:$0x7FF] =	sst s3  }
0x9: {  	s4 =	sadd.s32 $0x1800, s8;
	s5 =	sadd.s32 $0x29000, s8;
	s9 =	sand.u32 $0x1, s6  }
0xa: {  	s6 =	sadd.s32 $0x2A400, s8;
	s7 =	sadd.s32 $0x2B800, s8;
	s12 =	smul.u32 $0xA000, s22  }
0xb: {  	s13 =	sshll.u32 s22, $0x1;
	p0 =	sne.s32 s22, $0x0;
	s22 =	simm.s32 $0x14208  }
0xc: {  	_ =	strace $0x80000047;
	s10 =	smul.u32 $0x5000, s9;
	s11 =	ssub.s32 $0x2, s9  }
0xd: {  	s9 =	sor.u32 s9, s13;
	s13 =	simm.s32 $0x14000;
	s23 =	sshrl.u32 @!p0 s2, $0x3  }
0xe: {  	s30 =	sshrl.u32 s11, $0x1;
	s31 =	sshrl.u32 s12, $0x2;
	s9 =	smul.u32 $0x2780, s9  }
0xf: {  	v0 =	vimm.f32 $0.0e+00;
	s12 =	simm.s32 $0xA000;
	s10 =	sadd.s32 s10, s8;
	s11 =	ssub.s32 s11, s30  }
0x10: {  	vm0 =	vcmask $0x2B28;
	vm1 =	vcmask $0x2B30;
	vm2 =	vcmask $0x2730;
	s8 =	sadd.s32 s31, s2;
	s10 =	sadd.s32 $0x3F200, s10;
	s11 =	smax.u32 s11, $0x1  }
.LBB2_1:
0x11: {  	[tilespmem:s3], [sflag:$0x1] =	stream.linear.gather [hbm4b:s5+s3], $0xA000, $0x38;
	[tilespmem:$0x19C08] =	vst v63  }
0x12: {  	_ = 	snop  }
0x13: {  	[tilespmem:s12], [sflag:$0x1] =	stream.linear.gather [hbm4b:s6+s3], $0xA000, $0x38;
	[tilespmem:$0x19C08] =	vst v63  }
0x14: {  	s25 =	simm.s32 $0x40;
	s26 =	simm.s32 $0x0  }
0x15: {  	[tilespmem:s13], [sflag:$0x1] =	stream.linear.gather [hbm4b:s1+s3], $0x8, $0x38;
	[tilespmem:$0x19C08] =	vst v63  }
.LBB2_2:
0x16: {  	p1 =	sne.s32 s25, $0x9FC0;
	[tilespmem:s26+$0x14C08] =	vst v0;
	s26 =	smov.u32 s25;
	s25 =	sadd.s32 $0x40, s25  }
.Ltmp0:
0x17: {  	(pc) =	sbr.rel @p1 .LBB2_2-.Ltmp0, $2  }
0x18: {  	_ =	sdelay $0x2  }
0x19: {  	s26 =	sshra.s32 s26, $0x2  }
0x1a: {  	[tilespmem:s26+$0x14C08] =	vst v0  }
0x1b: {  	[spmem:s8] =	stream.linear.scatter [tilespmem:s14], [sflag:$0x2], $0x2800, $0x38;
	[tilespmem:$0x19C08] =	vst v63  }
0x1c: {  	_ =	swait.ge [sflag:s15], $0x2800  }
0x1d: {  	[sflag:s15] =	ssyncset.done $0x0  }
0x1e: {  	[sflag:s15] =	ssyncadd.s32 $0xFFFFD800  }
0x1f: {  	_ =	swait.ge [sflag:s16], $0xA000  }
0x20: {  	[sflag:s16] =	ssyncset.done $0x0  }
0x21: {  	[sflag:s16] =	ssyncadd.s32 $0xFFFF6000  }
0x22: {  	_ =	swait.ge [sflag:s16], $0xA000  }
0x23: {  	[sflag:s16] =	ssyncset.done $0x0  }
0x24: {  	[sflag:s16] =	ssyncadd.s32 $0xFFFF6000  }
0x25: {  	_ =	swait.ge [sflag:s16], $0x8  }
0x26: {  	[sflag:s16] =	ssyncset.done $0x0  }
0x27: {  	[sflag:s16] =	ssyncadd.s32 $0xFFFFFFF8  }
0x28: {  	s25 =	simm.s32 $0x0;
	s26 =	simm.s32 $0x0;
	[bflag:$0x0] =	sbarrier.arrive $0xFFFF  }
.LBB2_4:
0x29: {  	s28 =	sshll.u32 s26, $0x7  }
0x2a: {  	s28 =	sadd.s32 s9, s28  }
0x2b: {  	s28 =	sshrl.u32 s28, $0x3  }
0x2c: {  	s28 =	sadd.s32 s4, s28  }
0x2d: {  	[tilespmem:s19], [sflag:$0x2] =	stream.strided.gather [hbm4b:s28+s17], $0x200, s18, s17, $0x38;
	[tilespmem:$0x19C08] =	vst v63  }
0x2e: {  	_ =	swait.ge [sflag:s15], $0x200  }
0x2f: {  	[sflag:s15] =	ssyncset.done $0x0  }
0x30: {  	[sflag:s15] =	ssyncadd.s32 $0xFFFFFE00  }
0x31: {  	v1 =	vld [tilespmem:$0x14008]  }
0x32: {  	v2 =	vld [tilespmem:$0x14088]  }
0x33: {  	v3 =	vld [tilespmem:$0x14108];
	_ =	sdelay $0x3  }
0x34: {  	v4 =	vshll.u32 v2, $0x2  }
0x35: {  	v1 =	vshll.u32 v1, $0x2;
	v4 =	vadd.s32 v3, v4  }
0x36: {  	v1 =	vadd.s32 v1, v3;
	_ =	sdelay $0x1  }
0x37: {  	v5 =	vld [tilespmem:$0x14188]  }
0x38: {  	v3 =	vld.idx.msk [tilespmem:v3+s13+$0x0], $0xffff  }
0x39: {  	v4 =	vld.idx.msk [tilespmem:v4+s25+$0x0], $0xffff  }
0x3a: {  	v6 =	vld.idx.msk [tilespmem:v1+s12+$0x0], $0xffff;
	_ =	sdelay $0x4  }
0x3b: {  	v3 =	vmul.f32 v3, v5;
	v4 =	vadd.f32 v6, v4;
	_ =	sdelay $0x1  }
0x3c: {  	v3 =	vadd.f32 v3, v4;
	_ =	sdelay $0x1  }
0x3d: {  	v4 =	vmul.f32 $2.000000030e-01, v3  }
0x3e: {  	vm3 =	vge.f32 v3, $0.0e+00  }
0x3f: {  	v3 =	vsel vm3, v3, v4  }
0x40: {  	v3 =	vmul.f32 $1.442695020e+00, v3;
	_ =	sdelay $0x1  }
0x41: {  	(erf) = vpow2.f32 v3  }
0x42: {  	v39 =	vld [tilespmem:$0x14098]  }
0x43: {  	v40 =	vld [tilespmem:$0x14118]  }
0x44: {  	v3 =	vld [tilespmem:$0x14018];
	_ =	sdelay $0x3  }
0x45: {  	v7 =	vshll.u32 v39, $0x2  }
0x46: {  	v7 =	vadd.s32 v40, v7;
	v3 =	vshll.u32 v3, $0x2  }
0x47: {  	[tilespmem:$0x14288] =	vst v1;
	v1 =	vadd.s32 v3, v40;
	v8 =	vpop (erf)  }
0x48: {  	[tilespmem:$0x14208] =	vst v2;
	v2 =	vmul.f32 v8, v5  }
0x49: {  	[tilespmem:$0x14308] =	vst v8  }
0x4a: {  	[tilespmem:$0x14388] =	vst v2;
	v2 =	vld [tilespmem:$0x14198]  }
0x4b: {  	v3 =	vld.idx.msk [tilespmem:v7+s25+$0x0], $0xffff  }
0x4c: {  	v41 =	vld.idx.msk [tilespmem:v1+s12+$0x0], $0xffff  }
0x4d: {  	v6 =	vld.idx.msk [tilespmem:v40+s13+$0x0], $0xffff;
	_ =	sdelay $0x4  }
0x4e: {  	v3 =	vadd.f32 v41, v3;
	v42 =	vmul.f32 v6, v2;
	_ =	sdelay $0x1  }
0x4f: {  	v3 =	vadd.f32 v42, v3;
	_ =	sdelay $0x1  }
0x50: {  	v5 =	vmul.f32 $2.000000030e-01, v3  }
0x51: {  	vm3 =	vge.f32 v3, $0.0e+00  }
0x52: {  	v3 =	vsel vm3, v3, v5  }
0x53: {  	v3 =	vmul.f32 $1.442695020e+00, v3;
	_ =	sdelay $0x1  }
0x54: {  	(erf) = vpow2.f32 v3  }
0x55: {  	v43 =	vld [tilespmem:$0x140A8]  }
0x56: {  	v44 =	vld [tilespmem:$0x14128]  }
0x57: {  	v3 =	vld [tilespmem:$0x14028];
	_ =	sdelay $0x3  }
0x58: {  	v45 =	vshll.u32 v43, $0x2  }
0x59: {  	v7 =	vadd.s32 v44, v45;
	v3 =	vshll.u32 v3, $0x2  }
0x5a: {  	[tilespmem:$0x14298] =	vst v1;
	v1 =	vadd.s32 v3, v44;
	v46 =	vpop (erf)  }
0x5b: {  	[tilespmem:$0x14218] =	vst v39;
	v2 =	vmul.f32 v46, v2  }
0x5c: {  	[tilespmem:$0x14318] =	vst v46  }
0x5d: {  	[tilespmem:$0x14398] =	vst v2;
	v2 =	vld [tilespmem:$0x141A8]  }
0x5e: {  	v3 =	vld.idx.msk [tilespmem:v7+s25+$0x0], $0xffff  }
0x5f: {  	v4 =	vld.idx.msk [tilespmem:v1+s12+$0x0], $0xffff  }
0x60: {  	v6 =	vld.idx.msk [tilespmem:v44+s13+$0x0], $0xffff;
	_ =	sdelay $0x4  }
0x61: {  	v3 =	vadd.f32 v4, v3;
	v47 =	vmul.f32 v6, v2;
	_ =	sdelay $0x1  }
0x62: {  	v3 =	vadd.f32 v47, v3;
	_ =	sdelay $0x1  }
0x63: {  	v4 =	vmul.f32 $2.000000030e-01, v3  }
0x64: {  	vm3 =	vge.f32 v3, $0.0e+00  }
0x65: {  	v3 =	vsel vm3, v3, v4  }
0x66: {  	v3 =	vmul.f32 $1.442695020e+00, v3;
	_ =	sdelay $0x1  }
0x67: {  	(erf) = vpow2.f32 v3  }
0x68: {  	v48 =	vld [tilespmem:$0x140B8]  }
0x69: {  	v49 =	vld [tilespmem:$0x14138]  }
0x6a: {  	v3 =	vld [tilespmem:$0x14038];
	_ =	sdelay $0x3  }
0x6b: {  	v50 =	vshll.u32 v48, $0x2  }
0x6c: {  	v7 =	vadd.s32 v49, v50;
	v3 =	vshll.u32 v3, $0x2  }
0x6d: {  	[tilespmem:$0x142A8] =	vst v1;
	v1 =	vadd.s32 v3, v49;
	v51 =	vpop (erf)  }
0x6e: {  	[tilespmem:$0x14228] =	vst v43;
	v2 =	vmul.f32 v51, v2  }
0x6f: {  	[tilespmem:$0x14328] =	vst v51  }
0x70: {  	[tilespmem:$0x143A8] =	vst v2;
	v2 =	vld [tilespmem:$0x141B8]  }
0x71: {  	v3 =	vld.idx.msk [tilespmem:v7+s25+$0x0], $0xffff  }
0x72: {  	v5 =	vld.idx.msk [tilespmem:v1+s12+$0x0], $0xffff  }
0x73: {  	v6 =	vld.idx.msk [tilespmem:v49+s13+$0x0], $0xffff;
	_ =	sdelay $0x4  }
0x74: {  	v3 =	vadd.f32 v5, v3;
	v52 =	vmul.f32 v6, v2;
	_ =	sdelay $0x1  }
0x75: {  	v3 =	vadd.f32 v52, v3;
	_ =	sdelay $0x1  }
0x76: {  	v5 =	vmul.f32 $2.000000030e-01, v3  }
0x77: {  	vm3 =	vge.f32 v3, $0.0e+00  }
0x78: {  	v3 =	vsel vm3, v3, v5  }
0x79: {  	v3 =	vmul.f32 $1.442695020e+00, v3;
	_ =	sdelay $0x1  }
0x7a: {  	(erf) = vpow2.f32 v3  }
0x7b: {  	v53 =	vld [tilespmem:$0x140C8]  }
0x7c: {  	v54 =	vld [tilespmem:$0x14148]  }
0x7d: {  	v3 =	vld [tilespmem:$0x14048];
	_ =	sdelay $0x3  }
0x7e: {  	v55 =	vshll.u32 v53, $0x2  }
0x7f: {  	v7 =	vadd.s32 v54, v55;
	v3 =	vshll.u32 v3, $0x2  }
0x80: {  	[tilespmem:$0x142B8] =	vst v1;
	v1 =	vadd.s32 v3, v54;
	v56 =	vpop (erf)  }
0x81: {  	[tilespmem:$0x14238] =	vst v48;
	v2 =	vmul.f32 v56, v2  }
0x82: {  	[tilespmem:$0x14338] =	vst v56  }
0x83: {  	[tilespmem:$0x143B8] =	vst v2;
	v2 =	vld [tilespmem:$0x141C8]  }
0x84: {  	v3 =	vld.idx.msk [tilespmem:v7+s25+$0x0], $0xffff  }
0x85: {  	v4 =	vld.idx.msk [tilespmem:v1+s12+$0x0], $0xffff  }
0x86: {  	v6 =	vld.idx.msk [tilespmem:v54+s13+$0x0], $0xffff;
	_ =	sdelay $0x4  }
0x87: {  	v3 =	vadd.f32 v4, v3;
	v57 =	vmul.f32 v6, v2;
	_ =	sdelay $0x1  }
0x88: {  	v3 =	vadd.f32 v57, v3;
	_ =	sdelay $0x1  }
0x89: {  	v4 =	vmul.f32 $2.000000030e-01, v3  }
0x8a: {  	vm3 =	vge.f32 v3, $0.0e+00  }
0x8b: {  	v3 =	vsel vm3, v3, v4  }
0x8c: {  	v3 =	vmul.f32 $1.442695020e+00, v3;
	_ =	sdelay $0x1  }
0x8d: {  	(erf) = vpow2.f32 v3  }
0x8e: {  	v58 =	vld [tilespmem:$0x140D8]  }
0x8f: {  	v59 =	vld [tilespmem:$0x14158]  }
0x90: {  	v3 =	vld [tilespmem:$0x14058];
	_ =	sdelay $0x3  }
0x91: {  	v60 =	vshll.u32 v58, $0x2  }
0x92: {  	v7 =	vadd.s32 v59, v60;
	v3 =	vshll.u32 v3, $0x2  }
0x93: {  	[tilespmem:$0x142C8] =	vst v1;
	v1 =	vadd.s32 v3, v59;
	v61 =	vpop (erf)  }
0x94: {  	[tilespmem:$0x14248] =	vst v53;
	v2 =	vmul.f32 v61, v2  }
0x95: {  	[tilespmem:$0x14348] =	vst v61  }
0x96: {  	[tilespmem:$0x143C8] =	vst v2;
	v2 =	vld [tilespmem:$0x141D8]  }
0x97: {  	v3 =	vld.idx.msk [tilespmem:v7+s25+$0x0], $0xffff  }
0x98: {  	v5 =	vld.idx.msk [tilespmem:v1+s12+$0x0], $0xffff  }
0x99: {  	v6 =	vld.idx.msk [tilespmem:v59+s13+$0x0], $0xffff;
	_ =	sdelay $0x4  }
0x9a: {  	v3 =	vadd.f32 v5, v3;
	v62 =	vmul.f32 v6, v2;
	_ =	sdelay $0x1  }
0x9b: {  	v3 =	vadd.f32 v62, v3;
	_ =	sdelay $0x1  }
0x9c: {  	v5 =	vmul.f32 $2.000000030e-01, v3  }
0x9d: {  	vm3 =	vge.f32 v3, $0.0e+00  }
0x9e: {  	v3 =	vsel vm3, v3, v5  }
0x9f: {  	v3 =	vmul.f32 $1.442695020e+00, v3;
	_ =	sdelay $0x1  }
0xa0: {  	(erf) = vpow2.f32 v3  }
0xa1: {  	v63 =	vld [tilespmem:$0x140E8]  }
0xa2: {  	v12 =	vld [tilespmem:$0x14168]  }
0xa3: {  	v3 =	vld [tilespmem:$0x14068];
	_ =	sdelay $0x3  }
0xa4: {  	v13 =	vshll.u32 v63, $0x2  }
0xa5: {  	v7 =	vadd.s32 v12, v13;
	v3 =	vshll.u32 v3, $0x2  }
0xa6: {  	[tilespmem:$0x142D8] =	vst v1;
	v1 =	vadd.s32 v3, v12;
	v14 =	vpop (erf)  }
0xa7: {  	[tilespmem:$0x14258] =	vst v58;
	v2 =	vmul.f32 v14, v2  }
0xa8: {  	[tilespmem:$0x14358] =	vst v14  }
0xa9: {  	[tilespmem:$0x143D8] =	vst v2;
	v2 =	vld [tilespmem:$0x141E8]  }
0xaa: {  	v3 =	vld.idx.msk [tilespmem:v7+s25+$0x0], $0xffff  }
0xab: {  	v4 =	vld.idx.msk [tilespmem:v1+s12+$0x0], $0xffff  }
0xac: {  	v6 =	vld.idx.msk [tilespmem:v12+s13+$0x0], $0xffff;
	_ =	sdelay $0x4  }
0xad: {  	v3 =	vadd.f32 v4, v3;
	v15 =	vmul.f32 v6, v2;
	_ =	sdelay $0x1  }
0xae: {  	v3 =	vadd.f32 v15, v3;
	_ =	sdelay $0x1  }
0xaf: {  	v4 =	vmul.f32 $2.000000030e-01, v3  }
0xb0: {  	vm3 =	vge.f32 v3, $0.0e+00  }
0xb1: {  	v3 =	vsel vm3, v3, v4  }
0xb2: {  	v3 =	vmul.f32 $1.442695020e+00, v3;
	_ =	sdelay $0x1  }
0xb3: {  	(erf) = vpow2.f32 v3  }
0xb4: {  	v16 =	vld [tilespmem:$0x140F8]  }
0xb5: {  	v17 =	vld [tilespmem:$0x14178]  }
0xb6: {  	v3 =	vld [tilespmem:$0x14078];
	_ =	sdelay $0x3  }
0xb7: {  	v18 =	vshll.u32 v16, $0x2  }
0xb8: {  	v7 =	vadd.s32 v17, v18;
	v3 =	vshll.u32 v3, $0x2  }
0xb9: {  	[tilespmem:$0x142E8] =	vst v1;
	v1 =	vadd.s32 v3, v17;
	v19 =	vpop (erf)  }
0xba: {  	[tilespmem:$0x14268] =	vst v63;
	v2 =	vmul.f32 v19, v2  }
0xbb: {  	[tilespmem:$0x14368] =	vst v19  }
0xbc: {  	[tilespmem:$0x143E8] =	vst v2;
	v2 =	vld [tilespmem:$0x141F8]  }
0xbd: {  	v3 =	vld.idx.msk [tilespmem:v7+s25+$0x0], $0xffff  }
0xbe: {  	v5 =	vld.idx.msk [tilespmem:v1+s12+$0x0], $0xffff  }
0xbf: {  	v6 =	vld.idx.msk [tilespmem:v17+s13+$0x0], $0xffff;
	_ =	sdelay $0x4  }
0xc0: {  	v3 =	vadd.f32 v5, v3;
	v20 =	vmul.f32 v6, v2;
	_ =	sdelay $0x1  }
0xc1: {  	v3 =	vadd.f32 v20, v3;
	_ =	sdelay $0x1  }
0xc2: {  	v5 =	vmul.f32 $2.000000030e-01, v3  }
0xc3: {  	vm3 =	vge.f32 v3, $0.0e+00  }
0xc4: {  	v3 =	vsel vm3, v3, v5  }
0xc5: {  	v3 =	vmul.f32 $1.442695020e+00, v3;
	_ =	sdelay $0x1  }
0xc6: {  	(erf) = vpow2.f32 v3;
	_ =	sdelay $0x8  }
0xc7: {  	[tilespmem:$0x142F8] =	vst v1;
	v3 =	vpop (erf)  }
0xc8: {  	[tilespmem:$0x14278] =	vst v16;
	v1 =	vmul.f32 v3, v2  }
0xc9: {  	[tilespmem:$0x14378] =	vst v3  }
0xca: {  	[tilespmem:$0x143F8] =	vst v1  }
0xcb: {  	[tilespmem:s21], [sflag:$0x2] =	stream.indirect.gather [hbm4b:s7+s17], $0x10, s20, s17, $0xb8;
	[tilespmem:$0x19C08] =	vst v63  }
0xcc: {  	_ =	swait.ge [sflag:s15], $0x800  }
0xcd: {  	[sflag:s15] =	ssyncset.done $0x0  }
0xce: {  	s29 =	simm.s32 $0x0;
	[sflag:s15] =	ssyncadd.s32 $0xFFFFF800  }
0xcf: {  	v1 =	vld [tilespmem:s29+$0x14308]  }
0xd0: {  	v21 =	vld [tilespmem:s29+$0x14388];
	_ =	sdelay $0x3  }
0xd1: {  	v23 =	vbroadcast v1, $0x1;
	v24 =	vbroadcast v1, $0x2  }
0xd2: {  	v25 =	vbroadcast v1, $0x3;
	v10 =	vbroadcast v21, $0x1  }
0xd3: {  	v12 =	vbroadcast v1, $0x4;
	v13 =	vbroadcast v21, $0x2  }
0xd4: {  	v27 =	vbroadcast v21, $0x3;
	v28 =	vbroadcast v1, $0x5  }
0xd5: {  	v30 =	vbroadcast v21, $0x4;
	v32 =	vbroadcast v1, $0x6  }
0xd6: {  	s28 =	simm.s32 $0x14488;
	v14 =	vbroadcast v21, $0x5;
	v33 =	vbroadcast v21, $0x6  }
0xd7: {  	v2 =	vld [tilespmem:s28+$0xFFFFFFA0];
	v16 =	vbroadcast v1, $0x7;
	v35 =	vbroadcast v21, $0x7  }
0xd8: {  	v3 =	vld [tilespmem:s28+$0xFFFFFF90];
	v38 =	vbroadcast v1, $0x8;
	v39 =	vbroadcast v21, $0x8  }
0xd9: {  	v22 =	vld [tilespmem:s28+$0xFFFFFFB0];
	v40 =	vbroadcast v1, $0x9;
	v42 =	vbroadcast v1, $0xA  }
0xda: {  	v9 =	vld [tilespmem:s28+$0xFFFFFFC0];
	v43 =	vbroadcast v21, $0x9;
	v45 =	vbroadcast v21, $0xA  }
0xdb: {  	v26 =	vld [tilespmem:s28+$0xFFFFFFE0];
	v49 =	vbroadcast v21, $0xC;
	v53 =	vbroadcast v21, $0xD  }
0xdc: {  	v31 =	vld [tilespmem:s28+$0xFFFFFFF0];
	v55 =	vbroadcast v1, $0xE;
	v56 =	vbroadcast v21, $0xE  }
0xdd: {  	v37 =	vld [tilespmem:s28+$0x20];
	v58 =	vbroadcast v1, $0xF;
	v3 =	vmul.f32 v3, v23  }
0xde: {  	v15 =	vld [tilespmem:s28+$0x0];
	v59 =	vbroadcast v21, $0xF;
	v2 =	vmul.f32 v2, v24  }
0xdf: {  	v11 =	vld [tilespmem:s28+$0xFFFFFFD0];
	v60 =	vbroadcast v1, $0x0;
	v29 =	vmul.f32 v9, v12;
	v3 =	vsel vm0, v23, v3  }
0xe0: {  	v5 =	vmul.f32 v22, v25;
	v2 =	vsel vm0, v24, v2;
	v3 =	vsel vm1, v3, v10  }
0xe1: {  	v8 =	vsel vm0, v12, v29;
	v2 =	vsel vm1, v2, v13;
	[tilespmem:s28+$0xFFFFFF90] =	vst v3;
	v3 =	vmul.f32 v31, v16  }
0xe2: {  	v34 =	vld [tilespmem:s28+$0x10];
	v6 =	vmul.f32 v26, v32;
	v46 =	vmul.f32 v37, v42;
	[tilespmem:s28+$0xFFFFFFA0] =	vst v2;
	v2 =	vsel vm1, v8, v30  }
0xe3: {  	v41 =	vld [tilespmem:s28+$0x40];
	v5 =	vsel vm0, v25, v5;
	[tilespmem:s28+$0xFFFFFFC0] =	vst v2;
	v2 =	vsel vm0, v16, v3;
	v3 =	vmul.f32 v15, v38  }
0xe4: {  	v44 =	vld [tilespmem:s28+$0x50];
	v11 =	vmul.f32 v11, v28;
	v6 =	vsel vm0, v32, v6;
	v5 =	vsel vm1, v5, v27  }
0xe5: {  	v57 =	vld [tilespmem:s28+$0x30];
	v7 =	vsel vm2, v46, v1;
	[tilespmem:s28+$0xFFFFFFB0] =	vst v5;
	v2 =	vsel vm1, v2, v35;
	v3 =	vsel vm0, v38, v3  }
0xe6: {  	v48 =	vld [tilespmem:s28+$0x60];
	v10 =	vsel vm0, v28, v11;
	[tilespmem:s28+$0xFFFFFFF0] =	vst v2;
	v2 =	vsel vm1, v3, v39;
	v3 =	vbroadcast v1, $0xC  }
0xe7: {  	v51 =	vld [tilespmem:s28+$0x70];
	v6 =	vsel vm1, v6, v33;
	v11 =	vmul.f32 v34, v40;
	[tilespmem:s28+$0x0] =	vst v2;
	v2 =	vbroadcast v1, $0xD  }
0xe8: {  	v54 =	vld [tilespmem:s28+$0xFFFFFF80];
	v52 =	vsel vm1, v7, v45;
	[tilespmem:s28+$0xFFFFFFE0] =	vst v6;
	v1 =	vbroadcast v1, $0xB;
	v50 =	vmul.f32 v41, v3  }
0xe9: {  	v36 =	vsel vm1, v10, v14;
	[tilespmem:s28+$0x20] =	vst v52;
	v47 =	vsel vm0, v40, v11;
	v9 =	vmul.f32 v44, v2  }
0xea: {  	[tilespmem:s28+$0xFFFFFFD0] =	vst v36;
	v5 =	vsel vm1, v47, v43;
	v63 =	vmul.f32 v57, v1;
	v3 =	vsel vm0, v3, v50  }
0xeb: {  	v10 =	vmul.f32 v48, v55;
	[tilespmem:s28+$0x10] =	vst v5;
	v3 =	vsel vm1, v3, v49;
	v2 =	vsel vm0, v2, v9  }
0xec: {  	v61 =	vmul.f32 v51, v58;
	v1 =	vsel vm0, v1, v63;
	v2 =	vsel vm1, v2, v53;
	[tilespmem:s28+$0x40] =	vst v3  }
0xed: {  	v7 =	vmul.f32 v54, v60;
	v5 =	vsel vm0, v55, v10;
	v1 =	vsel vm1, v1, v21;
	[tilespmem:s28+$0x50] =	vst v2  }
0xee: {  	v62 =	vsel vm0, v58, v61;
	v3 =	vbroadcast v21, $0x0;
	v2 =	vsel vm1, v5, v56;
	[tilespmem:s28+$0x30] =	vst v1  }
0xef: {  	v7 =	vsel vm0, v60, v7;
	[tilespmem:s28+$0x60] =	vst v2;
	v2 =	vsel vm1, v62, v59  }
0xf0: {  	v3 =	vsel vm1, v7, v3;
	[tilespmem:s28+$0x70] =	vst v2  }
0xf1: {  	s30 =	simm.s32 $0x10;
	s29 =	simm.s32 $0x80;
	[tilespmem:s28+$0xFFFFFF80] =	vst v3  }
.LBB2_5:
0xf2: {  	p1 =	sne.s32 s29, $0x1C0;
	v2 =	vld [tilespmem:s30+$0x14308];
	s28 =	sadd.s32 $0x100, s28  }
0xf3: {  	v3 =	vld [tilespmem:s28+$0xFFFFFFA0]  }
0xf4: {  	v4 =	vld [tilespmem:s28+$0xFFFFFF90]  }
0xf5: {  	v1 =	vld [tilespmem:s30+$0x14388]  }
0xf6: {  	v5 =	vld [tilespmem:s28+$0xFFFFFFB0]  }
0xf7: {  	v6 =	vbroadcast v2, $0x1;
	v7 =	vbroadcast v2, $0x2  }
0xf8: {  	v8 =	vbroadcast v2, $0x3;
	v10 =	vbroadcast v2, $0x4;
	v9 =	vld [tilespmem:s28+$0xFFFFFFC0]  }
0xf9: {  	v4 =	vmul.f32 v4, v6;
	v3 =	vmul.f32 v3, v7  }
0xfa: {  	v11 =	vbroadcast v1, $0x1;
	v12 =	vbroadcast v1, $0x2  }
0xfb: {  	v4 =	vsel vm0, v6, v4;
	v3 =	vsel vm0, v7, v3;
	v5 =	vmul.f32 v5, v8;
	v6 =	vld [tilespmem:s28+$0xFFFFFFD0]  }
0xfc: {  	v7 =	vbroadcast v1, $0x3;
	v4 =	vsel vm1, v4, v11;
	v3 =	vsel vm1, v3, v12;
	v11 =	vld [tilespmem:s28+$0xFFFFFFE0]  }
0xfd: {  	[tilespmem:s28+$0xFFFFFFA0] =	vst v3;
	v3 =	vsel vm0, v8, v5;
	v5 =	vmul.f32 v9, v10;
	v8 =	vbroadcast v1, $0x4;
	v9 =	vld [tilespmem:s28+$0xFFFFFFF0]  }
0xfe: {  	[tilespmem:s28+$0xFFFFFF90] =	vst v4;
	v3 =	vsel vm1, v3, v7;
	v4 =	vbroadcast v2, $0x5;
	v7 =	vbroadcast v1, $0x5  }
0xff: {  	[tilespmem:s28+$0xFFFFFFB0] =	vst v3;
	v3 =	vsel vm0, v10, v5;
	v5 =	vbroadcast v2, $0x6;
	v10 =	vbroadcast v1, $0x6;
	v12 =	vld [tilespmem:s28+$0x0]  }
0x100: {  	v3 =	vsel vm1, v3, v8;
	v6 =	vmul.f32 v6, v4;
	v8 =	vbroadcast v2, $0x7  }
0x101: {  	[tilespmem:s28+$0xFFFFFFC0] =	vst v3;
	v3 =	vmul.f32 v11, v5;
	v11 =	vbroadcast v1, $0x7  }
0x102: {  	v4 =	vsel vm0, v4, v6;
	v6 =	vmul.f32 v9, v8;
	v9 =	vbroadcast v2, $0x8;
	v13 =	vld [tilespmem:s28+$0x10]  }
0x103: {  	v4 =	vsel vm1, v4, v7;
	v3 =	vsel vm0, v5, v3;
	v5 =	vbroadcast v1, $0x8;
	v7 =	vld [tilespmem:s28+$0x20]  }
0x104: {  	[tilespmem:s28+$0xFFFFFFD0] =	vst v4;
	v3 =	vsel vm1, v3, v10;
	v4 =	vsel vm0, v8, v6;
	v6 =	vmul.f32 v12, v9;
	v8 =	vld [tilespmem:s28+$0x40]  }
0x105: {  	v10 =	vbroadcast v1, $0x9;
	[tilespmem:s28+$0xFFFFFFE0] =	vst v3;
	v3 =	vsel vm1, v4, v11;
	v4 =	vbroadcast v2, $0x9  }
0x106: {  	[tilespmem:s28+$0xFFFFFFF0] =	vst v3;
	v3 =	vsel vm0, v9, v6;
	v6 =	vbroadcast v2, $0xA;
	v9 =	vbroadcast v1, $0xA;
	v11 =	vld [tilespmem:s28+$0x50]  }
0x107: {  	v12 =	vbroadcast v2, $0xC;
	v3 =	vsel vm1, v3, v5;
	v5 =	vmul.f32 v13, v4  }
0x108: {  	[tilespmem:s28+$0x0] =	vst v3;
	v3 =	vmul.f32 v7, v6;
	v6 =	vbroadcast v1, $0xC  }
0x109: {  	v7 =	vbroadcast v2, $0xD;
	v4 =	vsel vm0, v4, v5;
	v5 =	vmul.f32 v8, v12;
	v8 =	vld [tilespmem:s28+$0x60]  }
0x10a: {  	v4 =	vsel vm1, v4, v10;
	v3 =	vsel vm2, v3, v2;
	v10 =	vbroadcast v1, $0xD;
	v13 =	vld [tilespmem:s28+$0x70]  }
0x10b: {  	v14 =	vld [tilespmem:s28+$0xFFFFFF80];
	[tilespmem:s28+$0x10] =	vst v4;
	v3 =	vsel vm1, v3, v9;
	v4 =	vsel vm0, v12, v5;
	v5 =	vmul.f32 v11, v7  }
0x10c: {  	[tilespmem:s28+$0x20] =	vst v3;
	v3 =	vsel vm1, v4, v6;
	v4 =	vbroadcast v2, $0xE;
	v6 =	vbroadcast v1, $0xE  }
0x10d: {  	v9 =	vld [tilespmem:s28+$0x30];
	[tilespmem:s28+$0x40] =	vst v3;
	v3 =	vsel vm0, v7, v5;
	v5 =	vbroadcast v2, $0xF;
	v7 =	vbroadcast v1, $0xF  }
0x10e: {  	v11 =	vbroadcast v2, $0x0;
	v3 =	vsel vm1, v3, v10;
	v8 =	vmul.f32 v8, v4  }
0x10f: {  	v10 =	vbroadcast v1, $0x0;
	[tilespmem:s28+$0x50] =	vst v3;
	v3 =	vmul.f32 v13, v5  }
0x110: {  	v2 =	vbroadcast v2, $0xB;
	v12 =	vmul.f32 v14, v11;
	v4 =	vsel vm0, v4, v8  }
0x111: {  	v4 =	vsel vm1, v4, v6;
	v3 =	vsel vm0, v5, v3  }
.Ltmp1:
0x112: {  	v5 =	vsel vm0, v11, v12;
	v6 =	vmul.f32 v9, v2;
	[tilespmem:s28+$0x60] =	vst v4;
	v3 =	vsel vm1, v3, v7;
	(pc) =	sbr.rel @p1 .LBB2_5-.Ltmp1, $4  }
0x113: {  	v4 =	vsel vm1, v5, v10;
	[tilespmem:s28+$0x70] =	vst v3  }
0x114: {  	[tilespmem:s28+$0xFFFFFF80] =	vst v4;
	v2 =	vsel vm0, v2, v6  }
0x115: {  	v1 =	vsel vm1, v2, v1  }
0x116: {  	s30 =	sshra.s32 s29, $0x2;
	s29 =	sadd.s32 $0x40, s29;
	[tilespmem:s28+$0x30] =	vst v1  }
0x117: {  	v1 =	vld [tilespmem:s30+$0x14308];
	_ =	sdelay $0x1  }
0x118: {  	v4 =	vld [tilespmem:s30+$0x14388];
	_ =	sdelay $0x2  }
0x119: {  	v6 =	vbroadcast v1, $0x1;
	v7 =	vbroadcast v1, $0x2  }
0x11a: {  	v9 =	vbroadcast v1, $0x3;
	v10 =	vbroadcast v1, $0x4  }
0x11b: {  	v11 =	vbroadcast v4, $0x1;
	v12 =	vbroadcast v4, $0x2  }
0x11c: {  	v26 =	vbroadcast v4, $0x3;
	v27 =	vbroadcast v4, $0x4  }
0x11d: {  	v14 =	vbroadcast v1, $0x5;
	v29 =	vbroadcast v4, $0x5  }
0x11e: {  	s28 =	sadd.s32 $0x100, s28;
	v15 =	vbroadcast v1, $0x6;
	v30 =	vbroadcast v4, $0x6  }
0x11f: {  	v2 =	vld [tilespmem:s28+$0xFFFFFFA0];
	v31 =	vbroadcast v1, $0x7;
	v32 =	vbroadcast v4, $0x7  }
0x120: {  	v3 =	vld [tilespmem:s28+$0xFFFFFF90];
	v17 =	vbroadcast v1, $0x8;
	v35 =	vbroadcast v4, $0x8  }
0x121: {  	v5 =	vld [tilespmem:s28+$0xFFFFFFB0];
	v39 =	vbroadcast v1, $0x9;
	v40 =	vbroadcast v4, $0x9  }
0x122: {  	v8 =	vld [tilespmem:s28+$0xFFFFFFC0];
	v41 =	vbroadcast v1, $0xA;
	v42 =	vbroadcast v4, $0xA  }
0x123: {  	v13 =	vld [tilespmem:s28+$0xFFFFFFD0];
	v43 =	vbroadcast v1, $0xC;
	v44 =	vbroadcast v4, $0xC  }
0x124: {  	v16 =	vld [tilespmem:s28+$0x0];
	v46 =	vbroadcast v1, $0xD;
	v50 =	vbroadcast v4, $0xD  }
0x125: {  	v38 =	vld [tilespmem:s28+$0x40];
	v53 =	vbroadcast v1, $0xE;
	v54 =	vbroadcast v4, $0xE  }
0x126: {  	v18 =	vld [tilespmem:s28+$0x50];
	v56 =	vbroadcast v4, $0xF;
	v58 =	vbroadcast v1, $0x0  }
0x127: {  	v25 =	vld [tilespmem:s28+$0xFFFFFFE0];
	v3 =	vmul.f32 v3, v6;
	v2 =	vmul.f32 v2, v7  }
0x128: {  	v47 =	vld [tilespmem:s28+$0x60];
	v5 =	vmul.f32 v5, v9;
	v8 =	vmul.f32 v8, v10  }
0x129: {  	v33 =	vld [tilespmem:s28+$0x10];
	v13 =	vmul.f32 v13, v14;
	v37 =	vmul.f32 v16, v17;
	v2 =	vsel vm0, v7, v2  }
0x12a: {  	v28 =	vld [tilespmem:s28+$0xFFFFFFF0];
	v48 =	vmul.f32 v38, v43;
	v3 =	vsel vm0, v6, v3;
	v2 =	vsel vm1, v2, v12  }
0x12b: {  	v34 =	vld [tilespmem:s28+$0x20];
	v52 =	vmul.f32 v18, v46;
	v5 =	vsel vm0, v9, v5;
	v3 =	vsel vm1, v3, v11;
	[tilespmem:s28+$0xFFFFFFA0] =	vst v2  }
0x12c: {  	v8 =	vsel vm0, v10, v8;
	v6 =	vmul.f32 v25, v15;
	v5 =	vsel vm1, v5, v26;
	[tilespmem:s28+$0xFFFFFF90] =	vst v3  }
0x12d: {  	v59 =	vmul.f32 v47, v53;
	v13 =	vsel vm0, v14, v13;
	v8 =	vsel vm1, v8, v27;
	[tilespmem:s28+$0xFFFFFFB0] =	vst v5  }
0x12e: {  	v14 =	vmul.f32 v33, v39;
	v9 =	vsel vm1, v13, v29;
	v6 =	vsel vm0, v15, v6;
	[tilespmem:s28+$0xFFFFFFC0] =	vst v8  }
0x12f: {  	v49 =	vld [tilespmem:s28+$0x70];
	v12 =	vmul.f32 v28, v31;
	v3 =	vsel vm0, v17, v37;
	[tilespmem:s28+$0xFFFFFFD0] =	vst v9;
	v6 =	vsel vm1, v6, v30  }
0x130: {  	v51 =	vld [tilespmem:s28+$0xFFFFFF80];
	v11 =	vmul.f32 v34, v41;
	v45 =	vsel vm0, v39, v14;
	v3 =	vsel vm1, v3, v35;
	[tilespmem:s28+$0xFFFFFFE0] =	vst v6  }
0x131: {  	v55 =	vld [tilespmem:s28+$0x30];
	v5 =	vsel vm0, v53, v59;
	v36 =	vsel vm0, v31, v12;
	v7 =	vsel vm1, v45, v40;
	[tilespmem:s28+$0x0] =	vst v3  }
0x132: {  	v11 =	vsel vm2, v11, v1;
	v5 =	vsel vm1, v5, v54;
	v3 =	vbroadcast v1, $0xF;
	[tilespmem:s28+$0x10] =	vst v7  }
0x133: {  	v57 =	vsel vm0, v46, v52;
	v2 =	vsel vm1, v36, v32;
	v10 =	vsel vm1, v11, v42;
	[tilespmem:s28+$0x60] =	vst v5  }
0x134: {  	v1 =	vbroadcast v1, $0xB;
	[tilespmem:s28+$0xFFFFFFF0] =	vst v2;
	v2 =	vsel vm0, v43, v48;
	v60 =	vmul.f32 v49, v3  }
0x135: {  	v61 =	vmul.f32 v51, v58;
	v6 =	vsel vm1, v57, v50;
	[tilespmem:s28+$0x20] =	vst v10;
	v2 =	vsel vm1, v2, v44  }
0x136: {  	v62 =	vmul.f32 v55, v1;
	[tilespmem:s28+$0x40] =	vst v2;
	v2 =	vbroadcast v4, $0x0;
	v3 =	vsel vm0, v3, v60  }
0x137: {  	v63 =	vsel vm0, v58, v61;
	[tilespmem:s28+$0x50] =	vst v6;
	v3 =	vsel vm1, v3, v56  }
0x138: {  	s26 =	sadd.s32 $0x1, s26;
	v1 =	vsel vm0, v1, v62;
	v2 =	vsel vm1, v63, v2;
	[tilespmem:s28+$0x70] =	vst v3  }
0x139: {  	p1 =	sne.s32 s26, $0x4F;
	v1 =	vsel vm1, v1, v4;
	[tilespmem:s28+$0xFFFFFF80] =	vst v2  }
.Ltmp2:
0x13a: {  	[tilespmem:s28+$0x30] =	vst v1;
	(pc) =	sbr.rel @p1 .LBB2_4-.Ltmp2, $4  }
0x13b: {  	[spmem:s2] =	stream.indirect.scatter.add.f32 [tilespmem:s21], [sflag:$0x2], $0x10, s22, s17, $0xb8;
	[tilespmem:$0x19C08] =	vst v63  }
0x13c: {  	_ =	swait.ge [sflag:s15], $0x800  }
0x13d: {  	[sflag:s15] =	ssyncset.done $0x0  }
0x13e: {  	[sflag:s15] =	ssyncadd.s32 $0xFFFFF800  }
0x13f: {  	[bflag:$0x0] =	sbarrier.arrive $0xFFFF;
	s25 =	simm.s32 @!p0 $0x1C02;
	s24 =	sadd.s32 $0x1, s24  }
0x140: {  	[hbm:s10], [sflag:s25] =	dma.local @!p0 [spmem:s23], $0x5000  }
0x141: {  	p1 =	sne.s32 s24, s11  }
.Ltmp3:
0x142: {  	_ = 	snop;
	(pc) =	sbr.rel @p1 .LBB2_1-.Ltmp3, $4  }
0x143: {  	s25 =	simm.s32 @!p0 $0x2  }
0x144: {  	_ =	swait.ge @!p0 [sflag:s25], $0x5000  }
0x145: {  	[sflag:s25] =	ssyncset.done @!p0 $0x0  }
0x146: {  	[sflag:s25] =	ssyncadd.s32 @!p0 $0xFFFFB000  }
0x147: {  	_ =	sfence.sel $0x180000  }
0x148: {  	[bflag:$0x0] =	sbarrier.arrive $0xFFFF  }
0x149: {  	_ =	strace $0x90000047  }
0x14a: {  	s0 =	sadd.s32 @!p0 $0x100000, s0;
	[bflag:$0x2] =	sbarrier.arrive $0xFFFF  }
0x14b: {  	[sflag:s0] =	ssyncadd.tile.s32 @!p0 $0x1;
	_ =	shalt  }
.Lfunc_end2:
_tile_overlayer_lowered:
.L_overlay_start_2:
0x14c: {  	(tag) =	ssettag $0x2  }
0x14d: {  	s0 =	rddreg [dreg:$0x0];
	s2 =	stileid.u32  }
0x14e: {  	s1 =	rddreg [dreg:$0x1];
	p0 =	sne.s32 s2, $0x0  }
0x14f: {  	s3 =	rddreg [dreg:$0x2];
	[bflag:$0x3] =	sbarrier.arrive $0xFFFF;
	s2 =	simm.s32 @!p0 $0x1C02  }
0x150: {  	[timem:s3], [sflag:s2] =	dma.local @!p0 [hbm:s0], s1  }
0x151: {  	s0 =	simm.s32 @!p0 $0x2  }
0x152: {  	_ =	swait.ge @!p0 [sflag:s0], s1  }
0x153: {  	s1 =	ssub.s32 @!p0 $0x0, s1;
	[sflag:s0] =	ssyncset.done @!p0 $0x0  }
0x154: {  	[sflag:s0] =	ssyncadd.s32 @!p0 s1  }
0x155: {  	[bflag:$0x3] =	sbarrier.arrive $0xFFFF  }
0x156: {  	_ =	shalt  }

</sc_bundles>
